<compile_context>
chip_gen: v7x
topology: tpu7x:2x2x1
jax: 0.10.2.dev20260603
libtpu: 0.0.44.dev20260713+nightly
codegen_flags: <defaults>
</compile_context>

<pallas_src>
import functools

import jax
import jax.numpy as jnp
from jax import lax
from jax.experimental import pallas as pl
from jax.experimental.pallas import tpu as pltpu
from jax.experimental.pallas import tpu_sc as plsc

N_NODES = 10000
N_EDGES = 320000
D = 128
NCLS = 16

NW = 32
EPW = N_EDGES // NW
CH = 80
NCH = EPW // CH
NG = 5
IB = NCH // NG
NPAD = 10240
RPT = NPAD // 16

RB = 1000
_EPS = 1e-5


def _ln(y, s, b):
    mu = jnp.mean(y, axis=-1, keepdims=True)
    yc = y - mu
    var = jnp.mean(yc * yc, axis=-1, keepdims=True)
    return yc / jnp.sqrt(var + _EPS) * s + b



def _proj_body(h_ref, pw0_ref, pb0_ref, ps0_ref, pB0_ref,
               pw1_ref, pb1_ref, ps1_ref, pB1_ref, x_ref):
    hb = h_ref[...]
    y0 = jnp.dot(hb[:, :64], pw0_ref[...], preferred_element_type=jnp.float32) + pb0_ref[...]
    y1 = jnp.dot(hb[:, 64:], pw1_ref[...], preferred_element_type=jnp.float32) + pb1_ref[...]
    y0 = jnp.maximum(_ln(y0, ps0_ref[...], pB0_ref[...]), 0.0)
    y1 = jnp.maximum(_ln(y1, ps1_ref[...], pB1_ref[...]), 0.0)
    x_ref[...] = jnp.concatenate([y0, y1], axis=1)


def _projector(h, pw0, pb0, ps0, pB0, pw1, pb1, ps1, pB1):
    full64 = pl.BlockSpec((64, 64), lambda i: (0, 0))
    vec64 = pl.BlockSpec((1, 64), lambda i: (0, 0))
    return pl.pallas_call(
        _proj_body,
        grid=(N_NODES // RB,),
        in_specs=[pl.BlockSpec((RB, D), lambda i: (i, 0)),
                  full64, vec64, vec64, vec64,
                  full64, vec64, vec64, vec64],
        out_specs=pl.BlockSpec((RB, D), lambda i: (i, 0)),
        out_shape=jax.ShapeDtypeStruct((N_NODES, D), jnp.float32),
    )(h, pw0,
      pb0.reshape(1, 64), ps0.reshape(1, 64), pB0.reshape(1, 64),
      pw1,
      pb1.reshape(1, 64), ps1.reshape(1, 64), pB1.reshape(1, 64))



def _msgpass(x, src3, dst3, zrows, zdeg, with_deg):
    mesh = plsc.VectorSubcoreMesh(core_axis_name="c", subcore_axis_name="s")

    ah_t = jax.ShapeDtypeStruct((NPAD, D), jnp.float32)
    dg_t = jax.ShapeDtypeStruct((NPAD,), jnp.float32)
    out_type = (ah_t, ah_t, dg_t, dg_t) if with_deg else (ah_t, ah_t)

    @functools.partial(
        pl.kernel,
        mesh=mesh,
        out_type=out_type,
        scratch_types=[
            pltpu.VMEM((IB, CH), jnp.int32),
            pltpu.VMEM((IB, CH), jnp.int32),
            pltpu.VMEM((CH, D), jnp.float32),
            pltpu.VMEM((CH, D), jnp.float32),
            pltpu.VMEM((CH, D), jnp.float32),
            pltpu.VMEM((CH,), jnp.float32),
            pltpu.VMEM_SHARED((NPAD, D), jnp.float32),
            pltpu.VMEM_SHARED((NPAD,), jnp.float32),
            pltpu.SemaphoreType.DMA,
            pltpu.SemaphoreType.DMA,
            pltpu.SemaphoreType.DMA,
            pltpu.SemaphoreType.DMA,
        ],
    )
    def k(x_hbm, src_hbm, dst_hbm, zr_hbm, zd_hbm, *rest):
        if with_deg:
            (ah0_out, ah1_out, dg0_out, dg1_out,
             srcb, dstb, rows0, rows1, rows2, ones, acc, dacc,
             gs0, gs1, gs2, dsem) = rest
        else:
            (ah0_out, ah1_out,
             srcb, dstb, rows0, rows1, rows2, ones, acc, dacc,
             gs0, gs1, gs2, dsem) = rest
        c = lax.axis_index("c")
        s = lax.axis_index("s")
        wid = s * 2 + c
        r0 = pl.multiple_of(s * RPT, RPT)
        pltpu.sync_copy(zr_hbm.at[pl.ds(r0, RPT)], acc.at[pl.ds(r0, RPT)])
        if with_deg:
            pltpu.sync_copy(zd_hbm.at[pl.ds(r0, RPT)], dacc.at[pl.ds(r0, RPT)])
        if with_deg:
            for j in range(CH // 16):
                ones[pl.ds(j * 16, 16)] = jnp.full((16,), 1.0, jnp.float32)
        plsc.subcore_barrier()

        def start_g(j, rows, sem):
            pltpu.async_copy(x_hbm.at[srcb.at[j]], rows, sem)

        def wait_g(rows, sem):
            pltpu.make_async_copy(x_hbm.at[srcb.at[0]], rows, sem).wait()

        def wait_d(j, carry):
            pltpu.make_async_copy(ones, dacc.at[dstb.at[0]], dsem).wait()
            return carry

        def scat(j, rows):
            pltpu.sync_copy(rows, acc.at[dstb.at[j]], add=True)
            if with_deg:
                pltpu.async_copy(ones, dacc.at[dstb.at[j]], dsem, add=True)

        def group(g, carry):
            pltpu.sync_copy(src_hbm.at[wid, g], srcb)
            pltpu.sync_copy(dst_hbm.at[wid, g], dstb)
            start_g(0, rows0, gs0)
            start_g(1, rows1, gs1)

            def body(i, carry2):
                j = i * 3
                start_g(j + 2, rows2, gs2)
                wait_g(rows0, gs0)
                scat(j, rows0)
                start_g(j + 3, rows0, gs0)
                wait_g(rows1, gs1)
                scat(j + 1, rows1)
                start_g(j + 4, rows1, gs1)
                wait_g(rows2, gs2)
                scat(j + 2, rows2)
                return carry2

            lax.fori_loop(0, (IB - 4) // 3, body, 0)
            j = IB - 4
            start_g(j + 2, rows2, gs2)
            wait_g(rows0, gs0)
            scat(j, rows0)
            start_g(j + 3, rows0, gs0)
            wait_g(rows1, gs1)
            scat(j + 1, rows1)
            wait_g(rows2, gs2)
            scat(j + 2, rows2)
            wait_g(rows0, gs0)
            scat(j + 3, rows0)
            if with_deg:
                lax.fori_loop(0, IB, wait_d, 0)
            return carry

        lax.fori_loop(0, NG, group, 0)
        plsc.subcore_barrier()

        @pl.when(c == 0)
        def _():
            pltpu.sync_copy(acc.at[pl.ds(r0, RPT)], ah0_out.at[pl.ds(r0, RPT)])
            if with_deg:
                pltpu.sync_copy(dacc.at[pl.ds(r0, RPT)], dg0_out.at[pl.ds(r0, RPT)])

        @pl.when(c == 1)
        def _():
            pltpu.sync_copy(acc.at[pl.ds(r0, RPT)], ah1_out.at[pl.ds(r0, RPT)])
            if with_deg:
                pltpu.sync_copy(dacc.at[pl.ds(r0, RPT)], dg1_out.at[pl.ds(r0, RPT)])

    return k(x, src3, dst3, zrows, zdeg)



def _sage_body(use_ln, use_act,
               x_ref, ah0_ref, ah1_ref, dg0_ref, dg1_ref,
               w_ref, b_ref, s_ref, bb_ref, out_ref):
    xb = x_ref[...]
    ah = ah0_ref[...] + ah1_ref[...]
    d = dg0_ref[...][:, 0] + dg1_ref[...][:, 0]
    norm = jnp.where(d > 0, 1.0 / d, 0.0)[:, None]
    m = ah * norm
    out = (jnp.dot(xb, w_ref[0], preferred_element_type=jnp.float32)
           + jnp.dot(m, w_ref[1], preferred_element_type=jnp.float32)
           + b_ref[...])
    if use_ln:
        out = _ln(out, s_ref[...], bb_ref[...])
    if use_act:
        out = jnp.maximum(out, 0.0)
    out_ref[...] = out


def _sage_dense(x, ah0, ah1, dg0, dg1, W, b, s, bb, n_out, use_ln, use_act):
    vec = pl.BlockSpec((1, n_out), lambda i: (0, 0))
    pad_rows = pl.BlockSpec((RB, D), lambda i: (i, 0))
    pad_deg = pl.BlockSpec((RB, 1), lambda i: (i, 0))
    return pl.pallas_call(
        functools.partial(_sage_body, use_ln, use_act),
        grid=(N_NODES // RB,),
        in_specs=[pl.BlockSpec((RB, D), lambda i: (i, 0)),
                  pad_rows, pad_rows, pad_deg, pad_deg,
                  pl.BlockSpec((2, D, n_out), lambda i: (0, 0, 0)),
                  vec, vec, vec],
        out_specs=pl.BlockSpec((RB, n_out), lambda i: (i, 0)),
        out_shape=jax.ShapeDtypeStruct((N_NODES, n_out), jnp.float32),
    )(x, ah0, ah1, dg0.reshape(NPAD, 1), dg1.reshape(NPAD, 1),
      W.reshape(2, D, n_out),
      b.reshape(1, n_out), s.reshape(1, n_out), bb.reshape(1, n_out))


def kernel(h, edge_index, pW0, pb0, ps0, pB0, pW1, pb1, ps1, pB1,
           W0, b0, s0, B0, W1, b1):
    ei = edge_index.astype(jnp.int32)
    src3 = ei[0].reshape(NW, NG, IB, CH)
    dst3 = ei[1].reshape(NW, NG, IB, CH)
    zrows = jnp.zeros((NPAD, D), jnp.float32)
    zdeg = jnp.zeros((NPAD,), jnp.float32)

    x = _projector(h, pW0, pb0, ps0, pB0, pW1, pb1, ps1, pB1)
    ah0, ah1, dg0, dg1 = _msgpass(x, src3, dst3, zrows, zdeg, True)
    x1 = _sage_dense(x, ah0, ah1, dg0, dg1, W0, b0, s0, B0, D, True, True)
    ah0b, ah1b, _, _ = _msgpass(x1, src3, dst3, zrows, zdeg, True)
    out = _sage_dense(x1, ah0b, ah1b, dg0, dg1, W1, b1, b1, b1,
                      NCLS, False, False)
    return out

# --- scband reference (transcript-rebuilt; emitter-appended) ---
"""Pipeline reference for scband-node-classifier-3736621547940 (READ-ONLY COPY).

The authoritative reference and input builder live on the scoring server;
editing this copy changes nothing except your own understanding.
"""

import jax, jax.numpy as jnp
import numpy as np

N_NODES = 10000
N_EDGES = 320000
D_IN = 128
CHUNK = 64
OUT_CHUNK = 64
N_HIDDEN = 128
N_CLASSES = 16


def _layernorm(x, scale, bias, eps=1e-5):
    mu = jnp.mean(x, axis=-1, keepdims=True)
    var = jnp.var(x, axis=-1, keepdims=True)
    return (x - mu) / jnp.sqrt(var + eps) * scale + bias


def setup_inputs(seed: int = 0):
    key = jax.random.key(seed)
    ks = jax.random.split(key, 8)
    inp = {}
    inp['h'] = jax.random.normal(ks[0], (N_NODES, D_IN), dtype=jnp.float32)
    inp['edge_index'] = jax.random.randint(ks[1], (2, N_EDGES), 0, N_NODES)
    # InputProjector params: one (Linear + LayerNorm) per input chunk
    inp['pW0'] = jax.random.normal(ks[2], (CHUNK, OUT_CHUNK), dtype=jnp.float32) * 0.05
    inp['pb0'] = jnp.zeros((OUT_CHUNK,), dtype=jnp.float32)
    inp['ps0'] = jnp.ones((OUT_CHUNK,), dtype=jnp.float32)
    inp['pB0'] = jnp.zeros((OUT_CHUNK,), dtype=jnp.float32)
    inp['pW1'] = jax.random.normal(ks[3], (CHUNK, OUT_CHUNK), dtype=jnp.float32) * 0.05
    inp['pb1'] = jnp.zeros((OUT_CHUNK,), dtype=jnp.float32)
    inp['ps1'] = jnp.ones((OUT_CHUNK,), dtype=jnp.float32)
    inp['pB1'] = jnp.zeros((OUT_CHUNK,), dtype=jnp.float32)
    # GcnSAGELayer 0 (hidden -> hidden, LayerNorm + ReLU); linear takes concat(h, ah*norm)
    inp['W0'] = jax.random.normal(ks[4], (2 * N_HIDDEN, N_HIDDEN), dtype=jnp.float32) * 0.05
    inp['b0'] = jnp.zeros((N_HIDDEN,), dtype=jnp.float32)
    inp['s0'] = jnp.ones((N_HIDDEN,), dtype=jnp.float32)
    inp['B0'] = jnp.zeros((N_HIDDEN,), dtype=jnp.float32)
    # GcnSAGELayer 1 (hidden -> n_classes, no norm / no activation)
    inp['W1'] = jax.random.normal(ks[5], (2 * N_HIDDEN, N_CLASSES), dtype=jnp.float32) * 0.05
    inp['b1'] = jnp.zeros((N_CLASSES,), dtype=jnp.float32)
    return inp


def _projector(h, pW0, pb0, ps0, pB0, pW1, pb1, ps1, pB1):
    c0 = h[:, :CHUNK]
    c1 = h[:, CHUNK:CHUNK + CHUNK]
    y0 = jax.nn.relu(_layernorm(c0 @ pW0 + pb0, ps0, pB0))
    y1 = jax.nn.relu(_layernorm(c1 @ pW1 + pb1, ps1, pB1))
    return jnp.concatenate([y0, y1], axis=1)


def _sage_layer(h, src, dst, W, b, ln_s, ln_b, use_ln, use_act):
    n = h.shape[0]
    # message passing: sum of source features into destination nodes (scatter-add)
    ah = jax.ops.segment_sum(h[src], dst, num_segments=n)
    deg = jax.ops.segment_sum(jnp.ones((src.shape[0],), dtype=h.dtype), dst, num_segments=n)
    norm = jnp.where(deg > 0, 1.0 / deg, 0.0)[:, None]
    hcat = jnp.concatenate([h, ah * norm], axis=1)
    out = hcat @ W + b
    if use_ln:
        out = _layernorm(out, ln_s, ln_b)
    if use_act:
        out = jax.nn.relu(out)
    return out


def reference(h, edge_index, pW0, pb0, ps0, pB0, pW1, pb1, ps1, pB1, W0, b0, s0, B0, W1, b1):
    src = edge_index[0]
    dst = edge_index[1]
    x = _projector(h, pW0, pb0, ps0, pB0, pW1, pb1, ps1, pB1)
    x = _sage_layer(x, src, dst, W0, b0, s0, B0, True, True)
    x = _sage_layer(x, src, dst, W1, b1, None, None, False, False)
    return x

if __name__ == "__main__":
    import jax
    _d = setup_inputs()
    print(jax.jit(kernel)(*tuple(_d.values())))

</pallas_src>

<mosaic_0001>
#map = affine_map<(d0, d1) -> (0, 0)>
#map1 = affine_map<(d0, d1) -> (0, 0, 0, 0)>
#map2 = affine_map<(d0, d1) -> (0)>
module attributes {stable_mosaic.version = 14 : i64} {
  func.func @k(%arg0: i32, %arg1: i32, %arg2: memref<10000x128xf32, #tpu.memory_space<hbm>>, %arg3: memref<32x5x25x80xi32, #tpu.memory_space<hbm>>, %arg4: memref<32x5x25x80xi32, #tpu.memory_space<hbm>>, %arg5: memref<10240x128xf32, #tpu.memory_space<hbm>>, %arg6: memref<10240xf32, #tpu.memory_space<hbm>>, %arg7: memref<10240x128xf32, #tpu.memory_space<hbm>>, %arg8: memref<10240x128xf32, #tpu.memory_space<hbm>>, %arg9: memref<10240xf32, #tpu.memory_space<hbm>>, %arg10: memref<10240xf32, #tpu.memory_space<hbm>>, %arg11: memref<25x80xi32, #tpu.memory_space<vmem>>, %arg12: memref<25x80xi32, #tpu.memory_space<vmem>>, %arg13: memref<80x128xf32, #tpu.memory_space<vmem>>, %arg14: memref<80x128xf32, #tpu.memory_space<vmem>>, %arg15: memref<80x128xf32, #tpu.memory_space<vmem>>, %arg16: memref<80xf32, #tpu.memory_space<vmem>>, %arg17: memref<10240x128xf32, #tpu.memory_space<vmem_shared>>, %arg18: memref<10240xf32, #tpu.memory_space<vmem_shared>>, %arg19: memref<!tpu.dma_semaphore, #tpu.memory_space<semaphore_mem>>, %arg20: memref<!tpu.dma_semaphore, #tpu.memory_space<semaphore_mem>>, %arg21: memref<!tpu.dma_semaphore, #tpu.memory_space<semaphore_mem>>, %arg22: memref<!tpu.dma_semaphore, #tpu.memory_space<semaphore_mem>>) attributes {dimension_semantics = [#tpu.dimension_semantics<core_parallel>, #tpu.dimension_semantics<subcore_parallel>], iteration_bounds = array<i64: 2, 16>, scalar_prefetch = 0 : i64, scratch_operands = 12 : i64, tpu.core_type = #tpu.core_type<sc_vector_subcore>, window_params = [{transform_indices = #map}, {transform_indices = #map1}, {transform_indices = #map1}, {transform_indices = #map}, {transform_indices = #map2}, {transform_indices = #map}, {transform_indices = #map}, {transform_indices = #map2}, {transform_indices = #map2}]} {
    %mul3A = arith.constant 2 : i32
    %mul3A_0 = arith.muli %arg1, %mul3A : i32
    %add3A = arith.addi %mul3A_0, %arg0 : i32
    %mul3A_1 = arith.constant 640 : i32
    %mul3A_2 = arith.muli %arg1, %mul3A_1 : i32
    %multiple_of3A = tpu.assume_multiple %mul3A_2, 640 : i32
    "tpu.region"() ({
      %run_scoped3A = tpu.sem_alloc : memref<!tpu.dma_semaphore, #tpu.memory_space<semaphore_mem>>
      %dma_start3A = arith.constant 0 : i32
      %dma_start3A_44 = tpu.memref_slice %arg17[%multiple_of3A, %dma_start3A] : memref<10240x128xf32, #tpu.memory_space<vmem_shared>> -> memref<640x128xf32, #tpu.memory_space<vmem_shared>>
      %dma_start3A_45 = arith.constant 0 : i32
      %dma_start3A_46 = tpu.memref_slice %arg5[%multiple_of3A, %dma_start3A_45] : memref<10240x128xf32, #tpu.memory_space<hbm>> -> memref<640x128xf32, #tpu.memory_space<hbm>>
      tpu.enqueue_dma source(%dma_start3A_46 : memref<640x128xf32, #tpu.memory_space<hbm>>) target(%dma_start3A_44 : memref<640x128xf32, #tpu.memory_space<vmem_shared>>) target_semaphore(%run_scoped3A : memref<!tpu.dma_semaphore, #tpu.memory_space<semaphore_mem>>)
      %dma_wait3A = arith.constant 0 : i32
      %dma_wait3A_47 = tpu.memref_slice %arg17[%multiple_of3A, %dma_wait3A] : memref<10240x128xf32, #tpu.memory_space<vmem_shared>> -> memref<640x128xf32, #tpu.memory_space<vmem_shared>>
      %dma_wait3A_48 = arith.constant 0 : i32
      %dma_wait3A_49 = tpu.memref_slice %arg5[%multiple_of3A, %dma_wait3A_48] : memref<10240x128xf32, #tpu.memory_space<hbm>> -> memref<640x128xf32, #tpu.memory_space<hbm>>
      tpu.wait_dma2 semaphore(%run_scoped3A : memref<!tpu.dma_semaphore, #tpu.memory_space<semaphore_mem>>) src(%dma_wait3A_49 : memref<640x128xf32, #tpu.memory_space<hbm>>) dst(%dma_wait3A_47 : memref<640x128xf32, #tpu.memory_space<vmem_shared>>)
      tpu.yield
    }) : () -> ()
    "tpu.region"() ({
      %run_scoped3A = tpu.sem_alloc : memref<!tpu.dma_semaphore, #tpu.memory_space<semaphore_mem>>
      %dma_start3A = tpu.memref_slice %arg18[%multiple_of3A] : memref<10240xf32, #tpu.memory_space<vmem_shared>> -> memref<640xf32, #tpu.memory_space<vmem_shared>>
      %dma_start3A_44 = tpu.memref_slice %arg6[%multiple_of3A] : memref<10240xf32, #tpu.memory_space<hbm>> -> memref<640xf32, #tpu.memory_space<hbm>>
      tpu.enqueue_dma source(%dma_start3A_44 : memref<640xf32, #tpu.memory_space<hbm>>) target(%dma_start3A : memref<640xf32, #tpu.memory_space<vmem_shared>>) target_semaphore(%run_scoped3A : memref<!tpu.dma_semaphore, #tpu.memory_space<semaphore_mem>>)
      %dma_wait3A = tpu.memref_slice %arg18[%multiple_of3A] : memref<10240xf32, #tpu.memory_space<vmem_shared>> -> memref<640xf32, #tpu.memory_space<vmem_shared>>
      %dma_wait3A_45 = tpu.memref_slice %arg6[%multiple_of3A] : memref<10240xf32, #tpu.memory_space<hbm>> -> memref<640xf32, #tpu.memory_space<hbm>>
      tpu.wait_dma2 semaphore(%run_scoped3A : memref<!tpu.dma_semaphore, #tpu.memory_space<semaphore_mem>>) src(%dma_wait3A_45 : memref<640xf32, #tpu.memory_space<hbm>>) dst(%dma_wait3A : memref<640xf32, #tpu.memory_space<vmem_shared>>)
      tpu.yield
    }) : () -> ()
    %broadcast_in_dim3A = arith.constant 1.000000e+00 : f32
    %broadcast_in_dim3A_3 = vector.broadcast %broadcast_in_dim3A : f32 to vector<16xf32>
    %swap3A = arith.constant 0 : index
    %swap3A_4 = tpu.vector_load %arg16[%swap3A] {strides = array<i32>} : memref<80xf32, #tpu.memory_space<vmem>>, vector<16xf32>,
    %swap3A_5 = vector.shape_cast %swap3A_4 : vector<16xf32> to vector<16xf32>
    %swap3A_6 = vector.shape_cast %broadcast_in_dim3A_3 : vector<16xf32> to vector<16xf32>
    tpu.vector_store %arg16[%swap3A], %swap3A_6 {strides = array<i32>} : memref<80xf32, #tpu.memory_space<vmem>>, vector<16xf32>,
    %broadcast_in_dim3A_7 = arith.constant 1.000000e+00 : f32
    %broadcast_in_dim3A_8 = vector.broadcast %broadcast_in_dim3A_7 : f32 to vector<16xf32>
    %swap3A_9 = arith.constant 16 : index
    %swap3A_10 = tpu.vector_load %arg16[%swap3A_9] {strides = array<i32>} : memref<80xf32, #tpu.memory_space<vmem>>, vector<16xf32>,
    %swap3A_11 = vector.shape_cast %swap3A_10 : vector<16xf32> to vector<16xf32>
    %swap3A_12 = vector.shape_cast %broadcast_in_dim3A_8 : vector<16xf32> to vector<16xf32>
    tpu.vector_store %arg16[%swap3A_9], %swap3A_12 {strides = array<i32>} : memref<80xf32, #tpu.memory_space<vmem>>, vector<16xf32>,
    %broadcast_in_dim3A_13 = arith.constant 1.000000e+00 : f32
    %broadcast_in_dim3A_14 = vector.broadcast %broadcast_in_dim3A_13 : f32 to vector<16xf32>
    %swap3A_15 = arith.constant 32 : index
    %swap3A_16 = tpu.vector_load %arg16[%swap3A_15] {strides = array<i32>} : memref<80xf32, #tpu.memory_space<vmem>>, vector<16xf32>,
    %swap3A_17 = vector.shape_cast %swap3A_16 : vector<16xf32> to vector<16xf32>
    %swap3A_18 = vector.shape_cast %broadcast_in_dim3A_14 : vector<16xf32> to vector<16xf32>
    tpu.vector_store %arg16[%swap3A_15], %swap3A_18 {strides = array<i32>} : memref<80xf32, #tpu.memory_space<vmem>>, vector<16xf32>,
    %broadcast_in_dim3A_19 = arith.constant 1.000000e+00 : f32
    %broadcast_in_dim3A_20 = vector.broadcast %broadcast_in_dim3A_19 : f32 to vector<16xf32>
    %swap3A_21 = arith.constant 48 : index
    %swap3A_22 = tpu.vector_load %arg16[%swap3A_21] {strides = array<i32>} : memref<80xf32, #tpu.memory_space<vmem>>, vector<16xf32>,
    %swap3A_23 = vector.shape_cast %swap3A_22 : vector<16xf32> to vector<16xf32>
    %swap3A_24 = vector.shape_cast %broadcast_in_dim3A_20 : vector<16xf32> to vector<16xf32>
    tpu.vector_store %arg16[%swap3A_21], %swap3A_24 {strides = array<i32>} : memref<80xf32, #tpu.memory_space<vmem>>, vector<16xf32>,
    %broadcast_in_dim3A_25 = arith.constant 1.000000e+00 : f32
    %broadcast_in_dim3A_26 = vector.broadcast %broadcast_in_dim3A_25 : f32 to vector<16xf32>
    %swap3A_27 = arith.constant 64 : index
    %swap3A_28 = tpu.vector_load %arg16[%swap3A_27] {strides = array<i32>} : memref<80xf32, #tpu.memory_space<vmem>>, vector<16xf32>,
    %swap3A_29 = vector.shape_cast %swap3A_28 : vector<16xf32> to vector<16xf32>
    %swap3A_30 = vector.shape_cast %broadcast_in_dim3A_26 : vector<16xf32> to vector<16xf32>
    tpu.vector_store %arg16[%swap3A_27], %swap3A_30 {strides = array<i32>} : memref<80xf32, #tpu.memory_space<vmem>>, vector<16xf32>,
    %barrier3A = arith.constant 0 : index
    tpu.barrier barrier_id(%barrier3A)
    %scan3A = arith.constant 0 : i32
    %scan3A_31 = arith.constant 0 : i32
    %scan3A_32 = arith.constant 5 : i32
    %scan3A_33 = arith.addi %scan3A_31, %scan3A_32 : i32
    %scan3A_34 = arith.constant 1 : i32
    scf.for %scan3A_44 = %scan3A_31 to %scan3A_33 step %scan3A_34  : i32 {
      "tpu.region"() ({
        %run_scoped3A_138 = tpu.sem_alloc : memref<!tpu.dma_semaphore, #tpu.memory_space<semaphore_mem>>
        %dma_start3A_139 = arith.constant 0 : i32
        %dma_start3A_140 = arith.constant 0 : i32
        %dma_start3A_141 = tpu.memref_slice %arg3[%add3A, %scan3A_44, %dma_start3A_139, %dma_start3A_140] : memref<32x5x25x80xi32, #tpu.memory_space<hbm>> -> memref<1x1x25x80xi32, #tpu.memory_space<hbm>>
        %dma_start3A_142 = tpu.memref_squeeze %dma_start3A_141 : memref<1x1x25x80xi32, #tpu.memory_space<hbm>> -> memref<25x80xi32, #tpu.memory_space<hbm>>
        %dma_start3A_143 = arith.constant 0 : i32
        %dma_start3A_144 = arith.constant 0 : i32
        %dma_start3A_145 = tpu.memref_slice %arg3[%add3A, %scan3A_44, %dma_start3A_143, %dma_start3A_144] : memref<32x5x25x80xi32, #tpu.memory_space<hbm>> -> memref<1x1x25x80xi32, #tpu.memory_space<hbm>>
        %dma_start3A_146 = tpu.memref_squeeze %dma_start3A_145 : memref<1x1x25x80xi32, #tpu.memory_space<hbm>> -> memref<25x80xi32, #tpu.memory_space<hbm>>
        tpu.enqueue_dma source(%dma_start3A_146 : memref<25x80xi32, #tpu.memory_space<hbm>>) target(%arg11 : memref<25x80xi32, #tpu.memory_space<vmem>>) target_semaphore(%run_scoped3A_138 : memref<!tpu.dma_semaphore, #tpu.memory_space<semaphore_mem>>)
        %dma_wait3A_147 = arith.constant 0 : i32
        %dma_wait3A_148 = arith.constant 0 : i32
        %dma_wait3A_149 = tpu.memref_slice %arg3[%add3A, %scan3A_44, %dma_wait3A_147, %dma_wait3A_148] : memref<32x5x25x80xi32, #tpu.memory_space<hbm>> -> memref<1x1x25x80xi32, #tpu.memory_space<hbm>>
        %dma_wait3A_150 = tpu.memref_squeeze %dma_wait3A_149 : memref<1x1x25x80xi32, #tpu.memory_space<hbm>> -> memref<25x80xi32, #tpu.memory_space<hbm>>
        %dma_wait3A_151 = arith.constant 0 : i32
        %dma_wait3A_152 = arith.constant 0 : i32
        %dma_wait3A_153 = tpu.memref_slice %arg3[%add3A, %scan3A_44, %dma_wait3A_151, %dma_wait3A_152] : memref<32x5x25x80xi32, #tpu.memory_space<hbm>> -> memref<1x1x25x80xi32, #tpu.memory_space<hbm>>
        %dma_wait3A_154 = tpu.memref_squeeze %dma_wait3A_153 : memref<1x1x25x80xi32, #tpu.memory_space<hbm>> -> memref<25x80xi32, #tpu.memory_space<hbm>>
        tpu.wait_dma2 semaphore(%run_scoped3A_138 : memref<!tpu.dma_semaphore, #tpu.memory_space<semaphore_mem>>) src(%dma_wait3A_154 : memref<25x80xi32, #tpu.memory_space<hbm>>) dst(%arg11 : memref<25x80xi32, #tpu.memory_space<vmem>>)
        tpu.yield
      }) : () -> ()
      "tpu.region"() ({
        %run_scoped3A_138 = tpu.sem_alloc : memref<!tpu.dma_semaphore, #tpu.memory_space<semaphore_mem>>
        %dma_start3A_139 = arith.constant 0 : i32
        %dma_start3A_140 = arith.constant 0 : i32
        %dma_start3A_141 = tpu.memref_slice %arg4[%add3A, %scan3A_44, %dma_start3A_139, %dma_start3A_140] : memref<32x5x25x80xi32, #tpu.memory_space<hbm>> -> memref<1x1x25x80xi32, #tpu.memory_space<hbm>>
        %dma_start3A_142 = tpu.memref_squeeze %dma_start3A_141 : memref<1x1x25x80xi32, #tpu.memory_space<hbm>> -> memref<25x80xi32, #tpu.memory_space<hbm>>
        %dma_start3A_143 = arith.constant 0 : i32
        %dma_start3A_144 = arith.constant 0 : i32
        %dma_start3A_145 = tpu.memref_slice %arg4[%add3A, %scan3A_44, %dma_start3A_143, %dma_start3A_144] : memref<32x5x25x80xi32, #tpu.memory_space<hbm>> -> memref<1x1x25x80xi32, #tpu.memory_space<hbm>>
        %dma_start3A_146 = tpu.memref_squeeze %dma_start3A_145 : memref<1x1x25x80xi32, #tpu.memory_space<hbm>> -> memref<25x80xi32, #tpu.memory_space<hbm>>
        tpu.enqueue_dma source(%dma_start3A_146 : memref<25x80xi32, #tpu.memory_space<hbm>>) target(%arg12 : memref<25x80xi32, #tpu.memory_space<vmem>>) target_semaphore(%run_scoped3A_138 : memref<!tpu.dma_semaphore, #tpu.memory_space<semaphore_mem>>)
        %dma_wait3A_147 = arith.constant 0 : i32
        %dma_wait3A_148 = arith.constant 0 : i32
        %dma_wait3A_149 = tpu.memref_slice %arg4[%add3A, %scan3A_44, %dma_wait3A_147, %dma_wait3A_148] : memref<32x5x25x80xi32, #tpu.memory_space<hbm>> -> memref<1x1x25x80xi32, #tpu.memory_space<hbm>>
        %dma_wait3A_150 = tpu.memref_squeeze %dma_wait3A_149 : memref<1x1x25x80xi32, #tpu.memory_space<hbm>> -> memref<25x80xi32, #tpu.memory_space<hbm>>
        %dma_wait3A_151 = arith.constant 0 : i32
        %dma_wait3A_152 = arith.constant 0 : i32
        %dma_wait3A_153 = tpu.memref_slice %arg4[%add3A, %scan3A_44, %dma_wait3A_151, %dma_wait3A_152] : memref<32x5x25x80xi32, #tpu.memory_space<hbm>> -> memref<1x1x25x80xi32, #tpu.memory_space<hbm>>
        %dma_wait3A_154 = tpu.memref_squeeze %dma_wait3A_153 : memref<1x1x25x80xi32, #tpu.memory_space<hbm>> -> memref<25x80xi32, #tpu.memory_space<hbm>>
        tpu.wait_dma2 semaphore(%run_scoped3A_138 : memref<!tpu.dma_semaphore, #tpu.memory_space<semaphore_mem>>) src(%dma_wait3A_154 : memref<25x80xi32, #tpu.memory_space<hbm>>) dst(%arg12 : memref<25x80xi32, #tpu.memory_space<vmem>>)
        tpu.yield
      }) : () -> ()
      %dma_start3A = arith.constant 0 : i32
      %dma_start3A_45 = arith.constant 0 : i32
      %dma_start3A_46 = tpu.memref_slice %arg11[%dma_start3A, %dma_start3A_45] : memref<25x80xi32, #tpu.memory_space<vmem>> -> memref<1x80xi32, #tpu.memory_space<vmem>>
      %dma_start3A_47 = tpu.memref_squeeze %dma_start3A_46 : memref<1x80xi32, #tpu.memory_space<vmem>> -> memref<80xi32, #tpu.memory_space<vmem>>
      %dma_start3A_48 = arith.constant 0 : i32
      %dma_start3A_49 = arith.constant 0 : i32
      %dma_start3A_50 = tpu.memref_slice %arg2[%dma_start3A_48, %dma_start3A_49] : memref<10000x128xf32, #tpu.memory_space<hbm>> -> memref<10000x128xf32, #tpu.memory_space<hbm>>
      tpu.enqueue_indirect_dma source(%dma_start3A_50 : memref<10000x128xf32, #tpu.memory_space<hbm>>) target(%arg13 : memref<80x128xf32, #tpu.memory_space<vmem>>) offsets(%dma_start3A_47 : memref<80xi32, #tpu.memory_space<vmem>>) semaphore(%arg19 : memref<!tpu.dma_semaphore, #tpu.memory_space<semaphore_mem>>)
      %dma_start3A_51 = arith.constant 1 : i32
      %dma_start3A_52 = arith.constant 0 : i32
      %dma_start3A_53 = tpu.memref_slice %arg11[%dma_start3A_51, %dma_start3A_52] : memref<25x80xi32, #tpu.memory_space<vmem>> -> memref<1x80xi32, #tpu.memory_space<vmem>>
      %dma_start3A_54 = tpu.memref_squeeze %dma_start3A_53 : memref<1x80xi32, #tpu.memory_space<vmem>> -> memref<80xi32, #tpu.memory_space<vmem>>
      %dma_start3A_55 = arith.constant 0 : i32
      %dma_start3A_56 = arith.constant 0 : i32
      %dma_start3A_57 = tpu.memref_slice %arg2[%dma_start3A_55, %dma_start3A_56] : memref<10000x128xf32, #tpu.memory_space<hbm>> -> memref<10000x128xf32, #tpu.memory_space<hbm>>
      tpu.enqueue_indirect_dma source(%dma_start3A_57 : memref<10000x128xf32, #tpu.memory_space<hbm>>) target(%arg14 : memref<80x128xf32, #tpu.memory_space<vmem>>) offsets(%dma_start3A_54 : memref<80xi32, #tpu.memory_space<vmem>>) semaphore(%arg20 : memref<!tpu.dma_semaphore, #tpu.memory_space<semaphore_mem>>)
      %scan3A_58 = arith.constant 0 : i32
      %scan3A_59 = arith.constant 0 : i32
      %scan3A_60 = arith.constant 7 : i32
      %scan3A_61 = arith.addi %scan3A_59, %scan3A_60 : i32
      %scan3A_62 = arith.constant 1 : i32
      scf.for %scan3A_138 = %scan3A_59 to %scan3A_61 step %scan3A_62  : i32 {
        %mul3A_139 = arith.constant 3 : i32
        %mul3A_140 = arith.muli %scan3A_138, %mul3A_139 : i32
        %add3A_141 = arith.constant 2 : i32
        %add3A_142 = arith.addi %mul3A_140, %add3A_141 : i32
        %dma_start3A_143 = arith.constant 0 : i32
        %dma_start3A_144 = tpu.memref_slice %arg11[%add3A_142, %dma_start3A_143] : memref<25x80xi32, #tpu.memory_space<vmem>> -> memref<1x80xi32, #tpu.memory_space<vmem>>
        %dma_start3A_145 = tpu.memref_squeeze %dma_start3A_144 : memref<1x80xi32, #tpu.memory_space<vmem>> -> memref<80xi32, #tpu.memory_space<vmem>>
        %dma_start3A_146 = arith.constant 0 : i32
        %dma_start3A_147 = arith.constant 0 : i32
        %dma_start3A_148 = tpu.memref_slice %arg2[%dma_start3A_146, %dma_start3A_147] : memref<10000x128xf32, #tpu.memory_space<hbm>> -> memref<10000x128xf32, #tpu.memory_space<hbm>>
        tpu.enqueue_indirect_dma source(%dma_start3A_148 : memref<10000x128xf32, #tpu.memory_space<hbm>>) target(%arg15 : memref<80x128xf32, #tpu.memory_space<vmem>>) offsets(%dma_start3A_145 : memref<80xi32, #tpu.memory_space<vmem>>) semaphore(%arg21 : memref<!tpu.dma_semaphore, #tpu.memory_space<semaphore_mem>>)
        %dma_wait3A_149 = arith.constant 0 : i32
        %dma_wait3A_150 = arith.constant 0 : i32
        %dma_wait3A_151 = tpu.memref_slice %arg11[%dma_wait3A_149, %dma_wait3A_150] : memref<25x80xi32, #tpu.memory_space<vmem>> -> memref<1x80xi32, #tpu.memory_space<vmem>>
        %dma_wait3A_152 = tpu.memref_squeeze %dma_wait3A_151 : memref<1x80xi32, #tpu.memory_space<vmem>> -> memref<80xi32, #tpu.memory_space<vmem>>
        %dma_wait3A_153 = arith.constant 0 : i32
        %dma_wait3A_154 = arith.constant 0 : i32
        %dma_wait3A_155 = tpu.memref_slice %arg2[%dma_wait3A_153, %dma_wait3A_154] : memref<10000x128xf32, #tpu.memory_space<hbm>> -> memref<10000x128xf32, #tpu.memory_space<hbm>>
        tpu.wait_indirect_dma semaphore(%arg19 : memref<!tpu.dma_semaphore, #tpu.memory_space<semaphore_mem>>) src(%dma_wait3A_155 : memref<10000x128xf32, #tpu.memory_space<hbm>>) dst(%arg13 : memref<80x128xf32, #tpu.memory_space<vmem>>)
        "tpu.region"() ({
          %run_scoped3A_205 = tpu.sem_alloc : memref<!tpu.dma_semaphore, #tpu.memory_space<semaphore_mem>>
          %dma_start3A_206 = arith.constant 0 : i32
          %dma_start3A_207 = tpu.memref_slice %arg12[%mul3A_140, %dma_start3A_206] : memref<25x80xi32, #tpu.memory_space<vmem>> -> memref<1x80xi32, #tpu.memory_space<vmem>>
          %dma_start3A_208 = tpu.memref_squeeze %dma_start3A_207 : memref<1x80xi32, #tpu.memory_space<vmem>> -> memref<80xi32, #tpu.memory_space<vmem>>
          %dma_start3A_209 = arith.constant 0 : i32
          %dma_start3A_210 = arith.constant 0 : i32
          %dma_start3A_211 = tpu.memref_slice %arg17[%dma_start3A_209, %dma_start3A_210] : memref<10240x128xf32, #tpu.memory_space<vmem_shared>> -> memref<10240x128xf32, #tpu.memory_space<vmem_shared>>
          tpu.enqueue_indirect_dma source(%arg13 : memref<80x128xf32, #tpu.memory_space<vmem>>) target(%dma_start3A_211 : memref<10240x128xf32, #tpu.memory_space<vmem_shared>>) offsets(%dma_start3A_208 : memref<80xi32, #tpu.memory_space<vmem>>) semaphore(%run_scoped3A_205 : memref<!tpu.dma_semaphore, #tpu.memory_space<semaphore_mem>>) {add = true}
          %dma_wait3A_212 = arith.constant 0 : i32
          %dma_wait3A_213 = tpu.memref_slice %arg12[%mul3A_140, %dma_wait3A_212] : memref<25x80xi32, #tpu.memory_space<vmem>> -> memref<1x80xi32, #tpu.memory_space<vmem>>
          %dma_wait3A_214 = tpu.memref_squeeze %dma_wait3A_213 : memref<1x80xi32, #tpu.memory_space<vmem>> -> memref<80xi32, #tpu.memory_space<vmem>>
          %dma_wait3A_215 = arith.constant 0 : i32
          %dma_wait3A_216 = arith.constant 0 : i32
          %dma_wait3A_217 = tpu.memref_slice %arg17[%dma_wait3A_215, %dma_wait3A_216] : memref<10240x128xf32, #tpu.memory_space<vmem_shared>> -> memref<10240x128xf32, #tpu.memory_space<vmem_shared>>
          tpu.wait_indirect_dma semaphore(%run_scoped3A_205 : memref<!tpu.dma_semaphore, #tpu.memory_space<semaphore_mem>>) src(%arg13 : memref<80x128xf32, #tpu.memory_space<vmem>>) dst(%dma_wait3A_217 : memref<10240x128xf32, #tpu.memory_space<vmem_shared>>)
          tpu.yield
        }) : () -> ()
        %dma_start3A_156 = arith.constant 0 : i32
        %dma_start3A_157 = tpu.memref_slice %arg12[%mul3A_140, %dma_start3A_156] : memref<25x80xi32, #tpu.memory_space<vmem>> -> memref<1x80xi32, #tpu.memory_space<vmem>>
        %dma_start3A_158 = tpu.memref_squeeze %dma_start3A_157 : memref<1x80xi32, #tpu.memory_space<vmem>> -> memref<80xi32, #tpu.memory_space<vmem>>
        %dma_start3A_159 = arith.constant 0 : i32
        %dma_start3A_160 = tpu.memref_slice %arg18[%dma_start3A_159] : memref<10240xf32, #tpu.memory_space<vmem_shared>> -> memref<10240xf32, #tpu.memory_space<vmem_shared>>
        tpu.enqueue_indirect_dma source(%arg16 : memref<80xf32, #tpu.memory_space<vmem>>) target(%dma_start3A_160 : memref<10240xf32, #tpu.memory_space<vmem_shared>>) offsets(%dma_start3A_158 : memref<80xi32, #tpu.memory_space<vmem>>) semaphore(%arg22 : memref<!tpu.dma_semaphore, #tpu.memory_space<semaphore_mem>>) {add = true}
        %add3A_161 = arith.constant 3 : i32
        %add3A_162 = arith.addi %mul3A_140, %add3A_161 : i32
        %dma_start3A_163 = arith.constant 0 : i32
        %dma_start3A_164 = tpu.memref_slice %arg11[%add3A_162, %dma_start3A_163] : memref<25x80xi32, #tpu.memory_space<vmem>> -> memref<1x80xi32, #tpu.memory_space<vmem>>
        %dma_start3A_165 = tpu.memref_squeeze %dma_start3A_164 : memref<1x80xi32, #tpu.memory_space<vmem>> -> memref<80xi32, #tpu.memory_space<vmem>>
        %dma_start3A_166 = arith.constant 0 : i32
        %dma_start3A_167 = arith.constant 0 : i32
        %dma_start3A_168 = tpu.memref_slice %arg2[%dma_start3A_166, %dma_start3A_167] : memref<10000x128xf32, #tpu.memory_space<hbm>> -> memref<10000x128xf32, #tpu.memory_space<hbm>>
        tpu.enqueue_indirect_dma source(%dma_start3A_168 : memref<10000x128xf32, #tpu.memory_space<hbm>>) target(%arg13 : memref<80x128xf32, #tpu.memory_space<vmem>>) offsets(%dma_start3A_165 : memref<80xi32, #tpu.memory_space<vmem>>) semaphore(%arg19 : memref<!tpu.dma_semaphore, #tpu.memory_space<semaphore_mem>>)
        %dma_wait3A_169 = arith.constant 0 : i32
        %dma_wait3A_170 = arith.constant 0 : i32
        %dma_wait3A_171 = tpu.memref_slice %arg11[%dma_wait3A_169, %dma_wait3A_170] : memref<25x80xi32, #tpu.memory_space<vmem>> -> memref<1x80xi32, #tpu.memory_space<vmem>>
        %dma_wait3A_172 = tpu.memref_squeeze %dma_wait3A_171 : memref<1x80xi32, #tpu.memory_space<vmem>> -> memref<80xi32, #tpu.memory_space<vmem>>
        %dma_wait3A_173 = arith.constant 0 : i32
        %dma_wait3A_174 = arith.constant 0 : i32
        %dma_wait3A_175 = tpu.memref_slice %arg2[%dma_wait3A_173, %dma_wait3A_174] : memref<10000x128xf32, #tpu.memory_space<hbm>> -> memref<10000x128xf32, #tpu.memory_space<hbm>>
        tpu.wait_indirect_dma semaphore(%arg20 : memref<!tpu.dma_semaphore, #tpu.memory_space<semaphore_mem>>) src(%dma_wait3A_175 : memref<10000x128xf32, #tpu.memory_space<hbm>>) dst(%arg14 : memref<80x128xf32, #tpu.memory_space<vmem>>)
        %add3A_176 = arith.constant 1 : i32
        %add3A_177 = arith.addi %mul3A_140, %add3A_176 : i32
        "tpu.region"() ({
          %run_scoped3A_205 = tpu.sem_alloc : memref<!tpu.dma_semaphore, #tpu.memory_space<semaphore_mem>>
          %dma_start3A_206 = arith.constant 0 : i32
          %dma_start3A_207 = tpu.memref_slice %arg12[%add3A_177, %dma_start3A_206] : memref<25x80xi32, #tpu.memory_space<vmem>> -> memref<1x80xi32, #tpu.memory_space<vmem>>
          %dma_start3A_208 = tpu.memref_squeeze %dma_start3A_207 : memref<1x80xi32, #tpu.memory_space<vmem>> -> memref<80xi32, #tpu.memory_space<vmem>>
          %dma_start3A_209 = arith.constant 0 : i32
          %dma_start3A_210 = arith.constant 0 : i32
          %dma_start3A_211 = tpu.memref_slice %arg17[%dma_start3A_209, %dma_start3A_210] : memref<10240x128xf32, #tpu.memory_space<vmem_shared>> -> memref<10240x128xf32, #tpu.memory_space<vmem_shared>>
          tpu.enqueue_indirect_dma source(%arg14 : memref<80x128xf32, #tpu.memory_space<vmem>>) target(%dma_start3A_211 : memref<10240x128xf32, #tpu.memory_space<vmem_shared>>) offsets(%dma_start3A_208 : memref<80xi32, #tpu.memory_space<vmem>>) semaphore(%run_scoped3A_205 : memref<!tpu.dma_semaphore, #tpu.memory_space<semaphore_mem>>) {add = true}
          %dma_wait3A_212 = arith.constant 0 : i32
          %dma_wait3A_213 = tpu.memref_slice %arg12[%add3A_177, %dma_wait3A_212] : memref<25x80xi32, #tpu.memory_space<vmem>> -> memref<1x80xi32, #tpu.memory_space<vmem>>
          %dma_wait3A_214 = tpu.memref_squeeze %dma_wait3A_213 : memref<1x80xi32, #tpu.memory_space<vmem>> -> memref<80xi32, #tpu.memory_space<vmem>>
          %dma_wait3A_215 = arith.constant 0 : i32
          %dma_wait3A_216 = arith.constant 0 : i32
          %dma_wait3A_217 = tpu.memref_slice %arg17[%dma_wait3A_215, %dma_wait3A_216] : memref<10240x128xf32, #tpu.memory_space<vmem_shared>> -> memref<10240x128xf32, #tpu.memory_space<vmem_shared>>
          tpu.wait_indirect_dma semaphore(%run_scoped3A_205 : memref<!tpu.dma_semaphore, #tpu.memory_space<semaphore_mem>>) src(%arg14 : memref<80x128xf32, #tpu.memory_space<vmem>>) dst(%dma_wait3A_217 : memref<10240x128xf32, #tpu.memory_space<vmem_shared>>)
          tpu.yield
        }) : () -> ()
        %dma_start3A_178 = arith.constant 0 : i32
        %dma_start3A_179 = tpu.memref_slice %arg12[%add3A_177, %dma_start3A_178] : memref<25x80xi32, #tpu.memory_space<vmem>> -> memref<1x80xi32, #tpu.memory_space<vmem>>
        %dma_start3A_180 = tpu.memref_squeeze %dma_start3A_179 : memref<1x80xi32, #tpu.memory_space<vmem>> -> memref<80xi32, #tpu.memory_space<vmem>>
        %dma_start3A_181 = arith.constant 0 : i32
        %dma_start3A_182 = tpu.memref_slice %arg18[%dma_start3A_181] : memref<10240xf32, #tpu.memory_space<vmem_shared>> -> memref<10240xf32, #tpu.memory_space<vmem_shared>>
        tpu.enqueue_indirect_dma source(%arg16 : memref<80xf32, #tpu.memory_space<vmem>>) target(%dma_start3A_182 : memref<10240xf32, #tpu.memory_space<vmem_shared>>) offsets(%dma_start3A_180 : memref<80xi32, #tpu.memory_space<vmem>>) semaphore(%arg22 : memref<!tpu.dma_semaphore, #tpu.memory_space<semaphore_mem>>) {add = true}
        %add3A_183 = arith.constant 4 : i32
        %add3A_184 = arith.addi %mul3A_140, %add3A_183 : i32
        %dma_start3A_185 = arith.constant 0 : i32
        %dma_start3A_186 = tpu.memref_slice %arg11[%add3A_184, %dma_start3A_185] : memref<25x80xi32, #tpu.memory_space<vmem>> -> memref<1x80xi32, #tpu.memory_space<vmem>>
        %dma_start3A_187 = tpu.memref_squeeze %dma_start3A_186 : memref<1x80xi32, #tpu.memory_space<vmem>> -> memref<80xi32, #tpu.memory_space<vmem>>
        %dma_start3A_188 = arith.constant 0 : i32
        %dma_start3A_189 = arith.constant 0 : i32
        %dma_start3A_190 = tpu.memref_slice %arg2[%dma_start3A_188, %dma_start3A_189] : memref<10000x128xf32, #tpu.memory_space<hbm>> -> memref<10000x128xf32, #tpu.memory_space<hbm>>
        tpu.enqueue_indirect_dma source(%dma_start3A_190 : memref<10000x128xf32, #tpu.memory_space<hbm>>) target(%arg14 : memref<80x128xf32, #tpu.memory_space<vmem>>) offsets(%dma_start3A_187 : memref<80xi32, #tpu.memory_space<vmem>>) semaphore(%arg20 : memref<!tpu.dma_semaphore, #tpu.memory_space<semaphore_mem>>)
        %dma_wait3A_191 = arith.constant 0 : i32
        %dma_wait3A_192 = arith.constant 0 : i32
        %dma_wait3A_193 = tpu.memref_slice %arg11[%dma_wait3A_191, %dma_wait3A_192] : memref<25x80xi32, #tpu.memory_space<vmem>> -> memref<1x80xi32, #tpu.memory_space<vmem>>
        %dma_wait3A_194 = tpu.memref_squeeze %dma_wait3A_193 : memref<1x80xi32, #tpu.memory_space<vmem>> -> memref<80xi32, #tpu.memory_space<vmem>>
        %dma_wait3A_195 = arith.constant 0 : i32
        %dma_wait3A_196 = arith.constant 0 : i32
        %dma_wait3A_197 = tpu.memref_slice %arg2[%dma_wait3A_195, %dma_wait3A_196] : memref<10000x128xf32, #tpu.memory_space<hbm>> -> memref<10000x128xf32, #tpu.memory_space<hbm>>
        tpu.wait_indirect_dma semaphore(%arg21 : memref<!tpu.dma_semaphore, #tpu.memory_space<semaphore_mem>>) src(%dma_wait3A_197 : memref<10000x128xf32, #tpu.memory_space<hbm>>) dst(%arg15 : memref<80x128xf32, #tpu.memory_space<vmem>>)
        %add3A_198 = arith.constant 2 : i32
        %add3A_199 = arith.addi %mul3A_140, %add3A_198 : i32
        "tpu.region"() ({
          %run_scoped3A_205 = tpu.sem_alloc : memref<!tpu.dma_semaphore, #tpu.memory_space<semaphore_mem>>
          %dma_start3A_206 = arith.constant 0 : i32
          %dma_start3A_207 = tpu.memref_slice %arg12[%add3A_199, %dma_start3A_206] : memref<25x80xi32, #tpu.memory_space<vmem>> -> memref<1x80xi32, #tpu.memory_space<vmem>>
          %dma_start3A_208 = tpu.memref_squeeze %dma_start3A_207 : memref<1x80xi32, #tpu.memory_space<vmem>> -> memref<80xi32, #tpu.memory_space<vmem>>
          %dma_start3A_209 = arith.constant 0 : i32
          %dma_start3A_210 = arith.constant 0 : i32
          %dma_start3A_211 = tpu.memref_slice %arg17[%dma_start3A_209, %dma_start3A_210] : memref<10240x128xf32, #tpu.memory_space<vmem_shared>> -> memref<10240x128xf32, #tpu.memory_space<vmem_shared>>
          tpu.enqueue_indirect_dma source(%arg15 : memref<80x128xf32, #tpu.memory_space<vmem>>) target(%dma_start3A_211 : memref<10240x128xf32, #tpu.memory_space<vmem_shared>>) offsets(%dma_start3A_208 : memref<80xi32, #tpu.memory_space<vmem>>) semaphore(%run_scoped3A_205 : memref<!tpu.dma_semaphore, #tpu.memory_space<semaphore_mem>>) {add = true}
          %dma_wait3A_212 = arith.constant 0 : i32
          %dma_wait3A_213 = tpu.memref_slice %arg12[%add3A_199, %dma_wait3A_212] : memref<25x80xi32, #tpu.memory_space<vmem>> -> memref<1x80xi32, #tpu.memory_space<vmem>>
          %dma_wait3A_214 = tpu.memref_squeeze %dma_wait3A_213 : memref<1x80xi32, #tpu.memory_space<vmem>> -> memref<80xi32, #tpu.memory_space<vmem>>
          %dma_wait3A_215 = arith.constant 0 : i32
          %dma_wait3A_216 = arith.constant 0 : i32
          %dma_wait3A_217 = tpu.memref_slice %arg17[%dma_wait3A_215, %dma_wait3A_216] : memref<10240x128xf32, #tpu.memory_space<vmem_shared>> -> memref<10240x128xf32, #tpu.memory_space<vmem_shared>>
          tpu.wait_indirect_dma semaphore(%run_scoped3A_205 : memref<!tpu.dma_semaphore, #tpu.memory_space<semaphore_mem>>) src(%arg15 : memref<80x128xf32, #tpu.memory_space<vmem>>) dst(%dma_wait3A_217 : memref<10240x128xf32, #tpu.memory_space<vmem_shared>>)
          tpu.yield
        }) : () -> ()
        %dma_start3A_200 = arith.constant 0 : i32
        %dma_start3A_201 = tpu.memref_slice %arg12[%add3A_199, %dma_start3A_200] : memref<25x80xi32, #tpu.memory_space<vmem>> -> memref<1x80xi32, #tpu.memory_space<vmem>>
        %dma_start3A_202 = tpu.memref_squeeze %dma_start3A_201 : memref<1x80xi32, #tpu.memory_space<vmem>> -> memref<80xi32, #tpu.memory_space<vmem>>
        %dma_start3A_203 = arith.constant 0 : i32
        %dma_start3A_204 = tpu.memref_slice %arg18[%dma_start3A_203] : memref<10240xf32, #tpu.memory_space<vmem_shared>> -> memref<10240xf32, #tpu.memory_space<vmem_shared>>
        tpu.enqueue_indirect_dma source(%arg16 : memref<80xf32, #tpu.memory_space<vmem>>) target(%dma_start3A_204 : memref<10240xf32, #tpu.memory_space<vmem_shared>>) offsets(%dma_start3A_202 : memref<80xi32, #tpu.memory_space<vmem>>) semaphore(%arg22 : memref<!tpu.dma_semaphore, #tpu.memory_space<semaphore_mem>>) {add = true}
      }
      %scan3A_63 = arith.constant 7 : i32
      %dma_start3A_64 = arith.constant 23 : i32
      %dma_start3A_65 = arith.constant 0 : i32
      %dma_start3A_66 = tpu.memref_slice %arg11[%dma_start3A_64, %dma_start3A_65] : memref<25x80xi32, #tpu.memory_space<vmem>> -> memref<1x80xi32, #tpu.memory_space<vmem>>
      %dma_start3A_67 = tpu.memref_squeeze %dma_start3A_66 : memref<1x80xi32, #tpu.memory_space<vmem>> -> memref<80xi32, #tpu.memory_space<vmem>>
      %dma_start3A_68 = arith.constant 0 : i32
      %dma_start3A_69 = arith.constant 0 : i32
      %dma_start3A_70 = tpu.memref_slice %arg2[%dma_start3A_68, %dma_start3A_69] : memref<10000x128xf32, #tpu.memory_space<hbm>> -> memref<10000x128xf32, #tpu.memory_space<hbm>>
      tpu.enqueue_indirect_dma source(%dma_start3A_70 : memref<10000x128xf32, #tpu.memory_space<hbm>>) target(%arg15 : memref<80x128xf32, #tpu.memory_space<vmem>>) offsets(%dma_start3A_67 : memref<80xi32, #tpu.memory_space<vmem>>) semaphore(%arg21 : memref<!tpu.dma_semaphore, #tpu.memory_space<semaphore_mem>>)
      %dma_wait3A = arith.constant 0 : i32
      %dma_wait3A_71 = arith.constant 0 : i32
      %dma_wait3A_72 = tpu.memref_slice %arg11[%dma_wait3A, %dma_wait3A_71] : memref<25x80xi32, #tpu.memory_space<vmem>> -> memref<1x80xi32, #tpu.memory_space<vmem>>
      %dma_wait3A_73 = tpu.memref_squeeze %dma_wait3A_72 : memref<1x80xi32, #tpu.memory_space<vmem>> -> memref<80xi32, #tpu.memory_space<vmem>>
      %dma_wait3A_74 = arith.constant 0 : i32
      %dma_wait3A_75 = arith.constant 0 : i32
      %dma_wait3A_76 = tpu.memref_slice %arg2[%dma_wait3A_74, %dma_wait3A_75] : memref<10000x128xf32, #tpu.memory_space<hbm>> -> memref<10000x128xf32, #tpu.memory_space<hbm>>
      tpu.wait_indirect_dma semaphore(%arg19 : memref<!tpu.dma_semaphore, #tpu.memory_space<semaphore_mem>>) src(%dma_wait3A_76 : memref<10000x128xf32, #tpu.memory_space<hbm>>) dst(%arg13 : memref<80x128xf32, #tpu.memory_space<vmem>>)
      %run_scoped3A = arith.constant 21 : i32
      "tpu.region"() ({
        %run_scoped3A_138 = tpu.sem_alloc : memref<!tpu.dma_semaphore, #tpu.memory_space<semaphore_mem>>
        %dma_start3A_139 = arith.constant 0 : i32
        %dma_start3A_140 = tpu.memref_slice %arg12[%run_scoped3A, %dma_start3A_139] : memref<25x80xi32, #tpu.memory_space<vmem>> -> memref<1x80xi32, #tpu.memory_space<vmem>>
        %dma_start3A_141 = tpu.memref_squeeze %dma_start3A_140 : memref<1x80xi32, #tpu.memory_space<vmem>> -> memref<80xi32, #tpu.memory_space<vmem>>
        %dma_start3A_142 = arith.constant 0 : i32
        %dma_start3A_143 = arith.constant 0 : i32
        %dma_start3A_144 = tpu.memref_slice %arg17[%dma_start3A_142, %dma_start3A_143] : memref<10240x128xf32, #tpu.memory_space<vmem_shared>> -> memref<10240x128xf32, #tpu.memory_space<vmem_shared>>
        tpu.enqueue_indirect_dma source(%arg13 : memref<80x128xf32, #tpu.memory_space<vmem>>) target(%dma_start3A_144 : memref<10240x128xf32, #tpu.memory_space<vmem_shared>>) offsets(%dma_start3A_141 : memref<80xi32, #tpu.memory_space<vmem>>) semaphore(%run_scoped3A_138 : memref<!tpu.dma_semaphore, #tpu.memory_space<semaphore_mem>>) {add = true}
        %dma_wait3A_145 = arith.constant 0 : i32
        %dma_wait3A_146 = tpu.memref_slice %arg12[%run_scoped3A, %dma_wait3A_145] : memref<25x80xi32, #tpu.memory_space<vmem>> -> memref<1x80xi32, #tpu.memory_space<vmem>>
        %dma_wait3A_147 = tpu.memref_squeeze %dma_wait3A_146 : memref<1x80xi32, #tpu.memory_space<vmem>> -> memref<80xi32, #tpu.memory_space<vmem>>
        %dma_wait3A_148 = arith.constant 0 : i32
        %dma_wait3A_149 = arith.constant 0 : i32
        %dma_wait3A_150 = tpu.memref_slice %arg17[%dma_wait3A_148, %dma_wait3A_149] : memref<10240x128xf32, #tpu.memory_space<vmem_shared>> -> memref<10240x128xf32, #tpu.memory_space<vmem_shared>>
        tpu.wait_indirect_dma semaphore(%run_scoped3A_138 : memref<!tpu.dma_semaphore, #tpu.memory_space<semaphore_mem>>) src(%arg13 : memref<80x128xf32, #tpu.memory_space<vmem>>) dst(%dma_wait3A_150 : memref<10240x128xf32, #tpu.memory_space<vmem_shared>>)
        tpu.yield
      }) : () -> ()
      %dma_start3A_77 = arith.constant 21 : i32
      %dma_start3A_78 = arith.constant 0 : i32
      %dma_start3A_79 = tpu.memref_slice %arg12[%dma_start3A_77, %dma_start3A_78] : memref<25x80xi32, #tpu.memory_space<vmem>> -> memref<1x80xi32, #tpu.memory_space<vmem>>
      %dma_start3A_80 = tpu.memref_squeeze %dma_start3A_79 : memref<1x80xi32, #tpu.memory_space<vmem>> -> memref<80xi32, #tpu.memory_space<vmem>>
      %dma_start3A_81 = arith.constant 0 : i32
      %dma_start3A_82 = tpu.memref_slice %arg18[%dma_start3A_81] : memref<10240xf32, #tpu.memory_space<vmem_shared>> -> memref<10240xf32, #tpu.memory_space<vmem_shared>>
      tpu.enqueue_indirect_dma source(%arg16 : memref<80xf32, #tpu.memory_space<vmem>>) target(%dma_start3A_82 : memref<10240xf32, #tpu.memory_space<vmem_shared>>) offsets(%dma_start3A_80 : memref<80xi32, #tpu.memory_space<vmem>>) semaphore(%arg22 : memref<!tpu.dma_semaphore, #tpu.memory_space<semaphore_mem>>) {add = true}
      %dma_start3A_83 = arith.constant 24 : i32
      %dma_start3A_84 = arith.constant 0 : i32
      %dma_start3A_85 = tpu.memref_slice %arg11[%dma_start3A_83, %dma_start3A_84] : memref<25x80xi32, #tpu.memory_space<vmem>> -> memref<1x80xi32, #tpu.memory_space<vmem>>
      %dma_start3A_86 = tpu.memref_squeeze %dma_start3A_85 : memref<1x80xi32, #tpu.memory_space<vmem>> -> memref<80xi32, #tpu.memory_space<vmem>>
      %dma_start3A_87 = arith.constant 0 : i32
      %dma_start3A_88 = arith.constant 0 : i32
      %dma_start3A_89 = tpu.memref_slice %arg2[%dma_start3A_87, %dma_start3A_88] : memref<10000x128xf32, #tpu.memory_space<hbm>> -> memref<10000x128xf32, #tpu.memory_space<hbm>>
      tpu.enqueue_indirect_dma source(%dma_start3A_89 : memref<10000x128xf32, #tpu.memory_space<hbm>>) target(%arg13 : memref<80x128xf32, #tpu.memory_space<vmem>>) offsets(%dma_start3A_86 : memref<80xi32, #tpu.memory_space<vmem>>) semaphore(%arg19 : memref<!tpu.dma_semaphore, #tpu.memory_space<semaphore_mem>>)
      %dma_wait3A_90 = arith.constant 0 : i32
      %dma_wait3A_91 = arith.constant 0 : i32
      %dma_wait3A_92 = tpu.memref_slice %arg11[%dma_wait3A_90, %dma_wait3A_91] : memref<25x80xi32, #tpu.memory_space<vmem>> -> memref<1x80xi32, #tpu.memory_space<vmem>>
      %dma_wait3A_93 = tpu.memref_squeeze %dma_wait3A_92 : memref<1x80xi32, #tpu.memory_space<vmem>> -> memref<80xi32, #tpu.memory_space<vmem>>
      %dma_wait3A_94 = arith.constant 0 : i32
      %dma_wait3A_95 = arith.constant 0 : i32
      %dma_wait3A_96 = tpu.memref_slice %arg2[%dma_wait3A_94, %dma_wait3A_95] : memref<10000x128xf32, #tpu.memory_space<hbm>> -> memref<10000x128xf32, #tpu.memory_space<hbm>>
      tpu.wait_indirect_dma semaphore(%arg20 : memref<!tpu.dma_semaphore, #tpu.memory_space<semaphore_mem>>) src(%dma_wait3A_96 : memref<10000x128xf32, #tpu.memory_space<hbm>>) dst(%arg14 : memref<80x128xf32, #tpu.memory_space<vmem>>)
      %run_scoped3A_97 = arith.constant 22 : i32
      "tpu.region"() ({
        %run_scoped3A_138 = tpu.sem_alloc : memref<!tpu.dma_semaphore, #tpu.memory_space<semaphore_mem>>
        %dma_start3A_139 = arith.constant 0 : i32
        %dma_start3A_140 = tpu.memref_slice %arg12[%run_scoped3A_97, %dma_start3A_139] : memref<25x80xi32, #tpu.memory_space<vmem>> -> memref<1x80xi32, #tpu.memory_space<vmem>>
        %dma_start3A_141 = tpu.memref_squeeze %dma_start3A_140 : memref<1x80xi32, #tpu.memory_space<vmem>> -> memref<80xi32, #tpu.memory_space<vmem>>
        %dma_start3A_142 = arith.constant 0 : i32
        %dma_start3A_143 = arith.constant 0 : i32
        %dma_start3A_144 = tpu.memref_slice %arg17[%dma_start3A_142, %dma_start3A_143] : memref<10240x128xf32, #tpu.memory_space<vmem_shared>> -> memref<10240x128xf32, #tpu.memory_space<vmem_shared>>
        tpu.enqueue_indirect_dma source(%arg14 : memref<80x128xf32, #tpu.memory_space<vmem>>) target(%dma_start3A_144 : memref<10240x128xf32, #tpu.memory_space<vmem_shared>>) offsets(%dma_start3A_141 : memref<80xi32, #tpu.memory_space<vmem>>) semaphore(%run_scoped3A_138 : memref<!tpu.dma_semaphore, #tpu.memory_space<semaphore_mem>>) {add = true}
        %dma_wait3A_145 = arith.constant 0 : i32
        %dma_wait3A_146 = tpu.memref_slice %arg12[%run_scoped3A_97, %dma_wait3A_145] : memref<25x80xi32, #tpu.memory_space<vmem>> -> memref<1x80xi32, #tpu.memory_space<vmem>>
        %dma_wait3A_147 = tpu.memref_squeeze %dma_wait3A_146 : memref<1x80xi32, #tpu.memory_space<vmem>> -> memref<80xi32, #tpu.memory_space<vmem>>
        %dma_wait3A_148 = arith.constant 0 : i32
        %dma_wait3A_149 = arith.constant 0 : i32
        %dma_wait3A_150 = tpu.memref_slice %arg17[%dma_wait3A_148, %dma_wait3A_149] : memref<10240x128xf32, #tpu.memory_space<vmem_shared>> -> memref<10240x128xf32, #tpu.memory_space<vmem_shared>>
        tpu.wait_indirect_dma semaphore(%run_scoped3A_138 : memref<!tpu.dma_semaphore, #tpu.memory_space<semaphore_mem>>) src(%arg14 : memref<80x128xf32, #tpu.memory_space<vmem>>) dst(%dma_wait3A_150 : memref<10240x128xf32, #tpu.memory_space<vmem_shared>>)
        tpu.yield
      }) : () -> ()
      %dma_start3A_98 = arith.constant 22 : i32
      %dma_start3A_99 = arith.constant 0 : i32
      %dma_start3A_100 = tpu.memref_slice %arg12[%dma_start3A_98, %dma_start3A_99] : memref<25x80xi32, #tpu.memory_space<vmem>> -> memref<1x80xi32, #tpu.memory_space<vmem>>
      %dma_start3A_101 = tpu.memref_squeeze %dma_start3A_100 : memref<1x80xi32, #tpu.memory_space<vmem>> -> memref<80xi32, #tpu.memory_space<vmem>>
      %dma_start3A_102 = arith.constant 0 : i32
      %dma_start3A_103 = tpu.memref_slice %arg18[%dma_start3A_102] : memref<10240xf32, #tpu.memory_space<vmem_shared>> -> memref<10240xf32, #tpu.memory_space<vmem_shared>>
      tpu.enqueue_indirect_dma source(%arg16 : memref<80xf32, #tpu.memory_space<vmem>>) target(%dma_start3A_103 : memref<10240xf32, #tpu.memory_space<vmem_shared>>) offsets(%dma_start3A_101 : memref<80xi32, #tpu.memory_space<vmem>>) semaphore(%arg22 : memref<!tpu.dma_semaphore, #tpu.memory_space<semaphore_mem>>) {add = true}
      %dma_wait3A_104 = arith.constant 0 : i32
      %dma_wait3A_105 = arith.constant 0 : i32
      %dma_wait3A_106 = tpu.memref_slice %arg11[%dma_wait3A_104, %dma_wait3A_105] : memref<25x80xi32, #tpu.memory_space<vmem>> -> memref<1x80xi32, #tpu.memory_space<vmem>>
      %dma_wait3A_107 = tpu.memref_squeeze %dma_wait3A_106 : memref<1x80xi32, #tpu.memory_space<vmem>> -> memref<80xi32, #tpu.memory_space<vmem>>
      %dma_wait3A_108 = arith.constant 0 : i32
      %dma_wait3A_109 = arith.constant 0 : i32
      %dma_wait3A_110 = tpu.memref_slice %arg2[%dma_wait3A_108, %dma_wait3A_109] : memref<10000x128xf32, #tpu.memory_space<hbm>> -> memref<10000x128xf32, #tpu.memory_space<hbm>>
      tpu.wait_indirect_dma semaphore(%arg21 : memref<!tpu.dma_semaphore, #tpu.memory_space<semaphore_mem>>) src(%dma_wait3A_110 : memref<10000x128xf32, #tpu.memory_space<hbm>>) dst(%arg15 : memref<80x128xf32, #tpu.memory_space<vmem>>)
      %run_scoped3A_111 = arith.constant 23 : i32
      "tpu.region"() ({
        %run_scoped3A_138 = tpu.sem_alloc : memref<!tpu.dma_semaphore, #tpu.memory_space<semaphore_mem>>
        %dma_start3A_139 = arith.constant 0 : i32
        %dma_start3A_140 = tpu.memref_slice %arg12[%run_scoped3A_111, %dma_start3A_139] : memref<25x80xi32, #tpu.memory_space<vmem>> -> memref<1x80xi32, #tpu.memory_space<vmem>>
        %dma_start3A_141 = tpu.memref_squeeze %dma_start3A_140 : memref<1x80xi32, #tpu.memory_space<vmem>> -> memref<80xi32, #tpu.memory_space<vmem>>
        %dma_start3A_142 = arith.constant 0 : i32
        %dma_start3A_143 = arith.constant 0 : i32
        %dma_start3A_144 = tpu.memref_slice %arg17[%dma_start3A_142, %dma_start3A_143] : memref<10240x128xf32, #tpu.memory_space<vmem_shared>> -> memref<10240x128xf32, #tpu.memory_space<vmem_shared>>
        tpu.enqueue_indirect_dma source(%arg15 : memref<80x128xf32, #tpu.memory_space<vmem>>) target(%dma_start3A_144 : memref<10240x128xf32, #tpu.memory_space<vmem_shared>>) offsets(%dma_start3A_141 : memref<80xi32, #tpu.memory_space<vmem>>) semaphore(%run_scoped3A_138 : memref<!tpu.dma_semaphore, #tpu.memory_space<semaphore_mem>>) {add = true}
        %dma_wait3A_145 = arith.constant 0 : i32
        %dma_wait3A_146 = tpu.memref_slice %arg12[%run_scoped3A_111, %dma_wait3A_145] : memref<25x80xi32, #tpu.memory_space<vmem>> -> memref<1x80xi32, #tpu.memory_space<vmem>>
        %dma_wait3A_147 = tpu.memref_squeeze %dma_wait3A_146 : memref<1x80xi32, #tpu.memory_space<vmem>> -> memref<80xi32, #tpu.memory_space<vmem>>
        %dma_wait3A_148 = arith.constant 0 : i32
        %dma_wait3A_149 = arith.constant 0 : i32
        %dma_wait3A_150 = tpu.memref_slice %arg17[%dma_wait3A_148, %dma_wait3A_149] : memref<10240x128xf32, #tpu.memory_space<vmem_shared>> -> memref<10240x128xf32, #tpu.memory_space<vmem_shared>>
        tpu.wait_indirect_dma semaphore(%run_scoped3A_138 : memref<!tpu.dma_semaphore, #tpu.memory_space<semaphore_mem>>) src(%arg15 : memref<80x128xf32, #tpu.memory_space<vmem>>) dst(%dma_wait3A_150 : memref<10240x128xf32, #tpu.memory_space<vmem_shared>>)
        tpu.yield
      }) : () -> ()
      %dma_start3A_112 = arith.constant 23 : i32
      %dma_start3A_113 = arith.constant 0 : i32
      %dma_start3A_114 = tpu.memref_slice %arg12[%dma_start3A_112, %dma_start3A_113] : memref<25x80xi32, #tpu.memory_space<vmem>> -> memref<1x80xi32, #tpu.memory_space<vmem>>
      %dma_start3A_115 = tpu.memref_squeeze %dma_start3A_114 : memref<1x80xi32, #tpu.memory_space<vmem>> -> memref<80xi32, #tpu.memory_space<vmem>>
      %dma_start3A_116 = arith.constant 0 : i32
      %dma_start3A_117 = tpu.memref_slice %arg18[%dma_start3A_116] : memref<10240xf32, #tpu.memory_space<vmem_shared>> -> memref<10240xf32, #tpu.memory_space<vmem_shared>>
      tpu.enqueue_indirect_dma source(%arg16 : memref<80xf32, #tpu.memory_space<vmem>>) target(%dma_start3A_117 : memref<10240xf32, #tpu.memory_space<vmem_shared>>) offsets(%dma_start3A_115 : memref<80xi32, #tpu.memory_space<vmem>>) semaphore(%arg22 : memref<!tpu.dma_semaphore, #tpu.memory_space<semaphore_mem>>) {add = true}
      %dma_wait3A_118 = arith.constant 0 : i32
      %dma_wait3A_119 = arith.constant 0 : i32
      %dma_wait3A_120 = tpu.memref_slice %arg11[%dma_wait3A_118, %dma_wait3A_119] : memref<25x80xi32, #tpu.memory_space<vmem>> -> memref<1x80xi32, #tpu.memory_space<vmem>>
      %dma_wait3A_121 = tpu.memref_squeeze %dma_wait3A_120 : memref<1x80xi32, #tpu.memory_space<vmem>> -> memref<80xi32, #tpu.memory_space<vmem>>
      %dma_wait3A_122 = arith.constant 0 : i32
      %dma_wait3A_123 = arith.constant 0 : i32
      %dma_wait3A_124 = tpu.memref_slice %arg2[%dma_wait3A_122, %dma_wait3A_123] : memref<10000x128xf32, #tpu.memory_space<hbm>> -> memref<10000x128xf32, #tpu.memory_space<hbm>>
      tpu.wait_indirect_dma semaphore(%arg19 : memref<!tpu.dma_semaphore, #tpu.memory_space<semaphore_mem>>) src(%dma_wait3A_124 : memref<10000x128xf32, #tpu.memory_space<hbm>>) dst(%arg13 : memref<80x128xf32, #tpu.memory_space<vmem>>)
      %run_scoped3A_125 = arith.constant 24 : i32
      "tpu.region"() ({
        %run_scoped3A_138 = tpu.sem_alloc : memref<!tpu.dma_semaphore, #tpu.memory_space<semaphore_mem>>
        %dma_start3A_139 = arith.constant 0 : i32
        %dma_start3A_140 = tpu.memref_slice %arg12[%run_scoped3A_125, %dma_start3A_139] : memref<25x80xi32, #tpu.memory_space<vmem>> -> memref<1x80xi32, #tpu.memory_space<vmem>>
        %dma_start3A_141 = tpu.memref_squeeze %dma_start3A_140 : memref<1x80xi32, #tpu.memory_space<vmem>> -> memref<80xi32, #tpu.memory_space<vmem>>
        %dma_start3A_142 = arith.constant 0 : i32
        %dma_start3A_143 = arith.constant 0 : i32
        %dma_start3A_144 = tpu.memref_slice %arg17[%dma_start3A_142, %dma_start3A_143] : memref<10240x128xf32, #tpu.memory_space<vmem_shared>> -> memref<10240x128xf32, #tpu.memory_space<vmem_shared>>
        tpu.enqueue_indirect_dma source(%arg13 : memref<80x128xf32, #tpu.memory_space<vmem>>) target(%dma_start3A_144 : memref<10240x128xf32, #tpu.memory_space<vmem_shared>>) offsets(%dma_start3A_141 : memref<80xi32, #tpu.memory_space<vmem>>) semaphore(%run_scoped3A_138 : memref<!tpu.dma_semaphore, #tpu.memory_space<semaphore_mem>>) {add = true}
        %dma_wait3A_145 = arith.constant 0 : i32
        %dma_wait3A_146 = tpu.memref_slice %arg12[%run_scoped3A_125, %dma_wait3A_145] : memref<25x80xi32, #tpu.memory_space<vmem>> -> memref<1x80xi32, #tpu.memory_space<vmem>>
        %dma_wait3A_147 = tpu.memref_squeeze %dma_wait3A_146 : memref<1x80xi32, #tpu.memory_space<vmem>> -> memref<80xi32, #tpu.memory_space<vmem>>
        %dma_wait3A_148 = arith.constant 0 : i32
        %dma_wait3A_149 = arith.constant 0 : i32
        %dma_wait3A_150 = tpu.memref_slice %arg17[%dma_wait3A_148, %dma_wait3A_149] : memref<10240x128xf32, #tpu.memory_space<vmem_shared>> -> memref<10240x128xf32, #tpu.memory_space<vmem_shared>>
        tpu.wait_indirect_dma semaphore(%run_scoped3A_138 : memref<!tpu.dma_semaphore, #tpu.memory_space<semaphore_mem>>) src(%arg13 : memref<80x128xf32, #tpu.memory_space<vmem>>) dst(%dma_wait3A_150 : memref<10240x128xf32, #tpu.memory_space<vmem_shared>>)
        tpu.yield
      }) : () -> ()
      %dma_start3A_126 = arith.constant 24 : i32
      %dma_start3A_127 = arith.constant 0 : i32
      %dma_start3A_128 = tpu.memref_slice %arg12[%dma_start3A_126, %dma_start3A_127] : memref<25x80xi32, #tpu.memory_space<vmem>> -> memref<1x80xi32, #tpu.memory_space<vmem>>
      %dma_start3A_129 = tpu.memref_squeeze %dma_start3A_128 : memref<1x80xi32, #tpu.memory_space<vmem>> -> memref<80xi32, #tpu.memory_space<vmem>>
      %dma_start3A_130 = arith.constant 0 : i32
      %dma_start3A_131 = tpu.memref_slice %arg18[%dma_start3A_130] : memref<10240xf32, #tpu.memory_space<vmem_shared>> -> memref<10240xf32, #tpu.memory_space<vmem_shared>>
      tpu.enqueue_indirect_dma source(%arg16 : memref<80xf32, #tpu.memory_space<vmem>>) target(%dma_start3A_131 : memref<10240xf32, #tpu.memory_space<vmem_shared>>) offsets(%dma_start3A_129 : memref<80xi32, #tpu.memory_space<vmem>>) semaphore(%arg22 : memref<!tpu.dma_semaphore, #tpu.memory_space<semaphore_mem>>) {add = true}
      %scan3A_132 = arith.constant 0 : i32
      %scan3A_133 = arith.constant 0 : i32
      %scan3A_134 = arith.constant 25 : i32
      %scan3A_135 = arith.addi %scan3A_133, %scan3A_134 : i32
      %scan3A_136 = arith.constant 1 : i32
      scf.for %scan3A_138 = %scan3A_133 to %scan3A_135 step %scan3A_136  : i32 {
        %dma_wait3A_139 = arith.constant 0 : i32
        %dma_wait3A_140 = arith.constant 0 : i32
        %dma_wait3A_141 = tpu.memref_slice %arg12[%dma_wait3A_139, %dma_wait3A_140] : memref<25x80xi32, #tpu.memory_space<vmem>> -> memref<1x80xi32, #tpu.memory_space<vmem>>
        %dma_wait3A_142 = tpu.memref_squeeze %dma_wait3A_141 : memref<1x80xi32, #tpu.memory_space<vmem>> -> memref<80xi32, #tpu.memory_space<vmem>>
        %dma_wait3A_143 = arith.constant 0 : i32
        %dma_wait3A_144 = tpu.memref_slice %arg18[%dma_wait3A_143] : memref<10240xf32, #tpu.memory_space<vmem_shared>> -> memref<10240xf32, #tpu.memory_space<vmem_shared>>
        tpu.wait_indirect_dma semaphore(%arg22 : memref<!tpu.dma_semaphore, #tpu.memory_space<semaphore_mem>>) src(%arg16 : memref<80xf32, #tpu.memory_space<vmem>>) dst(%dma_wait3A_144 : memref<10240xf32, #tpu.memory_space<vmem_shared>>)
      }
      %scan3A_137 = arith.constant 25 : i32
    }
    %scan3A_35 = arith.constant 5 : i32
    %barrier3A_36 = arith.constant 0 : index
    tpu.barrier barrier_id(%barrier3A_36)
    %eq3A = arith.constant 0 : i32
    %eq3A_37 = arith.cmpi eq, %arg0, %eq3A : i32
    %convert_element_type3A = arith.extui %eq3A_37 : i1 to i32
    %cond3A = arith.constant 0 : i32
    %cond3A_38 = arith.cmpi ne, %convert_element_type3A, %cond3A : i32
    scf.if %cond3A_38 {
      "tpu.region"() ({
        %run_scoped3A = tpu.sem_alloc : memref<!tpu.dma_semaphore, #tpu.memory_space<semaphore_mem>>
        %dma_start3A = arith.constant 0 : i32
        %dma_start3A_44 = tpu.memref_slice %arg7[%multiple_of3A, %dma_start3A] : memref<10240x128xf32, #tpu.memory_space<hbm>> -> memref<640x128xf32, #tpu.memory_space<hbm>>
        %dma_start3A_45 = arith.constant 0 : i32
        %dma_start3A_46 = tpu.memref_slice %arg17[%multiple_of3A, %dma_start3A_45] : memref<10240x128xf32, #tpu.memory_space<vmem_shared>> -> memref<640x128xf32, #tpu.memory_space<vmem_shared>>
        tpu.enqueue_dma source(%dma_start3A_46 : memref<640x128xf32, #tpu.memory_space<vmem_shared>>) target(%dma_start3A_44 : memref<640x128xf32, #tpu.memory_space<hbm>>) target_semaphore(%run_scoped3A : memref<!tpu.dma_semaphore, #tpu.memory_space<semaphore_mem>>)
        %dma_wait3A = arith.constant 0 : i32
        %dma_wait3A_47 = tpu.memref_slice %arg7[%multiple_of3A, %dma_wait3A] : memref<10240x128xf32, #tpu.memory_space<hbm>> -> memref<640x128xf32, #tpu.memory_space<hbm>>
        %dma_wait3A_48 = arith.constant 0 : i32
        %dma_wait3A_49 = tpu.memref_slice %arg17[%multiple_of3A, %dma_wait3A_48] : memref<10240x128xf32, #tpu.memory_space<vmem_shared>> -> memref<640x128xf32, #tpu.memory_space<vmem_shared>>
        tpu.wait_dma2 semaphore(%run_scoped3A : memref<!tpu.dma_semaphore, #tpu.memory_space<semaphore_mem>>) src(%dma_wait3A_49 : memref<640x128xf32, #tpu.memory_space<vmem_shared>>) dst(%dma_wait3A_47 : memref<640x128xf32, #tpu.memory_space<hbm>>)
        tpu.yield
      }) : () -> ()
      "tpu.region"() ({
        %run_scoped3A = tpu.sem_alloc : memref<!tpu.dma_semaphore, #tpu.memory_space<semaphore_mem>>
        %dma_start3A = tpu.memref_slice %arg9[%multiple_of3A] : memref<10240xf32, #tpu.memory_space<hbm>> -> memref<640xf32, #tpu.memory_space<hbm>>
        %dma_start3A_44 = tpu.memref_slice %arg18[%multiple_of3A] : memref<10240xf32, #tpu.memory_space<vmem_shared>> -> memref<640xf32, #tpu.memory_space<vmem_shared>>
        tpu.enqueue_dma source(%dma_start3A_44 : memref<640xf32, #tpu.memory_space<vmem_shared>>) target(%dma_start3A : memref<640xf32, #tpu.memory_space<hbm>>) target_semaphore(%run_scoped3A : memref<!tpu.dma_semaphore, #tpu.memory_space<semaphore_mem>>)
        %dma_wait3A = tpu.memref_slice %arg9[%multiple_of3A] : memref<10240xf32, #tpu.memory_space<hbm>> -> memref<640xf32, #tpu.memory_space<hbm>>
        %dma_wait3A_45 = tpu.memref_slice %arg18[%multiple_of3A] : memref<10240xf32, #tpu.memory_space<vmem_shared>> -> memref<640xf32, #tpu.memory_space<vmem_shared>>
        tpu.wait_dma2 semaphore(%run_scoped3A : memref<!tpu.dma_semaphore, #tpu.memory_space<semaphore_mem>>) src(%dma_wait3A_45 : memref<640xf32, #tpu.memory_space<vmem_shared>>) dst(%dma_wait3A : memref<640xf32, #tpu.memory_space<hbm>>)
        tpu.yield
      }) : () -> ()
    } else {
    }
    %eq3A_39 = arith.constant 1 : i32
    %eq3A_40 = arith.cmpi eq, %arg0, %eq3A_39 : i32
    %convert_element_type3A_41 = arith.extui %eq3A_40 : i1 to i32
    %cond3A_42 = arith.constant 0 : i32
    %cond3A_43 = arith.cmpi ne, %convert_element_type3A_41, %cond3A_42 : i32
    scf.if %cond3A_43 {
      "tpu.region"() ({
        %run_scoped3A = tpu.sem_alloc : memref<!tpu.dma_semaphore, #tpu.memory_space<semaphore_mem>>
        %dma_start3A = arith.constant 0 : i32
        %dma_start3A_44 = tpu.memref_slice %arg8[%multiple_of3A, %dma_start3A] : memref<10240x128xf32, #tpu.memory_space<hbm>> -> memref<640x128xf32, #tpu.memory_space<hbm>>
        %dma_start3A_45 = arith.constant 0 : i32
        %dma_start3A_46 = tpu.memref_slice %arg17[%multiple_of3A, %dma_start3A_45] : memref<10240x128xf32, #tpu.memory_space<vmem_shared>> -> memref<640x128xf32, #tpu.memory_space<vmem_shared>>
        tpu.enqueue_dma source(%dma_start3A_46 : memref<640x128xf32, #tpu.memory_space<vmem_shared>>) target(%dma_start3A_44 : memref<640x128xf32, #tpu.memory_space<hbm>>) target_semaphore(%run_scoped3A : memref<!tpu.dma_semaphore, #tpu.memory_space<semaphore_mem>>)
        %dma_wait3A = arith.constant 0 : i32
        %dma_wait3A_47 = tpu.memref_slice %arg8[%multiple_of3A, %dma_wait3A] : memref<10240x128xf32, #tpu.memory_space<hbm>> -> memref<640x128xf32, #tpu.memory_space<hbm>>
        %dma_wait3A_48 = arith.constant 0 : i32
        %dma_wait3A_49 = tpu.memref_slice %arg17[%multiple_of3A, %dma_wait3A_48] : memref<10240x128xf32, #tpu.memory_space<vmem_shared>> -> memref<640x128xf32, #tpu.memory_space<vmem_shared>>
        tpu.wait_dma2 semaphore(%run_scoped3A : memref<!tpu.dma_semaphore, #tpu.memory_space<semaphore_mem>>) src(%dma_wait3A_49 : memref<640x128xf32, #tpu.memory_space<vmem_shared>>) dst(%dma_wait3A_47 : memref<640x128xf32, #tpu.memory_space<hbm>>)
        tpu.yield
      }) : () -> ()
      "tpu.region"() ({
        %run_scoped3A = tpu.sem_alloc : memref<!tpu.dma_semaphore, #tpu.memory_space<semaphore_mem>>
        %dma_start3A = tpu.memref_slice %arg10[%multiple_of3A] : memref<10240xf32, #tpu.memory_space<hbm>> -> memref<640xf32, #tpu.memory_space<hbm>>
        %dma_start3A_44 = tpu.memref_slice %arg18[%multiple_of3A] : memref<10240xf32, #tpu.memory_space<vmem_shared>> -> memref<640xf32, #tpu.memory_space<vmem_shared>>
        tpu.enqueue_dma source(%dma_start3A_44 : memref<640xf32, #tpu.memory_space<vmem_shared>>) target(%dma_start3A : memref<640xf32, #tpu.memory_space<hbm>>) target_semaphore(%run_scoped3A : memref<!tpu.dma_semaphore, #tpu.memory_space<semaphore_mem>>)
        %dma_wait3A = tpu.memref_slice %arg10[%multiple_of3A] : memref<10240xf32, #tpu.memory_space<hbm>> -> memref<640xf32, #tpu.memory_space<hbm>>
        %dma_wait3A_45 = tpu.memref_slice %arg18[%multiple_of3A] : memref<10240xf32, #tpu.memory_space<vmem_shared>> -> memref<640xf32, #tpu.memory_space<vmem_shared>>
        tpu.wait_dma2 semaphore(%run_scoped3A : memref<!tpu.dma_semaphore, #tpu.memory_space<semaphore_mem>>) src(%dma_wait3A_45 : memref<640xf32, #tpu.memory_space<vmem_shared>>) dst(%dma_wait3A : memref<640xf32, #tpu.memory_space<hbm>>)
        tpu.yield
      }) : () -> ()
    } else {
    }
    return
  }
}

#map = affine_map<(d0, d1) -> (0, 0)>
#map1 = affine_map<(d0, d1) -> (0, 0, 0, 0)>
#map2 = affine_map<(d0, d1) -> (0)>
module attributes {stable_mosaic.version = 14 : i64} {
  func.func @k(%arg0: i32, %arg1: i32, %arg2: memref<10000x128xf32, #tpu.memory_space<hbm>>, %arg3: memref<32x5x25x80xi32, #tpu.memory_space<hbm>>, %arg4: memref<32x5x25x80xi32, #tpu.memory_space<hbm>>, %arg5: memref<10240x128xf32, #tpu.memory_space<hbm>>, %arg6: memref<10240xf32, #tpu.memory_space<hbm>>, %arg7: memref<10240x128xf32, #tpu.memory_space<hbm>>, %arg8: memref<10240x128xf32, #tpu.memory_space<hbm>>, %arg9: memref<10240xf32, #tpu.memory_space<hbm>>, %arg10: memref<10240xf32, #tpu.memory_space<hbm>>, %arg11: memref<25x80xi32, #tpu.memory_space<vmem>>, %arg12: memref<25x80xi32, #tpu.memory_space<vmem>>, %arg13: memref<80x128xf32, #tpu.memory_space<vmem>>, %arg14: memref<80x128xf32, #tpu.memory_space<vmem>>, %arg15: memref<80x128xf32, #tpu.memory_space<vmem>>, %arg16: memref<80xf32, #tpu.memory_space<vmem>>, %arg17: memref<10240x128xf32, #tpu.memory_space<vmem_shared>>, %arg18: memref<10240xf32, #tpu.memory_space<vmem_shared>>, %arg19: memref<!tpu.dma_semaphore, #tpu.memory_space<semaphore_mem>>, %arg20: memref<!tpu.dma_semaphore, #tpu.memory_space<semaphore_mem>>, %arg21: memref<!tpu.dma_semaphore, #tpu.memory_space<semaphore_mem>>, %arg22: memref<!tpu.dma_semaphore, #tpu.memory_space<semaphore_mem>>) attributes {dimension_semantics = [#tpu.dimension_semantics<core_parallel>, #tpu.dimension_semantics<subcore_parallel>], iteration_bounds = array<i64: 2, 16>, scalar_prefetch = 0 : i64, scratch_operands = 12 : i64, tpu.core_type = #tpu.core_type<sc_vector_subcore>, window_params = [{transform_indices = #map}, {transform_indices = #map1}, {transform_indices = #map1}, {transform_indices = #map}, {transform_indices = #map2}, {transform_indices = #map}, {transform_indices = #map}, {transform_indices = #map2}, {transform_indices = #map2}]} {
    %mul3A = arith.constant 2 : i32
    %mul3A_0 = arith.muli %arg1, %mul3A : i32
    %add3A = arith.addi %mul3A_0, %arg0 : i32
    %mul3A_1 = arith.constant 640 : i32
    %mul3A_2 = arith.muli %arg1, %mul3A_1 : i32
    %multiple_of3A = tpu.assume_multiple %mul3A_2, 640 : i32
    "tpu.region"() ({
      %run_scoped3A = tpu.sem_alloc : memref<!tpu.dma_semaphore, #tpu.memory_space<semaphore_mem>>
      %dma_start3A = arith.constant 0 : i32
      %dma_start3A_44 = tpu.memref_slice %arg17[%multiple_of3A, %dma_start3A] : memref<10240x128xf32, #tpu.memory_space<vmem_shared>> -> memref<640x128xf32, #tpu.memory_space<vmem_shared>>
      %dma_start3A_45 = arith.constant 0 : i32
      %dma_start3A_46 = tpu.memref_slice %arg5[%multiple_of3A, %dma_start3A_45] : memref<10240x128xf32, #tpu.memory_space<hbm>> -> memref<640x128xf32, #tpu.memory_space<hbm>>
      tpu.enqueue_dma source(%dma_start3A_46 : memref<640x128xf32, #tpu.memory_space<hbm>>) target(%dma_start3A_44 : memref<640x128xf32, #tpu.memory_space<vmem_shared>>) target_semaphore(%run_scoped3A : memref<!tpu.dma_semaphore, #tpu.memory_space<semaphore_mem>>)
      %dma_wait3A = arith.constant 0 : i32
      %dma_wait3A_47 = tpu.memref_slice %arg17[%multiple_of3A, %dma_wait3A] : memref<10240x128xf32, #tpu.memory_space<vmem_shared>> -> memref<640x128xf32, #tpu.memory_space<vmem_shared>>
      %dma_wait3A_48 = arith.constant 0 : i32
      %dma_wait3A_49 = tpu.memref_slice %arg5[%multiple_of3A, %dma_wait3A_48] : memref<10240x128xf32, #tpu.memory_space<hbm>> -> memref<640x128xf32, #tpu.memory_space<hbm>>
      tpu.wait_dma2 semaphore(%run_scoped3A : memref<!tpu.dma_semaphore, #tpu.memory_space<semaphore_mem>>) src(%dma_wait3A_49 : memref<640x128xf32, #tpu.memory_space<hbm>>) dst(%dma_wait3A_47 : memref<640x128xf32, #tpu.memory_space<vmem_shared>>)
      tpu.yield
    }) : () -> ()
    "tpu.region"() ({
      %run_scoped3A = tpu.sem_alloc : memref<!tpu.dma_semaphore, #tpu.memory_space<semaphore_mem>>
      %dma_start3A = tpu.memref_slice %arg18[%multiple_of3A] : memref<10240xf32, #tpu.memory_space<vmem_shared>> -> memref<640xf32, #tpu.memory_space<vmem_shared>>
      %dma_start3A_44 = tpu.memref_slice %arg6[%multiple_of3A] : memref<10240xf32, #tpu.memory_space<hbm>> -> memref<640xf32, #tpu.memory_space<hbm>>
      tpu.enqueue_dma source(%dma_start3A_44 : memref<640xf32, #tpu.memory_space<hbm>>) target(%dma_start3A : memref<640xf32, #tpu.memory_space<vmem_shared>>) target_semaphore(%run_scoped3A : memref<!tpu.dma_semaphore, #tpu.memory_space<semaphore_mem>>)
      %dma_wait3A = tpu.memref_slice %arg18[%multiple_of3A] : memref<10240xf32, #tpu.memory_space<vmem_shared>> -> memref<640xf32, #tpu.memory_space<vmem_shared>>
      %dma_wait3A_45 = tpu.memref_slice %arg6[%multiple_of3A] : memref<10240xf32, #tpu.memory_space<hbm>> -> memref<640xf32, #tpu.memory_space<hbm>>
      tpu.wait_dma2 semaphore(%run_scoped3A : memref<!tpu.dma_semaphore, #tpu.memory_space<semaphore_mem>>) src(%dma_wait3A_45 : memref<640xf32, #tpu.memory_space<hbm>>) dst(%dma_wait3A : memref<640xf32, #tpu.memory_space<vmem_shared>>)
      tpu.yield
    }) : () -> ()
    %broadcast_in_dim3A = arith.constant 1.000000e+00 : f32
    %broadcast_in_dim3A_3 = vector.broadcast %broadcast_in_dim3A : f32 to vector<16xf32>
    %swap3A = arith.constant 0 : index
    %swap3A_4 = tpu.vector_load %arg16[%swap3A] {strides = array<i32>} : memref<80xf32, #tpu.memory_space<vmem>>, vector<16xf32>,
    %swap3A_5 = vector.shape_cast %swap3A_4 : vector<16xf32> to vector<16xf32>
    %swap3A_6 = vector.shape_cast %broadcast_in_dim3A_3 : vector<16xf32> to vector<16xf32>
    tpu.vector_store %arg16[%swap3A], %swap3A_6 {strides = array<i32>} : memref<80xf32, #tpu.memory_space<vmem>>, vector<16xf32>,
    %broadcast_in_dim3A_7 = arith.constant 1.000000e+00 : f32
    %broadcast_in_dim3A_8 = vector.broadcast %broadcast_in_dim3A_7 : f32 to vector<16xf32>
    %swap3A_9 = arith.constant 16 : index
    %swap3A_10 = tpu.vector_load %arg16[%swap3A_9] {strides = array<i32>} : memref<80xf32, #tpu.memory_space<vmem>>, vector<16xf32>,
    %swap3A_11 = vector.shape_cast %swap3A_10 : vector<16xf32> to vector<16xf32>
    %swap3A_12 = vector.shape_cast %broadcast_in_dim3A_8 : vector<16xf32> to vector<16xf32>
    tpu.vector_store %arg16[%swap3A_9], %swap3A_12 {strides = array<i32>} : memref<80xf32, #tpu.memory_space<vmem>>, vector<16xf32>,
    %broadcast_in_dim3A_13 = arith.constant 1.000000e+00 : f32
    %broadcast_in_dim3A_14 = vector.broadcast %broadcast_in_dim3A_13 : f32 to vector<16xf32>
    %swap3A_15 = arith.constant 32 : index
    %swap3A_16 = tpu.vector_load %arg16[%swap3A_15] {strides = array<i32>} : memref<80xf32, #tpu.memory_space<vmem>>, vector<16xf32>,
    %swap3A_17 = vector.shape_cast %swap3A_16 : vector<16xf32> to vector<16xf32>
    %swap3A_18 = vector.shape_cast %broadcast_in_dim3A_14 : vector<16xf32> to vector<16xf32>
    tpu.vector_store %arg16[%swap3A_15], %swap3A_18 {strides = array<i32>} : memref<80xf32, #tpu.memory_space<vmem>>, vector<16xf32>,
    %broadcast_in_dim3A_19 = arith.constant 1.000000e+00 : f32
    %broadcast_in_dim3A_20 = vector.broadcast %broadcast_in_dim3A_19 : f32 to vector<16xf32>
    %swap3A_21 = arith.constant 48 : index
    %swap3A_22 = tpu.vector_load %arg16[%swap3A_21] {strides = array<i32>} : memref<80xf32, #tpu.memory_space<vmem>>, vector<16xf32>,
    %swap3A_23 = vector.shape_cast %swap3A_22 : vector<16xf32> to vector<16xf32>
    %swap3A_24 = vector.shape_cast %broadcast_in_dim3A_20 : vector<16xf32> to vector<16xf32>
    tpu.vector_store %arg16[%swap3A_21], %swap3A_24 {strides = array<i32>} : memref<80xf32, #tpu.memory_space<vmem>>, vector<16xf32>,
    %broadcast_in_dim3A_25 = arith.constant 1.000000e+00 : f32
    %broadcast_in_dim3A_26 = vector.broadcast %broadcast_in_dim3A_25 : f32 to vector<16xf32>
    %swap3A_27 = arith.constant 64 : index
    %swap3A_28 = tpu.vector_load %arg16[%swap3A_27] {strides = array<i32>} : memref<80xf32, #tpu.memory_space<vmem>>, vector<16xf32>,
    %swap3A_29 = vector.shape_cast %swap3A_28 : vector<16xf32> to vector<16xf32>
    %swap3A_30 = vector.shape_cast %broadcast_in_dim3A_26 : vector<16xf32> to vector<16xf32>
    tpu.vector_store %arg16[%swap3A_27], %swap3A_30 {strides = array<i32>} : memref<80xf32, #tpu.memory_space<vmem>>, vector<16xf32>,
    %barrier3A = arith.constant 0 : index
    tpu.barrier barrier_id(%barrier3A)
    %scan3A = arith.constant 0 : i32
    %scan3A_31 = arith.constant 0 : i32
    %scan3A_32 = arith.constant 5 : i32
    %scan3A_33 = arith.addi %scan3A_31, %scan3A_32 : i32
    %scan3A_34 = arith.constant 1 : i32
    scf.for %scan3A_44 = %scan3A_31 to %scan3A_33 step %scan3A_34  : i32 {
      "tpu.region"() ({
        %run_scoped3A_138 = tpu.sem_alloc : memref<!tpu.dma_semaphore, #tpu.memory_space<semaphore_mem>>
        %dma_start3A_139 = arith.constant 0 : i32
        %dma_start3A_140 = arith.constant 0 : i32
        %dma_start3A_141 = tpu.memref_slice %arg3[%add3A, %scan3A_44, %dma_start3A_139, %dma_start3A_140] : memref<32x5x25x80xi32, #tpu.memory_space<hbm>> -> memref<1x1x25x80xi32, #tpu.memory_space<hbm>>
        %dma_start3A_142 = tpu.memref_squeeze %dma_start3A_141 : memref<1x1x25x80xi32, #tpu.memory_space<hbm>> -> memref<25x80xi32, #tpu.memory_space<hbm>>
        %dma_start3A_143 = arith.constant 0 : i32
        %dma_start3A_144 = arith.constant 0 : i32
        %dma_start3A_145 = tpu.memref_slice %arg3[%add3A, %scan3A_44, %dma_start3A_143, %dma_start3A_144] : memref<32x5x25x80xi32, #tpu.memory_space<hbm>> -> memref<1x1x25x80xi32, #tpu.memory_space<hbm>>
        %dma_start3A_146 = tpu.memref_squeeze %dma_start3A_145 : memref<1x1x25x80xi32, #tpu.memory_space<hbm>> -> memref<25x80xi32, #tpu.memory_space<hbm>>
        tpu.enqueue_dma source(%dma_start3A_146 : memref<25x80xi32, #tpu.memory_space<hbm>>) target(%arg11 : memref<25x80xi32, #tpu.memory_space<vmem>>) target_semaphore(%run_scoped3A_138 : memref<!tpu.dma_semaphore, #tpu.memory_space<semaphore_mem>>)
        %dma_wait3A_147 = arith.constant 0 : i32
        %dma_wait3A_148 = arith.constant 0 : i32
        %dma_wait3A_149 = tpu.memref_slice %arg3[%add3A, %scan3A_44, %dma_wait3A_147, %dma_wait3A_148] : memref<32x5x25x80xi32, #tpu.memory_space<hbm>> -> memref<1x1x25x80xi32, #tpu.memory_space<hbm>>
        %dma_wait3A_150 = tpu.memref_squeeze %dma_wait3A_149 : memref<1x1x25x80xi32, #tpu.memory_space<hbm>> -> memref<25x80xi32, #tpu.memory_space<hbm>>
        %dma_wait3A_151 = arith.constant 0 : i32
        %dma_wait3A_152 = arith.constant 0 : i32
        %dma_wait3A_153 = tpu.memref_slice %arg3[%add3A, %scan3A_44, %dma_wait3A_151, %dma_wait3A_152] : memref<32x5x25x80xi32, #tpu.memory_space<hbm>> -> memref<1x1x25x80xi32, #tpu.memory_space<hbm>>
        %dma_wait3A_154 = tpu.memref_squeeze %dma_wait3A_153 : memref<1x1x25x80xi32, #tpu.memory_space<hbm>> -> memref<25x80xi32, #tpu.memory_space<hbm>>
        tpu.wait_dma2 semaphore(%run_scoped3A_138 : memref<!tpu.dma_semaphore, #tpu.memory_space<semaphore_mem>>) src(%dma_wait3A_154 : memref<25x80xi32, #tpu.memory_space<hbm>>) dst(%arg11 : memref<25x80xi32, #tpu.memory_space<vmem>>)
        tpu.yield
      }) : () -> ()
      "tpu.region"() ({
        %run_scoped3A_138 = tpu.sem_alloc : memref<!tpu.dma_semaphore, #tpu.memory_space<semaphore_mem>>
        %dma_start3A_139 = arith.constant 0 : i32
        %dma_start3A_140 = arith.constant 0 : i32
        %dma_start3A_141 = tpu.memref_slice %arg4[%add3A, %scan3A_44, %dma_start3A_139, %dma_start3A_140] : memref<32x5x25x80xi32, #tpu.memory_space<hbm>> -> memref<1x1x25x80xi32, #tpu.memory_space<hbm>>
        %dma_start3A_142 = tpu.memref_squeeze %dma_start3A_141 : memref<1x1x25x80xi32, #tpu.memory_space<hbm>> -> memref<25x80xi32, #tpu.memory_space<hbm>>
        %dma_start3A_143 = arith.constant 0 : i32
        %dma_start3A_144 = arith.constant 0 : i32
        %dma_start3A_145 = tpu.memref_slice %arg4[%add3A, %scan3A_44, %dma_start3A_143, %dma_start3A_144] : memref<32x5x25x80xi32, #tpu.memory_space<hbm>> -> memref<1x1x25x80xi32, #tpu.memory_space<hbm>>
        %dma_start3A_146 = tpu.memref_squeeze %dma_start3A_145 : memref<1x1x25x80xi32, #tpu.memory_space<hbm>> -> memref<25x80xi32, #tpu.memory_space<hbm>>
        tpu.enqueue_dma source(%dma_start3A_146 : memref<25x80xi32, #tpu.memory_space<hbm>>) target(%arg12 : memref<25x80xi32, #tpu.memory_space<vmem>>) target_semaphore(%run_scoped3A_138 : memref<!tpu.dma_semaphore, #tpu.memory_space<semaphore_mem>>)
        %dma_wait3A_147 = arith.constant 0 : i32
        %dma_wait3A_148 = arith.constant 0 : i32
        %dma_wait3A_149 = tpu.memref_slice %arg4[%add3A, %scan3A_44, %dma_wait3A_147, %dma_wait3A_148] : memref<32x5x25x80xi32, #tpu.memory_space<hbm>> -> memref<1x1x25x80xi32, #tpu.memory_space<hbm>>
        %dma_wait3A_150 = tpu.memref_squeeze %dma_wait3A_149 : memref<1x1x25x80xi32, #tpu.memory_space<hbm>> -> memref<25x80xi32, #tpu.memory_space<hbm>>
        %dma_wait3A_151 = arith.constant 0 : i32
        %dma_wait3A_152 = arith.constant 0 : i32
        %dma_wait3A_153 = tpu.memref_slice %arg4[%add3A, %scan3A_44, %dma_wait3A_151, %dma_wait3A_152] : memref<32x5x25x80xi32, #tpu.memory_space<hbm>> -> memref<1x1x25x80xi32, #tpu.memory_space<hbm>>
        %dma_wait3A_154 = tpu.memref_squeeze %dma_wait3A_153 : memref<1x1x25x80xi32, #tpu.memory_space<hbm>> -> memref<25x80xi32, #tpu.memory_space<hbm>>
        tpu.wait_dma2 semaphore(%run_scoped3A_138 : memref<!tpu.dma_semaphore, #tpu.memory_space<semaphore_mem>>) src(%dma_wait3A_154 : memref<25x80xi32, #tpu.memory_space<hbm>>) dst(%arg12 : memref<25x80xi32, #tpu.memory_space<vmem>>)
        tpu.yield
      }) : () -> ()
      %dma_start3A = arith.constant 0 : i32
      %dma_start3A_45 = arith.constant 0 : i32
      %dma_start3A_46 = tpu.memref_slice %arg11[%dma_start3A, %dma_start3A_45] : memref<25x80xi32, #tpu.memory_space<vmem>> -> memref<1x80xi32, #tpu.memory_space<vmem>>
      %dma_start3A_47 = tpu.memref_squeeze %dma_start3A_46 : memref<1x80xi32, #tpu.memory_space<vmem>> -> memref<80xi32, #tpu.memory_space<vmem>>
      %dma_start3A_48 = arith.constant 0 : i32
      %dma_start3A_49 = arith.constant 0 : i32
      %dma_start3A_50 = tpu.memref_slice %arg2[%dma_start3A_48, %dma_start3A_49] : memref<10000x128xf32, #tpu.memory_space<hbm>> -> memref<10000x128xf32, #tpu.memory_space<hbm>>
      tpu.enqueue_indirect_dma source(%dma_start3A_50 : memref<10000x128xf32, #tpu.memory_space<hbm>>) target(%arg13 : memref<80x128xf32, #tpu.memory_space<vmem>>) offsets(%dma_start3A_47 : memref<80xi32, #tpu.memory_space<vmem>>) semaphore(%arg19 : memref<!tpu.dma_semaphore, #tpu.memory_space<semaphore_mem>>)
      %dma_start3A_51 = arith.constant 1 : i32
      %dma_start3A_52 = arith.constant 0 : i32
      %dma_start3A_53 = tpu.memref_slice %arg11[%dma_start3A_51, %dma_start3A_52] : memref<25x80xi32, #tpu.memory_space<vmem>> -> memref<1x80xi32, #tpu.memory_space<vmem>>
      %dma_start3A_54 = tpu.memref_squeeze %dma_start3A_53 : memref<1x80xi32, #tpu.memory_space<vmem>> -> memref<80xi32, #tpu.memory_space<vmem>>
      %dma_start3A_55 = arith.constant 0 : i32
      %dma_start3A_56 = arith.constant 0 : i32
      %dma_start3A_57 = tpu.memref_slice %arg2[%dma_start3A_55, %dma_start3A_56] : memref<10000x128xf32, #tpu.memory_space<hbm>> -> memref<10000x128xf32, #tpu.memory_space<hbm>>
      tpu.enqueue_indirect_dma source(%dma_start3A_57 : memref<10000x128xf32, #tpu.memory_space<hbm>>) target(%arg14 : memref<80x128xf32, #tpu.memory_space<vmem>>) offsets(%dma_start3A_54 : memref<80xi32, #tpu.memory_space<vmem>>) semaphore(%arg20 : memref<!tpu.dma_semaphore, #tpu.memory_space<semaphore_mem>>)
      %scan3A_58 = arith.constant 0 : i32
      %scan3A_59 = arith.constant 0 : i32
      %scan3A_60 = arith.constant 7 : i32
      %scan3A_61 = arith.addi %scan3A_59, %scan3A_60 : i32
      %scan3A_62 = arith.constant 1 : i32
      scf.for %scan3A_138 = %scan3A_59 to %scan3A_61 step %scan3A_62  : i32 {
        %mul3A_139 = arith.constant 3 : i32
        %mul3A_140 = arith.muli %scan3A_138, %mul3A_139 : i32
        %add3A_141 = arith.constant 2 : i32
        %add3A_142 = arith.addi %mul3A_140, %add3A_141 : i32
        %dma_start3A_143 = arith.constant 0 : i32
        %dma_start3A_144 = tpu.memref_slice %arg11[%add3A_142, %dma_start3A_143] : memref<25x80xi32, #tpu.memory_space<vmem>> -> memref<1x80xi32, #tpu.memory_space<vmem>>
        %dma_start3A_145 = tpu.memref_squeeze %dma_start3A_144 : memref<1x80xi32, #tpu.memory_space<vmem>> -> memref<80xi32, #tpu.memory_space<vmem>>
        %dma_start3A_146 = arith.constant 0 : i32
        %dma_start3A_147 = arith.constant 0 : i32
        %dma_start3A_148 = tpu.memref_slice %arg2[%dma_start3A_146, %dma_start3A_147] : memref<10000x128xf32, #tpu.memory_space<hbm>> -> memref<10000x128xf32, #tpu.memory_space<hbm>>
        tpu.enqueue_indirect_dma source(%dma_start3A_148 : memref<10000x128xf32, #tpu.memory_space<hbm>>) target(%arg15 : memref<80x128xf32, #tpu.memory_space<vmem>>) offsets(%dma_start3A_145 : memref<80xi32, #tpu.memory_space<vmem>>) semaphore(%arg21 : memref<!tpu.dma_semaphore, #tpu.memory_space<semaphore_mem>>)
        %dma_wait3A_149 = arith.constant 0 : i32
        %dma_wait3A_150 = arith.constant 0 : i32
        %dma_wait3A_151 = tpu.memref_slice %arg11[%dma_wait3A_149, %dma_wait3A_150] : memref<25x80xi32, #tpu.memory_space<vmem>> -> memref<1x80xi32, #tpu.memory_space<vmem>>
        %dma_wait3A_152 = tpu.memref_squeeze %dma_wait3A_151 : memref<1x80xi32, #tpu.memory_space<vmem>> -> memref<80xi32, #tpu.memory_space<vmem>>
        %dma_wait3A_153 = arith.constant 0 : i32
        %dma_wait3A_154 = arith.constant 0 : i32
        %dma_wait3A_155 = tpu.memref_slice %arg2[%dma_wait3A_153, %dma_wait3A_154] : memref<10000x128xf32, #tpu.memory_space<hbm>> -> memref<10000x128xf32, #tpu.memory_space<hbm>>
        tpu.wait_indirect_dma semaphore(%arg19 : memref<!tpu.dma_semaphore, #tpu.memory_space<semaphore_mem>>) src(%dma_wait3A_155 : memref<10000x128xf32, #tpu.memory_space<hbm>>) dst(%arg13 : memref<80x128xf32, #tpu.memory_space<vmem>>)
        "tpu.region"() ({
          %run_scoped3A_205 = tpu.sem_alloc : memref<!tpu.dma_semaphore, #tpu.memory_space<semaphore_mem>>
          %dma_start3A_206 = arith.constant 0 : i32
          %dma_start3A_207 = tpu.memref_slice %arg12[%mul3A_140, %dma_start3A_206] : memref<25x80xi32, #tpu.memory_space<vmem>> -> memref<1x80xi32, #tpu.memory_space<vmem>>
          %dma_start3A_208 = tpu.memref_squeeze %dma_start3A_207 : memref<1x80xi32, #tpu.memory_space<vmem>> -> memref<80xi32, #tpu.memory_space<vmem>>
          %dma_start3A_209 = arith.constant 0 : i32
          %dma_start3A_210 = arith.constant 0 : i32
          %dma_start3A_211 = tpu.memref_slice %arg17[%dma_start3A_209, %dma_start3A_210] : memref<10240x128xf32, #tpu.memory_space<vmem_shared>> -> memref<10240x128xf32, #tpu.memory_space<vmem_shared>>
          tpu.enqueue_indirect_dma source(%arg13 : memref<80x128xf32, #tpu.memory_space<vmem>>) target(%dma_start3A_211 : memref<10240x128xf32, #tpu.memory_space<vmem_shared>>) offsets(%dma_start3A_208 : memref<80xi32, #tpu.memory_space<vmem>>) semaphore(%run_scoped3A_205 : memref<!tpu.dma_semaphore, #tpu.memory_space<semaphore_mem>>) {add = true}
          %dma_wait3A_212 = arith.constant 0 : i32
          %dma_wait3A_213 = tpu.memref_slice %arg12[%mul3A_140, %dma_wait3A_212] : memref<25x80xi32, #tpu.memory_space<vmem>> -> memref<1x80xi32, #tpu.memory_space<vmem>>
          %dma_wait3A_214 = tpu.memref_squeeze %dma_wait3A_213 : memref<1x80xi32, #tpu.memory_space<vmem>> -> memref<80xi32, #tpu.memory_space<vmem>>
          %dma_wait3A_215 = arith.constant 0 : i32
          %dma_wait3A_216 = arith.constant 0 : i32
          %dma_wait3A_217 = tpu.memref_slice %arg17[%dma_wait3A_215, %dma_wait3A_216] : memref<10240x128xf32, #tpu.memory_space<vmem_shared>> -> memref<10240x128xf32, #tpu.memory_space<vmem_shared>>
          tpu.wait_indirect_dma semaphore(%run_scoped3A_205 : memref<!tpu.dma_semaphore, #tpu.memory_space<semaphore_mem>>) src(%arg13 : memref<80x128xf32, #tpu.memory_space<vmem>>) dst(%dma_wait3A_217 : memref<10240x128xf32, #tpu.memory_space<vmem_shared>>)
          tpu.yield
        }) : () -> ()
        %dma_start3A_156 = arith.constant 0 : i32
        %dma_start3A_157 = tpu.memref_slice %arg12[%mul3A_140, %dma_start3A_156] : memref<25x80xi32, #tpu.memory_space<vmem>> -> memref<1x80xi32, #tpu.memory_space<vmem>>
        %dma_start3A_158 = tpu.memref_squeeze %dma_start3A_157 : memref<1x80xi32, #tpu.memory_space<vmem>> -> memref<80xi32, #tpu.memory_space<vmem>>
        %dma_start3A_159 = arith.constant 0 : i32
        %dma_start3A_160 = tpu.memref_slice %arg18[%dma_start3A_159] : memref<10240xf32, #tpu.memory_space<vmem_shared>> -> memref<10240xf32, #tpu.memory_space<vmem_shared>>
        tpu.enqueue_indirect_dma source(%arg16 : memref<80xf32, #tpu.memory_space<vmem>>) target(%dma_start3A_160 : memref<10240xf32, #tpu.memory_space<vmem_shared>>) offsets(%dma_start3A_158 : memref<80xi32, #tpu.memory_space<vmem>>) semaphore(%arg22 : memref<!tpu.dma_semaphore, #tpu.memory_space<semaphore_mem>>) {add = true}
        %add3A_161 = arith.constant 3 : i32
        %add3A_162 = arith.addi %mul3A_140, %add3A_161 : i32
        %dma_start3A_163 = arith.constant 0 : i32
        %dma_start3A_164 = tpu.memref_slice %arg11[%add3A_162, %dma_start3A_163] : memref<25x80xi32, #tpu.memory_space<vmem>> -> memref<1x80xi32, #tpu.memory_space<vmem>>
        %dma_start3A_165 = tpu.memref_squeeze %dma_start3A_164 : memref<1x80xi32, #tpu.memory_space<vmem>> -> memref<80xi32, #tpu.memory_space<vmem>>
        %dma_start3A_166 = arith.constant 0 : i32
        %dma_start3A_167 = arith.constant 0 : i32
        %dma_start3A_168 = tpu.memref_slice %arg2[%dma_start3A_166, %dma_start3A_167] : memref<10000x128xf32, #tpu.memory_space<hbm>> -> memref<10000x128xf32, #tpu.memory_space<hbm>>
        tpu.enqueue_indirect_dma source(%dma_start3A_168 : memref<10000x128xf32, #tpu.memory_space<hbm>>) target(%arg13 : memref<80x128xf32, #tpu.memory_space<vmem>>) offsets(%dma_start3A_165 : memref<80xi32, #tpu.memory_space<vmem>>) semaphore(%arg19 : memref<!tpu.dma_semaphore, #tpu.memory_space<semaphore_mem>>)
        %dma_wait3A_169 = arith.constant 0 : i32
        %dma_wait3A_170 = arith.constant 0 : i32
        %dma_wait3A_171 = tpu.memref_slice %arg11[%dma_wait3A_169, %dma_wait3A_170] : memref<25x80xi32, #tpu.memory_space<vmem>> -> memref<1x80xi32, #tpu.memory_space<vmem>>
        %dma_wait3A_172 = tpu.memref_squeeze %dma_wait3A_171 : memref<1x80xi32, #tpu.memory_space<vmem>> -> memref<80xi32, #tpu.memory_space<vmem>>
        %dma_wait3A_173 = arith.constant 0 : i32
        %dma_wait3A_174 = arith.constant 0 : i32
        %dma_wait3A_175 = tpu.memref_slice %arg2[%dma_wait3A_173, %dma_wait3A_174] : memref<10000x128xf32, #tpu.memory_space<hbm>> -> memref<10000x128xf32, #tpu.memory_space<hbm>>
        tpu.wait_indirect_dma semaphore(%arg20 : memref<!tpu.dma_semaphore, #tpu.memory_space<semaphore_mem>>) src(%dma_wait3A_175 : memref<10000x128xf32, #tpu.memory_space<hbm>>) dst(%arg14 : memref<80x128xf32, #tpu.memory_space<vmem>>)
        %add3A_176 = arith.constant 1 : i32
        %add3A_177 = arith.addi %mul3A_140, %add3A_176 : i32
        "tpu.region"() ({
          %run_scoped3A_205 = tpu.sem_alloc : memref<!tpu.dma_semaphore, #tpu.memory_space<semaphore_mem>>
          %dma_start3A_206 = arith.constant 0 : i32
          %dma_start3A_207 = tpu.memref_slice %arg12[%add3A_177, %dma_start3A_206] : memref<25x80xi32, #tpu.memory_space<vmem>> -> memref<1x80xi32, #tpu.memory_space<vmem>>
          %dma_start3A_208 = tpu.memref_squeeze %dma_start3A_207 : memref<1x80xi32, #tpu.memory_space<vmem>> -> memref<80xi32, #tpu.memory_space<vmem>>
          %dma_start3A_209 = arith.constant 0 : i32
          %dma_start3A_210 = arith.constant 0 : i32
          %dma_start3A_211 = tpu.memref_slice %arg17[%dma_start3A_209, %dma_start3A_210] : memref<10240x128xf32, #tpu.memory_space<vmem_shared>> -> memref<10240x128xf32, #tpu.memory_space<vmem_shared>>
          tpu.enqueue_indirect_dma source(%arg14 : memref<80x128xf32, #tpu.memory_space<vmem>>) target(%dma_start3A_211 : memref<10240x128xf32, #tpu.memory_space<vmem_shared>>) offsets(%dma_start3A_208 : memref<80xi32, #tpu.memory_space<vmem>>) semaphore(%run_scoped3A_205 : memref<!tpu.dma_semaphore, #tpu.memory_space<semaphore_mem>>) {add = true}
          %dma_wait3A_212 = arith.constant 0 : i32
          %dma_wait3A_213 = tpu.memref_slice %arg12[%add3A_177, %dma_wait3A_212] : memref<25x80xi32, #tpu.memory_space<vmem>> -> memref<1x80xi32, #tpu.memory_space<vmem>>
          %dma_wait3A_214 = tpu.memref_squeeze %dma_wait3A_213 : memref<1x80xi32, #tpu.memory_space<vmem>> -> memref<80xi32, #tpu.memory_space<vmem>>
          %dma_wait3A_215 = arith.constant 0 : i32
          %dma_wait3A_216 = arith.constant 0 : i32
          %dma_wait3A_217 = tpu.memref_slice %arg17[%dma_wait3A_215, %dma_wait3A_216] : memref<10240x128xf32, #tpu.memory_space<vmem_shared>> -> memref<10240x128xf32, #tpu.memory_space<vmem_shared>>
          tpu.wait_indirect_dma semaphore(%run_scoped3A_205 : memref<!tpu.dma_semaphore, #tpu.memory_space<semaphore_mem>>) src(%arg14 : memref<80x128xf32, #tpu.memory_space<vmem>>) dst(%dma_wait3A_217 : memref<10240x128xf32, #tpu.memory_space<vmem_shared>>)
          tpu.yield
        }) : () -> ()
        %dma_start3A_178 = arith.constant 0 : i32
        %dma_start3A_179 = tpu.memref_slice %arg12[%add3A_177, %dma_start3A_178] : memref<25x80xi32, #tpu.memory_space<vmem>> -> memref<1x80xi32, #tpu.memory_space<vmem>>
        %dma_start3A_180 = tpu.memref_squeeze %dma_start3A_179 : memref<1x80xi32, #tpu.memory_space<vmem>> -> memref<80xi32, #tpu.memory_space<vmem>>
        %dma_start3A_181 = arith.constant 0 : i32
        %dma_start3A_182 = tpu.memref_slice %arg18[%dma_start3A_181] : memref<10240xf32, #tpu.memory_space<vmem_shared>> -> memref<10240xf32, #tpu.memory_space<vmem_shared>>
        tpu.enqueue_indirect_dma source(%arg16 : memref<80xf32, #tpu.memory_space<vmem>>) target(%dma_start3A_182 : memref<10240xf32, #tpu.memory_space<vmem_shared>>) offsets(%dma_start3A_180 : memref<80xi32, #tpu.memory_space<vmem>>) semaphore(%arg22 : memref<!tpu.dma_semaphore, #tpu.memory_space<semaphore_mem>>) {add = true}
        %add3A_183 = arith.constant 4 : i32
        %add3A_184 = arith.addi %mul3A_140, %add3A_183 : i32
        %dma_start3A_185 = arith.constant 0 : i32
        %dma_start3A_186 = tpu.memref_slice %arg11[%add3A_184, %dma_start3A_185] : memref<25x80xi32, #tpu.memory_space<vmem>> -> memref<1x80xi32, #tpu.memory_space<vmem>>
        %dma_start3A_187 = tpu.memref_squeeze %dma_start3A_186 : memref<1x80xi32, #tpu.memory_space<vmem>> -> memref<80xi32, #tpu.memory_space<vmem>>
        %dma_start3A_188 = arith.constant 0 : i32
        %dma_start3A_189 = arith.constant 0 : i32
        %dma_start3A_190 = tpu.memref_slice %arg2[%dma_start3A_188, %dma_start3A_189] : memref<10000x128xf32, #tpu.memory_space<hbm>> -> memref<10000x128xf32, #tpu.memory_space<hbm>>
        tpu.enqueue_indirect_dma source(%dma_start3A_190 : memref<10000x128xf32, #tpu.memory_space<hbm>>) target(%arg14 : memref<80x128xf32, #tpu.memory_space<vmem>>) offsets(%dma_start3A_187 : memref<80xi32, #tpu.memory_space<vmem>>) semaphore(%arg20 : memref<!tpu.dma_semaphore, #tpu.memory_space<semaphore_mem>>)
        %dma_wait3A_191 = arith.constant 0 : i32
        %dma_wait3A_192 = arith.constant 0 : i32
        %dma_wait3A_193 = tpu.memref_slice %arg11[%dma_wait3A_191, %dma_wait3A_192] : memref<25x80xi32, #tpu.memory_space<vmem>> -> memref<1x80xi32, #tpu.memory_space<vmem>>
        %dma_wait3A_194 = tpu.memref_squeeze %dma_wait3A_193 : memref<1x80xi32, #tpu.memory_space<vmem>> -> memref<80xi32, #tpu.memory_space<vmem>>
        %dma_wait3A_195 = arith.constant 0 : i32
        %dma_wait3A_196 = arith.constant 0 : i32
        %dma_wait3A_197 = tpu.memref_slice %arg2[%dma_wait3A_195, %dma_wait3A_196] : memref<10000x128xf32, #tpu.memory_space<hbm>> -> memref<10000x128xf32, #tpu.memory_space<hbm>>
        tpu.wait_indirect_dma semaphore(%arg21 : memref<!tpu.dma_semaphore, #tpu.memory_space<semaphore_mem>>) src(%dma_wait3A_197 : memref<10000x128xf32, #tpu.memory_space<hbm>>) dst(%arg15 : memref<80x128xf32, #tpu.memory_space<vmem>>)
        %add3A_198 = arith.constant 2 : i32
        %add3A_199 = arith.addi %mul3A_140, %add3A_198 : i32
        "tpu.region"() ({
          %run_scoped3A_205 = tpu.sem_alloc : memref<!tpu.dma_semaphore, #tpu.memory_space<semaphore_mem>>
          %dma_start3A_206 = arith.constant 0 : i32
          %dma_start3A_207 = tpu.memref_slice %arg12[%add3A_199, %dma_start3A_206] : memref<25x80xi32, #tpu.memory_space<vmem>> -> memref<1x80xi32, #tpu.memory_space<vmem>>
          %dma_start3A_208 = tpu.memref_squeeze %dma_start3A_207 : memref<1x80xi32, #tpu.memory_space<vmem>> -> memref<80xi32, #tpu.memory_space<vmem>>
          %dma_start3A_209 = arith.constant 0 : i32
          %dma_start3A_210 = arith.constant 0 : i32
          %dma_start3A_211 = tpu.memref_slice %arg17[%dma_start3A_209, %dma_start3A_210] : memref<10240x128xf32, #tpu.memory_space<vmem_shared>> -> memref<10240x128xf32, #tpu.memory_space<vmem_shared>>
          tpu.enqueue_indirect_dma source(%arg15 : memref<80x128xf32, #tpu.memory_space<vmem>>) target(%dma_start3A_211 : memref<10240x128xf32, #tpu.memory_space<vmem_shared>>) offsets(%dma_start3A_208 : memref<80xi32, #tpu.memory_space<vmem>>) semaphore(%run_scoped3A_205 : memref<!tpu.dma_semaphore, #tpu.memory_space<semaphore_mem>>) {add = true}
          %dma_wait3A_212 = arith.constant 0 : i32
          %dma_wait3A_213 = tpu.memref_slice %arg12[%add3A_199, %dma_wait3A_212] : memref<25x80xi32, #tpu.memory_space<vmem>> -> memref<1x80xi32, #tpu.memory_space<vmem>>
          %dma_wait3A_214 = tpu.memref_squeeze %dma_wait3A_213 : memref<1x80xi32, #tpu.memory_space<vmem>> -> memref<80xi32, #tpu.memory_space<vmem>>
          %dma_wait3A_215 = arith.constant 0 : i32
          %dma_wait3A_216 = arith.constant 0 : i32
          %dma_wait3A_217 = tpu.memref_slice %arg17[%dma_wait3A_215, %dma_wait3A_216] : memref<10240x128xf32, #tpu.memory_space<vmem_shared>> -> memref<10240x128xf32, #tpu.memory_space<vmem_shared>>
          tpu.wait_indirect_dma semaphore(%run_scoped3A_205 : memref<!tpu.dma_semaphore, #tpu.memory_space<semaphore_mem>>) src(%arg15 : memref<80x128xf32, #tpu.memory_space<vmem>>) dst(%dma_wait3A_217 : memref<10240x128xf32, #tpu.memory_space<vmem_shared>>)
          tpu.yield
        }) : () -> ()
        %dma_start3A_200 = arith.constant 0 : i32
        %dma_start3A_201 = tpu.memref_slice %arg12[%add3A_199, %dma_start3A_200] : memref<25x80xi32, #tpu.memory_space<vmem>> -> memref<1x80xi32, #tpu.memory_space<vmem>>
        %dma_start3A_202 = tpu.memref_squeeze %dma_start3A_201 : memref<1x80xi32, #tpu.memory_space<vmem>> -> memref<80xi32, #tpu.memory_space<vmem>>
        %dma_start3A_203 = arith.constant 0 : i32
        %dma_start3A_204 = tpu.memref_slice %arg18[%dma_start3A_203] : memref<10240xf32, #tpu.memory_space<vmem_shared>> -> memref<10240xf32, #tpu.memory_space<vmem_shared>>
        tpu.enqueue_indirect_dma source(%arg16 : memref<80xf32, #tpu.memory_space<vmem>>) target(%dma_start3A_204 : memref<10240xf32, #tpu.memory_space<vmem_shared>>) offsets(%dma_start3A_202 : memref<80xi32, #tpu.memory_space<vmem>>) semaphore(%arg22 : memref<!tpu.dma_semaphore, #tpu.memory_space<semaphore_mem>>) {add = true}
      }
      %scan3A_63 = arith.constant 7 : i32
      %dma_start3A_64 = arith.constant 23 : i32
      %dma_start3A_65 = arith.constant 0 : i32
      %dma_start3A_66 = tpu.memref_slice %arg11[%dma_start3A_64, %dma_start3A_65] : memref<25x80xi32, #tpu.memory_space<vmem>> -> memref<1x80xi32, #tpu.memory_space<vmem>>
      %dma_start3A_67 = tpu.memref_squeeze %dma_start3A_66 : memref<1x80xi32, #tpu.memory_space<vmem>> -> memref<80xi32, #tpu.memory_space<vmem>>
      %dma_start3A_68 = arith.constant 0 : i32
      %dma_start3A_69 = arith.constant 0 : i32
      %dma_start3A_70 = tpu.memref_slice %arg2[%dma_start3A_68, %dma_start3A_69] : memref<10000x128xf32, #tpu.memory_space<hbm>> -> memref<10000x128xf32, #tpu.memory_space<hbm>>
      tpu.enqueue_indirect_dma source(%dma_start3A_70 : memref<10000x128xf32, #tpu.memory_space<hbm>>) target(%arg15 : memref<80x128xf32, #tpu.memory_space<vmem>>) offsets(%dma_start3A_67 : memref<80xi32, #tpu.memory_space<vmem>>) semaphore(%arg21 : memref<!tpu.dma_semaphore, #tpu.memory_space<semaphore_mem>>)
      %dma_wait3A = arith.constant 0 : i32
      %dma_wait3A_71 = arith.constant 0 : i32
      %dma_wait3A_72 = tpu.memref_slice %arg11[%dma_wait3A, %dma_wait3A_71] : memref<25x80xi32, #tpu.memory_space<vmem>> -> memref<1x80xi32, #tpu.memory_space<vmem>>
      %dma_wait3A_73 = tpu.memref_squeeze %dma_wait3A_72 : memref<1x80xi32, #tpu.memory_space<vmem>> -> memref<80xi32, #tpu.memory_space<vmem>>
      %dma_wait3A_74 = arith.constant 0 : i32
      %dma_wait3A_75 = arith.constant 0 : i32
      %dma_wait3A_76 = tpu.memref_slice %arg2[%dma_wait3A_74, %dma_wait3A_75] : memref<10000x128xf32, #tpu.memory_space<hbm>> -> memref<10000x128xf32, #tpu.memory_space<hbm>>
      tpu.wait_indirect_dma semaphore(%arg19 : memref<!tpu.dma_semaphore, #tpu.memory_space<semaphore_mem>>) src(%dma_wait3A_76 : memref<10000x128xf32, #tpu.memory_space<hbm>>) dst(%arg13 : memref<80x128xf32, #tpu.memory_space<vmem>>)
      %run_scoped3A = arith.constant 21 : i32
      "tpu.region"() ({
        %run_scoped3A_138 = tpu.sem_alloc : memref<!tpu.dma_semaphore, #tpu.memory_space<semaphore_mem>>
        %dma_start3A_139 = arith.constant 0 : i32
        %dma_start3A_140 = tpu.memref_slice %arg12[%run_scoped3A, %dma_start3A_139] : memref<25x80xi32, #tpu.memory_space<vmem>> -> memref<1x80xi32, #tpu.memory_space<vmem>>
        %dma_start3A_141 = tpu.memref_squeeze %dma_start3A_140 : memref<1x80xi32, #tpu.memory_space<vmem>> -> memref<80xi32, #tpu.memory_space<vmem>>
        %dma_start3A_142 = arith.constant 0 : i32
        %dma_start3A_143 = arith.constant 0 : i32
        %dma_start3A_144 = tpu.memref_slice %arg17[%dma_start3A_142, %dma_start3A_143] : memref<10240x128xf32, #tpu.memory_space<vmem_shared>> -> memref<10240x128xf32, #tpu.memory_space<vmem_shared>>
        tpu.enqueue_indirect_dma source(%arg13 : memref<80x128xf32, #tpu.memory_space<vmem>>) target(%dma_start3A_144 : memref<10240x128xf32, #tpu.memory_space<vmem_shared>>) offsets(%dma_start3A_141 : memref<80xi32, #tpu.memory_space<vmem>>) semaphore(%run_scoped3A_138 : memref<!tpu.dma_semaphore, #tpu.memory_space<semaphore_mem>>) {add = true}
        %dma_wait3A_145 = arith.constant 0 : i32
        %dma_wait3A_146 = tpu.memref_slice %arg12[%run_scoped3A, %dma_wait3A_145] : memref<25x80xi32, #tpu.memory_space<vmem>> -> memref<1x80xi32, #tpu.memory_space<vmem>>
        %dma_wait3A_147 = tpu.memref_squeeze %dma_wait3A_146 : memref<1x80xi32, #tpu.memory_space<vmem>> -> memref<80xi32, #tpu.memory_space<vmem>>
        %dma_wait3A_148 = arith.constant 0 : i32
        %dma_wait3A_149 = arith.constant 0 : i32
        %dma_wait3A_150 = tpu.memref_slice %arg17[%dma_wait3A_148, %dma_wait3A_149] : memref<10240x128xf32, #tpu.memory_space<vmem_shared>> -> memref<10240x128xf32, #tpu.memory_space<vmem_shared>>
        tpu.wait_indirect_dma semaphore(%run_scoped3A_138 : memref<!tpu.dma_semaphore, #tpu.memory_space<semaphore_mem>>) src(%arg13 : memref<80x128xf32, #tpu.memory_space<vmem>>) dst(%dma_wait3A_150 : memref<10240x128xf32, #tpu.memory_space<vmem_shared>>)
        tpu.yield
      }) : () -> ()
      %dma_start3A_77 = arith.constant 21 : i32
      %dma_start3A_78 = arith.constant 0 : i32
      %dma_start3A_79 = tpu.memref_slice %arg12[%dma_start3A_77, %dma_start3A_78] : memref<25x80xi32, #tpu.memory_space<vmem>> -> memref<1x80xi32, #tpu.memory_space<vmem>>
      %dma_start3A_80 = tpu.memref_squeeze %dma_start3A_79 : memref<1x80xi32, #tpu.memory_space<vmem>> -> memref<80xi32, #tpu.memory_space<vmem>>
      %dma_start3A_81 = arith.constant 0 : i32
      %dma_start3A_82 = tpu.memref_slice %arg18[%dma_start3A_81] : memref<10240xf32, #tpu.memory_space<vmem_shared>> -> memref<10240xf32, #tpu.memory_space<vmem_shared>>
      tpu.enqueue_indirect_dma source(%arg16 : memref<80xf32, #tpu.memory_space<vmem>>) target(%dma_start3A_82 : memref<10240xf32, #tpu.memory_space<vmem_shared>>) offsets(%dma_start3A_80 : memref<80xi32, #tpu.memory_space<vmem>>) semaphore(%arg22 : memref<!tpu.dma_semaphore, #tpu.memory_space<semaphore_mem>>) {add = true}
      %dma_start3A_83 = arith.constant 24 : i32
      %dma_start3A_84 = arith.constant 0 : i32
      %dma_start3A_85 = tpu.memref_slice %arg11[%dma_start3A_83, %dma_start3A_84] : memref<25x80xi32, #tpu.memory_space<vmem>> -> memref<1x80xi32, #tpu.memory_space<vmem>>
      %dma_start3A_86 = tpu.memref_squeeze %dma_start3A_85 : memref<1x80xi32, #tpu.memory_space<vmem>> -> memref<80xi32, #tpu.memory_space<vmem>>
      %dma_start3A_87 = arith.constant 0 : i32
      %dma_start3A_88 = arith.constant 0 : i32
      %dma_start3A_89 = tpu.memref_slice %arg2[%dma_start3A_87, %dma_start3A_88] : memref<10000x128xf32, #tpu.memory_space<hbm>> -> memref<10000x128xf32, #tpu.memory_space<hbm>>
      tpu.enqueue_indirect_dma source(%dma_start3A_89 : memref<10000x128xf32, #tpu.memory_space<hbm>>) target(%arg13 : memref<80x128xf32, #tpu.memory_space<vmem>>) offsets(%dma_start3A_86 : memref<80xi32, #tpu.memory_space<vmem>>) semaphore(%arg19 : memref<!tpu.dma_semaphore, #tpu.memory_space<semaphore_mem>>)
      %dma_wait3A_90 = arith.constant 0 : i32
      %dma_wait3A_91 = arith.constant 0 : i32
      %dma_wait3A_92 = tpu.memref_slice %arg11[%dma_wait3A_90, %dma_wait3A_91] : memref<25x80xi32, #tpu.memory_space<vmem>> -> memref<1x80xi32, #tpu.memory_space<vmem>>
      %dma_wait3A_93 = tpu.memref_squeeze %dma_wait3A_92 : memref<1x80xi32, #tpu.memory_space<vmem>> -> memref<80xi32, #tpu.memory_space<vmem>>
      %dma_wait3A_94 = arith.constant 0 : i32
      %dma_wait3A_95 = arith.constant 0 : i32
      %dma_wait3A_96 = tpu.memref_slice %arg2[%dma_wait3A_94, %dma_wait3A_95] : memref<10000x128xf32, #tpu.memory_space<hbm>> -> memref<10000x128xf32, #tpu.memory_space<hbm>>
      tpu.wait_indirect_dma semaphore(%arg20 : memref<!tpu.dma_semaphore, #tpu.memory_space<semaphore_mem>>) src(%dma_wait3A_96 : memref<10000x128xf32, #tpu.memory_space<hbm>>) dst(%arg14 : memref<80x128xf32, #tpu.memory_space<vmem>>)
      %run_scoped3A_97 = arith.constant 22 : i32
      "tpu.region"() ({
        %run_scoped3A_138 = tpu.sem_alloc : memref<!tpu.dma_semaphore, #tpu.memory_space<semaphore_mem>>
        %dma_start3A_139 = arith.constant 0 : i32
        %dma_start3A_140 = tpu.memref_slice %arg12[%run_scoped3A_97, %dma_start3A_139] : memref<25x80xi32, #tpu.memory_space<vmem>> -> memref<1x80xi32, #tpu.memory_space<vmem>>
        %dma_start3A_141 = tpu.memref_squeeze %dma_start3A_140 : memref<1x80xi32, #tpu.memory_space<vmem>> -> memref<80xi32, #tpu.memory_space<vmem>>
        %dma_start3A_142 = arith.constant 0 : i32
        %dma_start3A_143 = arith.constant 0 : i32
        %dma_start3A_144 = tpu.memref_slice %arg17[%dma_start3A_142, %dma_start3A_143] : memref<10240x128xf32, #tpu.memory_space<vmem_shared>> -> memref<10240x128xf32, #tpu.memory_space<vmem_shared>>
        tpu.enqueue_indirect_dma source(%arg14 : memref<80x128xf32, #tpu.memory_space<vmem>>) target(%dma_start3A_144 : memref<10240x128xf32, #tpu.memory_space<vmem_shared>>) offsets(%dma_start3A_141 : memref<80xi32, #tpu.memory_space<vmem>>) semaphore(%run_scoped3A_138 : memref<!tpu.dma_semaphore, #tpu.memory_space<semaphore_mem>>) {add = true}
        %dma_wait3A_145 = arith.constant 0 : i32
        %dma_wait3A_146 = tpu.memref_slice %arg12[%run_scoped3A_97, %dma_wait3A_145] : memref<25x80xi32, #tpu.memory_space<vmem>> -> memref<1x80xi32, #tpu.memory_space<vmem>>
        %dma_wait3A_147 = tpu.memref_squeeze %dma_wait3A_146 : memref<1x80xi32, #tpu.memory_space<vmem>> -> memref<80xi32, #tpu.memory_space<vmem>>
        %dma_wait3A_148 = arith.constant 0 : i32
        %dma_wait3A_149 = arith.constant 0 : i32
        %dma_wait3A_150 = tpu.memref_slice %arg17[%dma_wait3A_148, %dma_wait3A_149] : memref<10240x128xf32, #tpu.memory_space<vmem_shared>> -> memref<10240x128xf32, #tpu.memory_space<vmem_shared>>
        tpu.wait_indirect_dma semaphore(%run_scoped3A_138 : memref<!tpu.dma_semaphore, #tpu.memory_space<semaphore_mem>>) src(%arg14 : memref<80x128xf32, #tpu.memory_space<vmem>>) dst(%dma_wait3A_150 : memref<10240x128xf32, #tpu.memory_space<vmem_shared>>)
        tpu.yield
      }) : () -> ()
      %dma_start3A_98 = arith.constant 22 : i32
      %dma_start3A_99 = arith.constant 0 : i32
      %dma_start3A_100 = tpu.memref_slice %arg12[%dma_start3A_98, %dma_start3A_99] : memref<25x80xi32, #tpu.memory_space<vmem>> -> memref<1x80xi32, #tpu.memory_space<vmem>>
      %dma_start3A_101 = tpu.memref_squeeze %dma_start3A_100 : memref<1x80xi32, #tpu.memory_space<vmem>> -> memref<80xi32, #tpu.memory_space<vmem>>
      %dma_start3A_102 = arith.constant 0 : i32
      %dma_start3A_103 = tpu.memref_slice %arg18[%dma_start3A_102] : memref<10240xf32, #tpu.memory_space<vmem_shared>> -> memref<10240xf32, #tpu.memory_space<vmem_shared>>
      tpu.enqueue_indirect_dma source(%arg16 : memref<80xf32, #tpu.memory_space<vmem>>) target(%dma_start3A_103 : memref<10240xf32, #tpu.memory_space<vmem_shared>>) offsets(%dma_start3A_101 : memref<80xi32, #tpu.memory_space<vmem>>) semaphore(%arg22 : memref<!tpu.dma_semaphore, #tpu.memory_space<semaphore_mem>>) {add = true}
      %dma_wait3A_104 = arith.constant 0 : i32
      %dma_wait3A_105 = arith.constant 0 : i32
      %dma_wait3A_106 = tpu.memref_slice %arg11[%dma_wait3A_104, %dma_wait3A_105] : memref<25x80xi32, #tpu.memory_space<vmem>> -> memref<1x80xi32, #tpu.memory_space<vmem>>
      %dma_wait3A_107 = tpu.memref_squeeze %dma_wait3A_106 : memref<1x80xi32, #tpu.memory_space<vmem>> -> memref<80xi32, #tpu.memory_space<vmem>>
      %dma_wait3A_108 = arith.constant 0 : i32
      %dma_wait3A_109 = arith.constant 0 : i32
      %dma_wait3A_110 = tpu.memref_slice %arg2[%dma_wait3A_108, %dma_wait3A_109] : memref<10000x128xf32, #tpu.memory_space<hbm>> -> memref<10000x128xf32, #tpu.memory_space<hbm>>
      tpu.wait_indirect_dma semaphore(%arg21 : memref<!tpu.dma_semaphore, #tpu.memory_space<semaphore_mem>>) src(%dma_wait3A_110 : memref<10000x128xf32, #tpu.memory_space<hbm>>) dst(%arg15 : memref<80x128xf32, #tpu.memory_space<vmem>>)
      %run_scoped3A_111 = arith.constant 23 : i32
      "tpu.region"() ({
        %run_scoped3A_138 = tpu.sem_alloc : memref<!tpu.dma_semaphore, #tpu.memory_space<semaphore_mem>>
        %dma_start3A_139 = arith.constant 0 : i32
        %dma_start3A_140 = tpu.memref_slice %arg12[%run_scoped3A_111, %dma_start3A_139] : memref<25x80xi32, #tpu.memory_space<vmem>> -> memref<1x80xi32, #tpu.memory_space<vmem>>
        %dma_start3A_141 = tpu.memref_squeeze %dma_start3A_140 : memref<1x80xi32, #tpu.memory_space<vmem>> -> memref<80xi32, #tpu.memory_space<vmem>>
        %dma_start3A_142 = arith.constant 0 : i32
        %dma_start3A_143 = arith.constant 0 : i32
        %dma_start3A_144 = tpu.memref_slice %arg17[%dma_start3A_142, %dma_start3A_143] : memref<10240x128xf32, #tpu.memory_space<vmem_shared>> -> memref<10240x128xf32, #tpu.memory_space<vmem_shared>>
        tpu.enqueue_indirect_dma source(%arg15 : memref<80x128xf32, #tpu.memory_space<vmem>>) target(%dma_start3A_144 : memref<10240x128xf32, #tpu.memory_space<vmem_shared>>) offsets(%dma_start3A_141 : memref<80xi32, #tpu.memory_space<vmem>>) semaphore(%run_scoped3A_138 : memref<!tpu.dma_semaphore, #tpu.memory_space<semaphore_mem>>) {add = true}
        %dma_wait3A_145 = arith.constant 0 : i32
        %dma_wait3A_146 = tpu.memref_slice %arg12[%run_scoped3A_111, %dma_wait3A_145] : memref<25x80xi32, #tpu.memory_space<vmem>> -> memref<1x80xi32, #tpu.memory_space<vmem>>
        %dma_wait3A_147 = tpu.memref_squeeze %dma_wait3A_146 : memref<1x80xi32, #tpu.memory_space<vmem>> -> memref<80xi32, #tpu.memory_space<vmem>>
        %dma_wait3A_148 = arith.constant 0 : i32
        %dma_wait3A_149 = arith.constant 0 : i32
        %dma_wait3A_150 = tpu.memref_slice %arg17[%dma_wait3A_148, %dma_wait3A_149] : memref<10240x128xf32, #tpu.memory_space<vmem_shared>> -> memref<10240x128xf32, #tpu.memory_space<vmem_shared>>
        tpu.wait_indirect_dma semaphore(%run_scoped3A_138 : memref<!tpu.dma_semaphore, #tpu.memory_space<semaphore_mem>>) src(%arg15 : memref<80x128xf32, #tpu.memory_space<vmem>>) dst(%dma_wait3A_150 : memref<10240x128xf32, #tpu.memory_space<vmem_shared>>)
        tpu.yield
      }) : () -> ()
      %dma_start3A_112 = arith.constant 23 : i32
      %dma_start3A_113 = arith.constant 0 : i32
      %dma_start3A_114 = tpu.memref_slice %arg12[%dma_start3A_112, %dma_start3A_113] : memref<25x80xi32, #tpu.memory_space<vmem>> -> memref<1x80xi32, #tpu.memory_space<vmem>>
      %dma_start3A_115 = tpu.memref_squeeze %dma_start3A_114 : memref<1x80xi32, #tpu.memory_space<vmem>> -> memref<80xi32, #tpu.memory_space<vmem>>
      %dma_start3A_116 = arith.constant 0 : i32
      %dma_start3A_117 = tpu.memref_slice %arg18[%dma_start3A_116] : memref<10240xf32, #tpu.memory_space<vmem_shared>> -> memref<10240xf32, #tpu.memory_space<vmem_shared>>
      tpu.enqueue_indirect_dma source(%arg16 : memref<80xf32, #tpu.memory_space<vmem>>) target(%dma_start3A_117 : memref<10240xf32, #tpu.memory_space<vmem_shared>>) offsets(%dma_start3A_115 : memref<80xi32, #tpu.memory_space<vmem>>) semaphore(%arg22 : memref<!tpu.dma_semaphore, #tpu.memory_space<semaphore_mem>>) {add = true}
      %dma_wait3A_118 = arith.constant 0 : i32
      %dma_wait3A_119 = arith.constant 0 : i32
      %dma_wait3A_120 = tpu.memref_slice %arg11[%dma_wait3A_118, %dma_wait3A_119] : memref<25x80xi32, #tpu.memory_space<vmem>> -> memref<1x80xi32, #tpu.memory_space<vmem>>
      %dma_wait3A_121 = tpu.memref_squeeze %dma_wait3A_120 : memref<1x80xi32, #tpu.memory_space<vmem>> -> memref<80xi32, #tpu.memory_space<vmem>>
      %dma_wait3A_122 = arith.constant 0 : i32
      %dma_wait3A_123 = arith.constant 0 : i32
      %dma_wait3A_124 = tpu.memref_slice %arg2[%dma_wait3A_122, %dma_wait3A_123] : memref<10000x128xf32, #tpu.memory_space<hbm>> -> memref<10000x128xf32, #tpu.memory_space<hbm>>
      tpu.wait_indirect_dma semaphore(%arg19 : memref<!tpu.dma_semaphore, #tpu.memory_space<semaphore_mem>>) src(%dma_wait3A_124 : memref<10000x128xf32, #tpu.memory_space<hbm>>) dst(%arg13 : memref<80x128xf32, #tpu.memory_space<vmem>>)
      %run_scoped3A_125 = arith.constant 24 : i32
      "tpu.region"() ({
        %run_scoped3A_138 = tpu.sem_alloc : memref<!tpu.dma_semaphore, #tpu.memory_space<semaphore_mem>>
        %dma_start3A_139 = arith.constant 0 : i32
        %dma_start3A_140 = tpu.memref_slice %arg12[%run_scoped3A_125, %dma_start3A_139] : memref<25x80xi32, #tpu.memory_space<vmem>> -> memref<1x80xi32, #tpu.memory_space<vmem>>
        %dma_start3A_141 = tpu.memref_squeeze %dma_start3A_140 : memref<1x80xi32, #tpu.memory_space<vmem>> -> memref<80xi32, #tpu.memory_space<vmem>>
        %dma_start3A_142 = arith.constant 0 : i32
        %dma_start3A_143 = arith.constant 0 : i32
        %dma_start3A_144 = tpu.memref_slice %arg17[%dma_start3A_142, %dma_start3A_143] : memref<10240x128xf32, #tpu.memory_space<vmem_shared>> -> memref<10240x128xf32, #tpu.memory_space<vmem_shared>>
        tpu.enqueue_indirect_dma source(%arg13 : memref<80x128xf32, #tpu.memory_space<vmem>>) target(%dma_start3A_144 : memref<10240x128xf32, #tpu.memory_space<vmem_shared>>) offsets(%dma_start3A_141 : memref<80xi32, #tpu.memory_space<vmem>>) semaphore(%run_scoped3A_138 : memref<!tpu.dma_semaphore, #tpu.memory_space<semaphore_mem>>) {add = true}
        %dma_wait3A_145 = arith.constant 0 : i32
        %dma_wait3A_146 = tpu.memref_slice %arg12[%run_scoped3A_125, %dma_wait3A_145] : memref<25x80xi32, #tpu.memory_space<vmem>> -> memref<1x80xi32, #tpu.memory_space<vmem>>
        %dma_wait3A_147 = tpu.memref_squeeze %dma_wait3A_146 : memref<1x80xi32, #tpu.memory_space<vmem>> -> memref<80xi32, #tpu.memory_space<vmem>>
        %dma_wait3A_148 = arith.constant 0 : i32
        %dma_wait3A_149 = arith.constant 0 : i32
        %dma_wait3A_150 = tpu.memref_slice %arg17[%dma_wait3A_148, %dma_wait3A_149] : memref<10240x128xf32, #tpu.memory_space<vmem_shared>> -> memref<10240x128xf32, #tpu.memory_space<vmem_shared>>
        tpu.wait_indirect_dma semaphore(%run_scoped3A_138 : memref<!tpu.dma_semaphore, #tpu.memory_space<semaphore_mem>>) src(%arg13 : memref<80x128xf32, #tpu.memory_space<vmem>>) dst(%dma_wait3A_150 : memref<10240x128xf32, #tpu.memory_space<vmem_shared>>)
        tpu.yield
      }) : () -> ()
      %dma_start3A_126 = arith.constant 24 : i32
      %dma_start3A_127 = arith.constant 0 : i32
      %dma_start3A_128 = tpu.memref_slice %arg12[%dma_start3A_126, %dma_start3A_127] : memref<25x80xi32, #tpu.memory_space<vmem>> -> memref<1x80xi32, #tpu.memory_space<vmem>>
      %dma_start3A_129 = tpu.memref_squeeze %dma_start3A_128 : memref<1x80xi32, #tpu.memory_space<vmem>> -> memref<80xi32, #tpu.memory_space<vmem>>
      %dma_start3A_130 = arith.constant 0 : i32
      %dma_start3A_131 = tpu.memref_slice %arg18[%dma_start3A_130] : memref<10240xf32, #tpu.memory_space<vmem_shared>> -> memref<10240xf32, #tpu.memory_space<vmem_shared>>
      tpu.enqueue_indirect_dma source(%arg16 : memref<80xf32, #tpu.memory_space<vmem>>) target(%dma_start3A_131 : memref<10240xf32, #tpu.memory_space<vmem_shared>>) offsets(%dma_start3A_129 : memref<80xi32, #tpu.memory_space<vmem>>) semaphore(%arg22 : memref<!tpu.dma_semaphore, #tpu.memory_space<semaphore_mem>>) {add = true}
      %scan3A_132 = arith.constant 0 : i32
      %scan3A_133 = arith.constant 0 : i32
      %scan3A_134 = arith.constant 25 : i32
      %scan3A_135 = arith.addi %scan3A_133, %scan3A_134 : i32
      %scan3A_136 = arith.constant 1 : i32
      scf.for %scan3A_138 = %scan3A_133 to %scan3A_135 step %scan3A_136  : i32 {
        %dma_wait3A_139 = arith.constant 0 : i32
        %dma_wait3A_140 = arith.constant 0 : i32
        %dma_wait3A_141 = tpu.memref_slice %arg12[%dma_wait3A_139, %dma_wait3A_140] : memref<25x80xi32, #tpu.memory_space<vmem>> -> memref<1x80xi32, #tpu.memory_space<vmem>>
        %dma_wait3A_142 = tpu.memref_squeeze %dma_wait3A_141 : memref<1x80xi32, #tpu.memory_space<vmem>> -> memref<80xi32, #tpu.memory_space<vmem>>
        %dma_wait3A_143 = arith.constant 0 : i32
        %dma_wait3A_144 = tpu.memref_slice %arg18[%dma_wait3A_143] : memref<10240xf32, #tpu.memory_space<vmem_shared>> -> memref<10240xf32, #tpu.memory_space<vmem_shared>>
        tpu.wait_indirect_dma semaphore(%arg22 : memref<!tpu.dma_semaphore, #tpu.memory_space<semaphore_mem>>) src(%arg16 : memref<80xf32, #tpu.memory_space<vmem>>) dst(%dma_wait3A_144 : memref<10240xf32, #tpu.memory_space<vmem_shared>>)
      }
      %scan3A_137 = arith.constant 25 : i32
    }
    %scan3A_35 = arith.constant 5 : i32
    %barrier3A_36 = arith.constant 0 : index
    tpu.barrier barrier_id(%barrier3A_36)
    %eq3A = arith.constant 0 : i32
    %eq3A_37 = arith.cmpi eq, %arg0, %eq3A : i32
    %convert_element_type3A = arith.extui %eq3A_37 : i1 to i32
    %cond3A = arith.constant 0 : i32
    %cond3A_38 = arith.cmpi ne, %convert_element_type3A, %cond3A : i32
    scf.if %cond3A_38 {
      "tpu.region"() ({
        %run_scoped3A = tpu.sem_alloc : memref<!tpu.dma_semaphore, #tpu.memory_space<semaphore_mem>>
        %dma_start3A = arith.constant 0 : i32
        %dma_start3A_44 = tpu.memref_slice %arg7[%multiple_of3A, %dma_start3A] : memref<10240x128xf32, #tpu.memory_space<hbm>> -> memref<640x128xf32, #tpu.memory_space<hbm>>
        %dma_start3A_45 = arith.constant 0 : i32
        %dma_start3A_46 = tpu.memref_slice %arg17[%multiple_of3A, %dma_start3A_45] : memref<10240x128xf32, #tpu.memory_space<vmem_shared>> -> memref<640x128xf32, #tpu.memory_space<vmem_shared>>
        tpu.enqueue_dma source(%dma_start3A_46 : memref<640x128xf32, #tpu.memory_space<vmem_shared>>) target(%dma_start3A_44 : memref<640x128xf32, #tpu.memory_space<hbm>>) target_semaphore(%run_scoped3A : memref<!tpu.dma_semaphore, #tpu.memory_space<semaphore_mem>>)
        %dma_wait3A = arith.constant 0 : i32
        %dma_wait3A_47 = tpu.memref_slice %arg7[%multiple_of3A, %dma_wait3A] : memref<10240x128xf32, #tpu.memory_space<hbm>> -> memref<640x128xf32, #tpu.memory_space<hbm>>
        %dma_wait3A_48 = arith.constant 0 : i32
        %dma_wait3A_49 = tpu.memref_slice %arg17[%multiple_of3A, %dma_wait3A_48] : memref<10240x128xf32, #tpu.memory_space<vmem_shared>> -> memref<640x128xf32, #tpu.memory_space<vmem_shared>>
        tpu.wait_dma2 semaphore(%run_scoped3A : memref<!tpu.dma_semaphore, #tpu.memory_space<semaphore_mem>>) src(%dma_wait3A_49 : memref<640x128xf32, #tpu.memory_space<vmem_shared>>) dst(%dma_wait3A_47 : memref<640x128xf32, #tpu.memory_space<hbm>>)
        tpu.yield
      }) : () -> ()
      "tpu.region"() ({
        %run_scoped3A = tpu.sem_alloc : memref<!tpu.dma_semaphore, #tpu.memory_space<semaphore_mem>>
        %dma_start3A = tpu.memref_slice %arg9[%multiple_of3A] : memref<10240xf32, #tpu.memory_space<hbm>> -> memref<640xf32, #tpu.memory_space<hbm>>
        %dma_start3A_44 = tpu.memref_slice %arg18[%multiple_of3A] : memref<10240xf32, #tpu.memory_space<vmem_shared>> -> memref<640xf32, #tpu.memory_space<vmem_shared>>
        tpu.enqueue_dma source(%dma_start3A_44 : memref<640xf32, #tpu.memory_space<vmem_shared>>) target(%dma_start3A : memref<640xf32, #tpu.memory_space<hbm>>) target_semaphore(%run_scoped3A : memref<!tpu.dma_semaphore, #tpu.memory_space<semaphore_mem>>)
        %dma_wait3A = tpu.memref_slice %arg9[%multiple_of3A] : memref<10240xf32, #tpu.memory_space<hbm>> -> memref<640xf32, #tpu.memory_space<hbm>>
        %dma_wait3A_45 = tpu.memref_slice %arg18[%multiple_of3A] : memref<10240xf32, #tpu.memory_space<vmem_shared>> -> memref<640xf32, #tpu.memory_space<vmem_shared>>
        tpu.wait_dma2 semaphore(%run_scoped3A : memref<!tpu.dma_semaphore, #tpu.memory_space<semaphore_mem>>) src(%dma_wait3A_45 : memref<640xf32, #tpu.memory_space<vmem_shared>>) dst(%dma_wait3A : memref<640xf32, #tpu.memory_space<hbm>>)
        tpu.yield
      }) : () -> ()
    } else {
    }
    %eq3A_39 = arith.constant 1 : i32
    %eq3A_40 = arith.cmpi eq, %arg0, %eq3A_39 : i32
    %convert_element_type3A_41 = arith.extui %eq3A_40 : i1 to i32
    %cond3A_42 = arith.constant 0 : i32
    %cond3A_43 = arith.cmpi ne, %convert_element_type3A_41, %cond3A_42 : i32
    scf.if %cond3A_43 {
      "tpu.region"() ({
        %run_scoped3A = tpu.sem_alloc : memref<!tpu.dma_semaphore, #tpu.memory_space<semaphore_mem>>
        %dma_start3A = arith.constant 0 : i32
        %dma_start3A_44 = tpu.memref_slice %arg8[%multiple_of3A, %dma_start3A] : memref<10240x128xf32, #tpu.memory_space<hbm>> -> memref<640x128xf32, #tpu.memory_space<hbm>>
        %dma_start3A_45 = arith.constant 0 : i32
        %dma_start3A_46 = tpu.memref_slice %arg17[%multiple_of3A, %dma_start3A_45] : memref<10240x128xf32, #tpu.memory_space<vmem_shared>> -> memref<640x128xf32, #tpu.memory_space<vmem_shared>>
        tpu.enqueue_dma source(%dma_start3A_46 : memref<640x128xf32, #tpu.memory_space<vmem_shared>>) target(%dma_start3A_44 : memref<640x128xf32, #tpu.memory_space<hbm>>) target_semaphore(%run_scoped3A : memref<!tpu.dma_semaphore, #tpu.memory_space<semaphore_mem>>)
        %dma_wait3A = arith.constant 0 : i32
        %dma_wait3A_47 = tpu.memref_slice %arg8[%multiple_of3A, %dma_wait3A] : memref<10240x128xf32, #tpu.memory_space<hbm>> -> memref<640x128xf32, #tpu.memory_space<hbm>>
        %dma_wait3A_48 = arith.constant 0 : i32
        %dma_wait3A_49 = tpu.memref_slice %arg17[%multiple_of3A, %dma_wait3A_48] : memref<10240x128xf32, #tpu.memory_space<vmem_shared>> -> memref<640x128xf32, #tpu.memory_space<vmem_shared>>
        tpu.wait_dma2 semaphore(%run_scoped3A : memref<!tpu.dma_semaphore, #tpu.memory_space<semaphore_mem>>) src(%dma_wait3A_49 : memref<640x128xf32, #tpu.memory_space<vmem_shared>>) dst(%dma_wait3A_47 : memref<640x128xf32, #tpu.memory_space<hbm>>)
        tpu.yield
      }) : () -> ()
      "tpu.region"() ({
        %run_scoped3A = tpu.sem_alloc : memref<!tpu.dma_semaphore, #tpu.memory_space<semaphore_mem>>
        %dma_start3A = tpu.memref_slice %arg10[%multiple_of3A] : memref<10240xf32, #tpu.memory_space<hbm>> -> memref<640xf32, #tpu.memory_space<hbm>>
        %dma_start3A_44 = tpu.memref_slice %arg18[%multiple_of3A] : memref<10240xf32, #tpu.memory_space<vmem_shared>> -> memref<640xf32, #tpu.memory_space<vmem_shared>>
        tpu.enqueue_dma source(%dma_start3A_44 : memref<640xf32, #tpu.memory_space<vmem_shared>>) target(%dma_start3A : memref<640xf32, #tpu.memory_space<hbm>>) target_semaphore(%run_scoped3A : memref<!tpu.dma_semaphore, #tpu.memory_space<semaphore_mem>>)
        %dma_wait3A = tpu.memref_slice %arg10[%multiple_of3A] : memref<10240xf32, #tpu.memory_space<hbm>> -> memref<640xf32, #tpu.memory_space<hbm>>
        %dma_wait3A_45 = tpu.memref_slice %arg18[%multiple_of3A] : memref<10240xf32, #tpu.memory_space<vmem_shared>> -> memref<640xf32, #tpu.memory_space<vmem_shared>>
        tpu.wait_dma2 semaphore(%run_scoped3A : memref<!tpu.dma_semaphore, #tpu.memory_space<semaphore_mem>>) src(%dma_wait3A_45 : memref<640xf32, #tpu.memory_space<vmem_shared>>) dst(%dma_wait3A : memref<640xf32, #tpu.memory_space<hbm>>)
        tpu.yield
      }) : () -> ()
    } else {
    }
    return
  }
}

module attributes {stable_mosaic.version = 14 : i64} {
  func.func @_sage_body(%arg0: i32, %arg1: memref<1000x128xf32, #tpu.memory_space<vmem>>, %arg2: memref<1000x128xf32, #tpu.memory_space<vmem>>, %arg3: memref<1000x128xf32, #tpu.memory_space<vmem>>, %arg4: memref<1000x1xf32, #tpu.memory_space<vmem>>, %arg5: memref<1000x1xf32, #tpu.memory_space<vmem>>, %arg6: memref<2x128x128xf32, #tpu.memory_space<vmem>>, %arg7: memref<1x128xf32, #tpu.memory_space<vmem>>, %arg8: memref<1x128xf32, #tpu.memory_space<vmem>>, %arg9: memref<1x128xf32, #tpu.memory_space<vmem>>, %arg10: memref<1000x128xf32, #tpu.memory_space<vmem>>) attributes {dimension_semantics = [#tpu.dimension_semantics<arbitrary>], iteration_bounds = array<i64: 10>, scalar_prefetch = 0 : i64, scratch_operands = 0 : i64, tpu.core_type = #tpu.core_type<tc>, window_params = [{transform_indices = @transform_0, window_bounds = array<i64: 1000, 128>}, {transform_indices = @transform_1, window_bounds = array<i64: 1000, 128>}, {transform_indices = @transform_2, window_bounds = array<i64: 1000, 128>}, {transform_indices = @transform_3, window_bounds = array<i64: 1000, 1>}, {transform_indices = @transform_4, window_bounds = array<i64: 1000, 1>}, {pipeline_mode = #tpu.pipeline_mode<synchronous>, transform_indices = @transform_5, window_bounds = array<i64: 2, 128, 128>}, {pipeline_mode = #tpu.pipeline_mode<synchronous>, transform_indices = @transform_6, window_bounds = array<i64: 1, 128>}, {pipeline_mode = #tpu.pipeline_mode<synchronous>, transform_indices = @transform_7, window_bounds = array<i64: 1, 128>}, {pipeline_mode = #tpu.pipeline_mode<synchronous>, transform_indices = @transform_8, window_bounds = array<i64: 1, 128>}, {transform_indices = @transform_9, window_bounds = array<i64: 1000, 128>}]} {
    %get3A = arith.constant 0 : index
    %get3A_0 = arith.constant 0 : index
    %get3A_1 = vector.load %arg1[%get3A, %get3A_0] : memref<1000x128xf32, #tpu.memory_space<vmem>>, vector<1000x128xf32>
    %get3A_2 = arith.constant 0 : index
    %get3A_3 = arith.constant 0 : index
    %get3A_4 = vector.load %arg2[%get3A_2, %get3A_3] : memref<1000x128xf32, #tpu.memory_space<vmem>>, vector<1000x128xf32>
    %get3A_5 = arith.constant 0 : index
    %get3A_6 = arith.constant 0 : index
    %get3A_7 = vector.load %arg3[%get3A_5, %get3A_6] : memref<1000x128xf32, #tpu.memory_space<vmem>>, vector<1000x128xf32>
    %add3A = arith.addf %get3A_4, %get3A_7 : vector<1000x128xf32>
    %get3A_8 = arith.constant 0 : index
    %get3A_9 = arith.constant 0 : index
    %get3A_10 = vector.load %arg4[%get3A_8, %get3A_9] : memref<1000x1xf32, #tpu.memory_space<vmem>>, vector<1000x1xf32>
    %squeeze3A = vector.shape_cast %get3A_10 : vector<1000x1xf32> to vector<1000xf32>
    %get3A_11 = arith.constant 0 : index
    %get3A_12 = arith.constant 0 : index
    %get3A_13 = vector.load %arg5[%get3A_11, %get3A_12] : memref<1000x1xf32, #tpu.memory_space<vmem>>, vector<1000x1xf32>
    %squeeze3A_14 = vector.shape_cast %get3A_13 : vector<1000x1xf32> to vector<1000xf32>
    %add3A_15 = arith.addf %squeeze3A, %squeeze3A_14 : vector<1000xf32>
    %gt3A = arith.constant 0.000000e+00 : f32
    %gt3A_16 = vector.broadcast %gt3A : f32 to vector<1000xf32>
    %gt3A_17 = arith.cmpf ogt, %add3A_15, %gt3A_16 : vector<1000xf32>
    %div3A = arith.constant 1.000000e+00 : f32
    %div3A_18 = vector.broadcast %div3A : f32 to vector<1000xf32>
    %div3A_19 = arith.divf %div3A_18, %add3A_15 : vector<1000xf32>
    %jit3A = arith.constant 0.000000e+00 : f32
    %broadcast_in_dim3A = vector.broadcast %jit3A : f32 to vector<1000xf32>
    %select_n3A = arith.select %gt3A_17, %div3A_19, %broadcast_in_dim3A : vector<1000xi1>, vector<1000xf32>
    %broadcast_in_dim3A_20 = vector.shape_cast %select_n3A : vector<1000xf32> to vector<1000x1xf32>
    %mul3A = vector.broadcast %broadcast_in_dim3A_20 : vector<1000x1xf32> to vector<1000x128xf32>
    %mul3A_21 = arith.mulf %add3A, %mul3A : vector<1000x128xf32>
    %get3A_22 = arith.constant 0 : index
    %get3A_23 = arith.constant 0 : index
    %get3A_24 = arith.constant 0 : index
    %get3A_25 = vector.load %arg6[%get3A_22, %get3A_23, %get3A_24] : memref<2x128x128xf32, #tpu.memory_space<vmem>>, vector<1x128x128xf32>
    %get3A_26 = vector.shape_cast %get3A_25 : vector<1x128x128xf32> to vector<128x128xf32>
    %dot_general3A = arith.constant dense<0.000000e+00> : vector<1000x128xf32>
    %dot_general3A_27 = tpu.matmul %get3A_1, %get3A_26, %dot_general3A {dimension_numbers = #tpu.dot_dimension_numbers<[1], [0], [0], [1], [0, 0, 1, 1], [], []>, transpose_lhs_hint = false} : vector<1000x128xf32>, vector<128x128xf32>, vector<1000x128xf32> -> vector<1000x128xf32>
    %get3A_28 = arith.constant 1 : index
    %get3A_29 = arith.constant 0 : index
    %get3A_30 = arith.constant 0 : index
    %get3A_31 = vector.load %arg6[%get3A_28, %get3A_29, %get3A_30] : memref<2x128x128xf32, #tpu.memory_space<vmem>>, vector<1x128x128xf32>
    %get3A_32 = vector.shape_cast %get3A_31 : vector<1x128x128xf32> to vector<128x128xf32>
    %dot_general3A_33 = arith.constant dense<0.000000e+00> : vector<1000x128xf32>
    %dot_general3A_34 = tpu.matmul %mul3A_21, %get3A_32, %dot_general3A_33 {dimension_numbers = #tpu.dot_dimension_numbers<[1], [0], [0], [1], [0, 0, 1, 1], [], []>, transpose_lhs_hint = false} : vector<1000x128xf32>, vector<128x128xf32>, vector<1000x128xf32> -> vector<1000x128xf32>
    %add3A_35 = arith.addf %dot_general3A_27, %dot_general3A_34 : vector<1000x128xf32>
    %get3A_36 = arith.constant 0 : index
    %get3A_37 = arith.constant 0 : index
    %get3A_38 = vector.load %arg7[%get3A_36, %get3A_37] : memref<1x128xf32, #tpu.memory_space<vmem>>, vector<1x128xf32>
    %add3A_39 = vector.broadcast %get3A_38 : vector<1x128xf32> to vector<1000x128xf32>
    %add3A_40 = arith.addf %add3A_35, %add3A_39 : vector<1000x128xf32>
    %get3A_41 = arith.constant 0 : index
    %get3A_42 = arith.constant 0 : index
    %get3A_43 = vector.load %arg8[%get3A_41, %get3A_42] : memref<1x128xf32, #tpu.memory_space<vmem>>, vector<1x128xf32>
    %get3A_44 = arith.constant 0 : index
    %get3A_45 = arith.constant 0 : index
    %get3A_46 = vector.load %arg9[%get3A_44, %get3A_45] : memref<1x128xf32, #tpu.memory_space<vmem>>, vector<1x128xf32>
    %reduce_sum3A = arith.constant dense<0.000000e+00> : vector<1000xf32>
    %reduce_sum3A_47 = vector.multi_reduction <add>, %add3A_40, %reduce_sum3A [1] : vector<1000x128xf32> to vector<1000xf32>
    %broadcast_in_dim3A_48 = vector.shape_cast %reduce_sum3A_47 : vector<1000xf32> to vector<1000x1xf32>
    %div3A_49 = arith.constant 1.280000e+02 : f32
    %div3A_50 = vector.broadcast %div3A_49 : f32 to vector<1000x1xf32>
    %div3A_51 = arith.divf %broadcast_in_dim3A_48, %div3A_50 : vector<1000x1xf32>
    %sub3A = vector.broadcast %div3A_51 : vector<1000x1xf32> to vector<1000x128xf32>
    %sub3A_52 = arith.subf %add3A_40, %sub3A : vector<1000x128xf32>
    %mul3A_53 = arith.mulf %sub3A_52, %sub3A_52 : vector<1000x128xf32>
    %reduce_sum3A_54 = arith.constant dense<0.000000e+00> : vector<1000xf32>
    %reduce_sum3A_55 = vector.multi_reduction <add>, %mul3A_53, %reduce_sum3A_54 [1] : vector<1000x128xf32> to vector<1000xf32>
    %broadcast_in_dim3A_56 = vector.shape_cast %reduce_sum3A_55 : vector<1000xf32> to vector<1000x1xf32>
    %div3A_57 = arith.constant 1.280000e+02 : f32
    %div3A_58 = vector.broadcast %div3A_57 : f32 to vector<1000x1xf32>
    %div3A_59 = arith.divf %broadcast_in_dim3A_56, %div3A_58 : vector<1000x1xf32>
    %add3A_60 = arith.constant 9.99999974E-6 : f32
    %add3A_61 = vector.broadcast %add3A_60 : f32 to vector<1000x1xf32>
    %add3A_62 = arith.addf %div3A_59, %add3A_61 : vector<1000x1xf32>
    %sqrt3A = math.sqrt %add3A_62 : vector<1000x1xf32>
    %div3A_63 = vector.broadcast %sqrt3A : vector<1000x1xf32> to vector<1000x128xf32>
    %div3A_64 = arith.divf %sub3A_52, %div3A_63 : vector<1000x128xf32>
    %mul3A_65 = vector.broadcast %get3A_43 : vector<1x128xf32> to vector<1000x128xf32>
    %mul3A_66 = arith.mulf %div3A_64, %mul3A_65 : vector<1000x128xf32>
    %add3A_67 = vector.broadcast %get3A_46 : vector<1x128xf32> to vector<1000x128xf32>
    %add3A_68 = arith.addf %mul3A_66, %add3A_67 : vector<1000x128xf32>
    %max3A = arith.constant 0.000000e+00 : f32
    %max3A_69 = vector.broadcast %max3A : f32 to vector<1000x128xf32>
    %max3A_70 = arith.maximumf %add3A_68, %max3A_69 : vector<1000x128xf32>
    %swap3A = arith.constant 0 : index
    %swap3A_71 = arith.constant 0 : index
    %swap3A_72 = vector.load %arg10[%swap3A, %swap3A_71] : memref<1000x128xf32, #tpu.memory_space<vmem>>, vector<1000x128xf32>
    tpu.vector_store %arg10[%swap3A, %swap3A_71], %max3A_70 {strides = array<i32>} : memref<1000x128xf32, #tpu.memory_space<vmem>>, vector<1000x128xf32>,
    return
  }
  func.func @transform_0(%arg0: i32) -> (i32, i32) {
    %c0_i32 = arith.constant 0 : i32
    %c0_i32_0 = arith.constant 0 : i32
    return %arg0, %c0_i32 : i32, i32
  }
  func.func @transform_1(%arg0: i32) -> (i32, i32) {
    %c0_i32 = arith.constant 0 : i32
    %c0_i32_0 = arith.constant 0 : i32
    return %arg0, %c0_i32 : i32, i32
  }
  func.func @transform_2(%arg0: i32) -> (i32, i32) {
    %c0_i32 = arith.constant 0 : i32
    %c0_i32_0 = arith.constant 0 : i32
    return %arg0, %c0_i32 : i32, i32
  }
  func.func @transform_3(%arg0: i32) -> (i32, i32) {
    %c0_i32 = arith.constant 0 : i32
    %c0_i32_0 = arith.constant 0 : i32
    return %arg0, %c0_i32 : i32, i32
  }
  func.func @transform_4(%arg0: i32) -> (i32, i32) {
    %c0_i32 = arith.constant 0 : i32
    %c0_i32_0 = arith.constant 0 : i32
    return %arg0, %c0_i32 : i32, i32
  }
  func.func @transform_5(%arg0: i32) -> (i32, i32, i32) {
    %c0_i32 = arith.constant 0 : i32
    %c0_i32_0 = arith.constant 0 : i32
    %c0_i32_1 = arith.constant 0 : i32
    %c0_i32_2 = arith.constant 0 : i32
    return %c0_i32, %c0_i32_0, %c0_i32_1 : i32, i32, i32
  }
  func.func @transform_6(%arg0: i32) -> (i32, i32) {
    %c0_i32 = arith.constant 0 : i32
    %c0_i32_0 = arith.constant 0 : i32
    %c0_i32_1 = arith.constant 0 : i32
    return %c0_i32, %c0_i32_0 : i32, i32
  }
  func.func @transform_7(%arg0: i32) -> (i32, i32) {
    %c0_i32 = arith.constant 0 : i32
    %c0_i32_0 = arith.constant 0 : i32
    %c0_i32_1 = arith.constant 0 : i32
    return %c0_i32, %c0_i32_0 : i32, i32
  }
  func.func @transform_8(%arg0: i32) -> (i32, i32) {
    %c0_i32 = arith.constant 0 : i32
    %c0_i32_0 = arith.constant 0 : i32
    %c0_i32_1 = arith.constant 0 : i32
    return %c0_i32, %c0_i32_0 : i32, i32
  }
  func.func @transform_9(%arg0: i32) -> (i32, i32) {
    %c0_i32 = arith.constant 0 : i32
    %c0_i32_0 = arith.constant 0 : i32
    return %arg0, %c0_i32 : i32, i32
  }
}

module attributes {stable_mosaic.version = 14 : i64} {
  func.func @_sage_body(%arg0: i32, %arg1: memref<1000x128xf32, #tpu.memory_space<vmem>>, %arg2: memref<1000x128xf32, #tpu.memory_space<vmem>>, %arg3: memref<1000x128xf32, #tpu.memory_space<vmem>>, %arg4: memref<1000x1xf32, #tpu.memory_space<vmem>>, %arg5: memref<1000x1xf32, #tpu.memory_space<vmem>>, %arg6: memref<2x128x16xf32, #tpu.memory_space<vmem>>, %arg7: memref<1x16xf32, #tpu.memory_space<vmem>>, %arg8: memref<1x16xf32, #tpu.memory_space<vmem>>, %arg9: memref<1x16xf32, #tpu.memory_space<vmem>>, %arg10: memref<1000x16xf32, #tpu.memory_space<vmem>>) attributes {dimension_semantics = [#tpu.dimension_semantics<arbitrary>], iteration_bounds = array<i64: 10>, scalar_prefetch = 0 : i64, scratch_operands = 0 : i64, tpu.core_type = #tpu.core_type<tc>, window_params = [{transform_indices = @transform_0, window_bounds = array<i64: 1000, 128>}, {transform_indices = @transform_1, window_bounds = array<i64: 1000, 128>}, {transform_indices = @transform_2, window_bounds = array<i64: 1000, 128>}, {transform_indices = @transform_3, window_bounds = array<i64: 1000, 1>}, {transform_indices = @transform_4, window_bounds = array<i64: 1000, 1>}, {pipeline_mode = #tpu.pipeline_mode<synchronous>, transform_indices = @transform_5, window_bounds = array<i64: 2, 128, 16>}, {pipeline_mode = #tpu.pipeline_mode<synchronous>, transform_indices = @transform_6, window_bounds = array<i64: 1, 16>}, {pipeline_mode = #tpu.pipeline_mode<synchronous>, transform_indices = @transform_7, window_bounds = array<i64: 1, 16>}, {pipeline_mode = #tpu.pipeline_mode<synchronous>, transform_indices = @transform_8, window_bounds = array<i64: 1, 16>}, {transform_indices = @transform_9, window_bounds = array<i64: 1000, 16>}]} {
    %get3A = arith.constant 0 : index
    %get3A_0 = arith.constant 0 : index
    %get3A_1 = vector.load %arg1[%get3A, %get3A_0] : memref<1000x128xf32, #tpu.memory_space<vmem>>, vector<1000x128xf32>
    %get3A_2 = arith.constant 0 : index
    %get3A_3 = arith.constant 0 : index
    %get3A_4 = vector.load %arg2[%get3A_2, %get3A_3] : memref<1000x128xf32, #tpu.memory_space<vmem>>, vector<1000x128xf32>
    %get3A_5 = arith.constant 0 : index
    %get3A_6 = arith.constant 0 : index
    %get3A_7 = vector.load %arg3[%get3A_5, %get3A_6] : memref<1000x128xf32, #tpu.memory_space<vmem>>, vector<1000x128xf32>
    %add3A = arith.addf %get3A_4, %get3A_7 : vector<1000x128xf32>
    %get3A_8 = arith.constant 0 : index
    %get3A_9 = arith.constant 0 : index
    %get3A_10 = vector.load %arg4[%get3A_8, %get3A_9] : memref<1000x1xf32, #tpu.memory_space<vmem>>, vector<1000x1xf32>
    %squeeze3A = vector.shape_cast %get3A_10 : vector<1000x1xf32> to vector<1000xf32>
    %get3A_11 = arith.constant 0 : index
    %get3A_12 = arith.constant 0 : index
    %get3A_13 = vector.load %arg5[%get3A_11, %get3A_12] : memref<1000x1xf32, #tpu.memory_space<vmem>>, vector<1000x1xf32>
    %squeeze3A_14 = vector.shape_cast %get3A_13 : vector<1000x1xf32> to vector<1000xf32>
    %add3A_15 = arith.addf %squeeze3A, %squeeze3A_14 : vector<1000xf32>
    %gt3A = arith.constant 0.000000e+00 : f32
    %gt3A_16 = vector.broadcast %gt3A : f32 to vector<1000xf32>
    %gt3A_17 = arith.cmpf ogt, %add3A_15, %gt3A_16 : vector<1000xf32>
    %div3A = arith.constant 1.000000e+00 : f32
    %div3A_18 = vector.broadcast %div3A : f32 to vector<1000xf32>
    %div3A_19 = arith.divf %div3A_18, %add3A_15 : vector<1000xf32>
    %jit3A = arith.constant 0.000000e+00 : f32
    %broadcast_in_dim3A = vector.broadcast %jit3A : f32 to vector<1000xf32>
    %select_n3A = arith.select %gt3A_17, %div3A_19, %broadcast_in_dim3A : vector<1000xi1>, vector<1000xf32>
    %broadcast_in_dim3A_20 = vector.shape_cast %select_n3A : vector<1000xf32> to vector<1000x1xf32>
    %mul3A = vector.broadcast %broadcast_in_dim3A_20 : vector<1000x1xf32> to vector<1000x128xf32>
    %mul3A_21 = arith.mulf %add3A, %mul3A : vector<1000x128xf32>
    %get3A_22 = arith.constant 0 : index
    %get3A_23 = arith.constant 0 : index
    %get3A_24 = arith.constant 0 : index
    %get3A_25 = vector.load %arg6[%get3A_22, %get3A_23, %get3A_24] : memref<2x128x16xf32, #tpu.memory_space<vmem>>, vector<1x128x16xf32>
    %get3A_26 = vector.shape_cast %get3A_25 : vector<1x128x16xf32> to vector<128x16xf32>
    %dot_general3A = arith.constant dense<0.000000e+00> : vector<1000x16xf32>
    %dot_general3A_27 = tpu.matmul %get3A_1, %get3A_26, %dot_general3A {dimension_numbers = #tpu.dot_dimension_numbers<[1], [0], [0], [1], [0, 0, 1, 1], [], []>, transpose_lhs_hint = false} : vector<1000x128xf32>, vector<128x16xf32>, vector<1000x16xf32> -> vector<1000x16xf32>
    %get3A_28 = arith.constant 1 : index
    %get3A_29 = arith.constant 0 : index
    %get3A_30 = arith.constant 0 : index
    %get3A_31 = vector.load %arg6[%get3A_28, %get3A_29, %get3A_30] : memref<2x128x16xf32, #tpu.memory_space<vmem>>, vector<1x128x16xf32>
    %get3A_32 = vector.shape_cast %get3A_31 : vector<1x128x16xf32> to vector<128x16xf32>
    %dot_general3A_33 = arith.constant dense<0.000000e+00> : vector<1000x16xf32>
    %dot_general3A_34 = tpu.matmul %mul3A_21, %get3A_32, %dot_general3A_33 {dimension_numbers = #tpu.dot_dimension_numbers<[1], [0], [0], [1], [0, 0, 1, 1], [], []>, transpose_lhs_hint = false} : vector<1000x128xf32>, vector<128x16xf32>, vector<1000x16xf32> -> vector<1000x16xf32>
    %add3A_35 = arith.addf %dot_general3A_27, %dot_general3A_34 : vector<1000x16xf32>
    %get3A_36 = arith.constant 0 : index
    %get3A_37 = arith.constant 0 : index
    %get3A_38 = vector.load %arg7[%get3A_36, %get3A_37] : memref<1x16xf32, #tpu.memory_space<vmem>>, vector<1x16xf32>
    %add3A_39 = vector.broadcast %get3A_38 : vector<1x16xf32> to vector<1000x16xf32>
    %add3A_40 = arith.addf %add3A_35, %add3A_39 : vector<1000x16xf32>
    %swap3A = arith.constant 0 : index
    %swap3A_41 = arith.constant 0 : index
    %swap3A_42 = vector.load %arg10[%swap3A, %swap3A_41] : memref<1000x16xf32, #tpu.memory_space<vmem>>, vector<1000x16xf32>
    tpu.vector_store %arg10[%swap3A, %swap3A_41], %add3A_40 {strides = array<i32>} : memref<1000x16xf32, #tpu.memory_space<vmem>>, vector<1000x16xf32>,
    return
  }
  func.func @transform_0(%arg0: i32) -> (i32, i32) {
    %c0_i32 = arith.constant 0 : i32
    %c0_i32_0 = arith.constant 0 : i32
    return %arg0, %c0_i32 : i32, i32
  }
  func.func @transform_1(%arg0: i32) -> (i32, i32) {
    %c0_i32 = arith.constant 0 : i32
    %c0_i32_0 = arith.constant 0 : i32
    return %arg0, %c0_i32 : i32, i32
  }
  func.func @transform_2(%arg0: i32) -> (i32, i32) {
    %c0_i32 = arith.constant 0 : i32
    %c0_i32_0 = arith.constant 0 : i32
    return %arg0, %c0_i32 : i32, i32
  }
  func.func @transform_3(%arg0: i32) -> (i32, i32) {
    %c0_i32 = arith.constant 0 : i32
    %c0_i32_0 = arith.constant 0 : i32
    return %arg0, %c0_i32 : i32, i32
  }
  func.func @transform_4(%arg0: i32) -> (i32, i32) {
    %c0_i32 = arith.constant 0 : i32
    %c0_i32_0 = arith.constant 0 : i32
    return %arg0, %c0_i32 : i32, i32
  }
  func.func @transform_5(%arg0: i32) -> (i32, i32, i32) {
    %c0_i32 = arith.constant 0 : i32
    %c0_i32_0 = arith.constant 0 : i32
    %c0_i32_1 = arith.constant 0 : i32
    %c0_i32_2 = arith.constant 0 : i32
    return %c0_i32, %c0_i32_0, %c0_i32_1 : i32, i32, i32
  }
  func.func @transform_6(%arg0: i32) -> (i32, i32) {
    %c0_i32 = arith.constant 0 : i32
    %c0_i32_0 = arith.constant 0 : i32
    %c0_i32_1 = arith.constant 0 : i32
    return %c0_i32, %c0_i32_0 : i32, i32
  }
  func.func @transform_7(%arg0: i32) -> (i32, i32) {
    %c0_i32 = arith.constant 0 : i32
    %c0_i32_0 = arith.constant 0 : i32
    %c0_i32_1 = arith.constant 0 : i32
    return %c0_i32, %c0_i32_0 : i32, i32
  }
  func.func @transform_8(%arg0: i32) -> (i32, i32) {
    %c0_i32 = arith.constant 0 : i32
    %c0_i32_0 = arith.constant 0 : i32
    %c0_i32_1 = arith.constant 0 : i32
    return %c0_i32, %c0_i32_0 : i32, i32
  }
  func.func @transform_9(%arg0: i32) -> (i32, i32) {
    %c0_i32 = arith.constant 0 : i32
    %c0_i32_0 = arith.constant 0 : i32
    return %arg0, %c0_i32 : i32, i32
  }
}

</mosaic_0001>

<sc_bundles>
// kernel: kernel.6.cloned.1.call-start
scs
__scs_entry_jumppad:
0x0: {  	(pc) =	sbr.rel $0x88, $3  }
0x1: {  	(tag) =	ssettag $0x0;
	lr =	simm.s32 $0x1  }
0x2: {  	[smem:$0x3F91] =	sst lr;
	_ =	strace $0xD0000000  }
0x3: {  	_ = 	snop  }
0x4: {  	_ = 	snop  }
0x5: {  	_ = 	snop  }
0x6: {  	_ = 	snop  }
0x7: {  	_ = 	snop  }
__scs_overlays_trampoline_lowered:
0x8: {  	[smem:$0x3FA0] =	sst s0  }
0x9: {  	[smem:$0x3FA1] =	sst s1  }
0xa: {  	[smem:$0x3FA2] =	sst s2  }
0xb: {  	[smem:$0x3FA3] =	sst s3  }
0xc: {  	[smem:$0x3FA4] =	sst s4  }
0xd: {  	[smem:$0x3FA5] =	sst s5  }
0xe: {  	[smem:$0x3FA6] =	sst s6  }
0xf: {  	[smem:$0x3FA7] =	sst s7  }
0x10: {  	[smem:$0x3FA8] =	sst s8  }
0x11: {  	[smem:$0x3FA9] =	sst s9;
	s0 =	simm.s32 @!p0 $0x0  }
0x12: {  	s1 =	sld [smem:$0x3F8F];
	s0 =	simm.s32 @p0 $0x1  }
0x13: {  	[smem:$0x3FAA] =	sst s0;
	s0 =	simm.s32 @!p1 $0x0  }
0x14: {  	s2 =	sld [smem:$0x3F8E];
	s0 =	simm.s32 @p1 $0x1  }
0x15: {  	[smem:$0x3FAB] =	sst s0;
	s0 =	simm.s32 @!p2 $0x0  }
0x16: {  	s3 =	sld [smem:$0x3FDB];
	s0 =	simm.s32 @p2 $0x1  }
0x17: {  	s4 =	simm.s32 $0x1BF5;
	[smem:$0x3FAD] =	sst s0  }
0x18: {  	s0 =	sld [smem:$0x3F90];
	_ =	swait.ge [sflag:s4], $0x0  }
0x19: {  	s7 =	sld [smem:$0x3F91]  }
0x1a: {  	s8 =	sadd.s32 $0xFFFFE003, lr  }
0x1b: {  	s9 =	sadd.s32 $0xFFFFFEF7, lr;
	s5 =	simm.s32 $0xFFFFFFFF;
	p2 =	slt.u32 s8, $0xFFFFF086  }
0x1c: {  	p1 =	slt.u32 s9, $0xF7A;
	s5 =	simm.s32 @!p2 $0x0  }
0x1d: {  	s5 =	simm.s32 @p1 $0x1;
	p0 =	seq.s32 s7, s2  }
0x1e: {  	s7 =	smul.u32 @!p0 $0xF7A, s2;
	p2 =	seq.s32 @!p0 s5, $0x0  }
0x1f: {  	s9 =	smul.u32 $0xF7A, s1;
	s8 =	simm.s32 @!p0 $0x1BF5;
	p2 =	por !p2, p0  }
0x20: {  	[sflag:s8] =	ssyncset.s32 @!p0 $0xFFFFF086;
	s6 =	sadd.s32 @!p0 s3, s7;
	s7 =	simm.s32 @!p0 $0x108  }
0x21: {  	s3 =	sadd.s32 s3, s9;
	s6 =	sadd.s32 @!p0 $0x88, s6;
	s7 =	simm.s32 @p2 $0x1082  }
0x22: {  	[simem:s7], [sflag:s8] =	dma.local @!p0 [hbm:s6], $0xF7A  }
0x23: {  	s9 =	sor.u32 $0xD0000000, s2;
	s6 =	simm.s32 $0x108;
	_ =	swait.ge @!p0 [sflag:s8], $0x0  }
0x24: {  	s3 =	sadd.s32 $0x88, s3;
	s6 =	simm.s32 @!p1 $0x1082;
	[sflag:s4] =	ssyncset.s32 $0xFFFFF086  }
0x25: {  	[simem:s6], [sflag:s4] =	dma.local [hbm:s3], $0xF7A  }
0x26: {  	[smem:$0x3F91] =	sst s1;
	(tag) =	ssettag s2;
	_ =	strace s9  }
0x27: {  	s1 =	sld [smem:$0x3FA1]  }
0x28: {  	s2 =	sld [smem:$0x3FA2]  }
0x29: {  	s4 =	sld [smem:$0x3FA4]  }
0x2a: {  	p0 =	seq.s32 s5, $0x0;
	s5 =	sld [smem:$0x3FA5]  }
0x2b: {  	s6 =	sld [smem:$0x3FA6]  }
0x2c: {  	s7 =	sld [smem:$0x3FA7]  }
0x2d: {  	s3 =	simm.s32 $0x108;
	s8 =	sld [smem:$0x3FA8]  }
0x2e: {  	s3 =	simm.s32 @!p0 $0x1082;
	s9 =	sld [smem:$0x3FA9]  }
0x2f: {  	lr =	sadd.s32 s0, s3;
	s0 =	sld [smem:$0x3FA0]  }
0x30: {  	s3 =	sld [smem:$0x3FA3]  }
0x31: {  	[smem:$0x3FAC] =	sst s10  }
0x32: {  	s10 =	sld [smem:$0x3FAA];
	_ =	sdelay $0x3  }
0x33: {  	p0 =	seq.s32 s10, $0x1;
	s10 =	sld [smem:$0x3FAC];
	_ =	sdelay $0x3  }
0x34: {  	[smem:$0x3FAC] =	sst s10  }
0x35: {  	s10 =	sld [smem:$0x3FAB];
	_ =	sdelay $0x3  }
0x36: {  	p1 =	seq.s32 s10, $0x1;
	s10 =	sld [smem:$0x3FAC];
	_ =	sdelay $0x3  }
0x37: {  	[smem:$0x3FAC] =	sst s10  }
0x38: {  	s10 =	sld [smem:$0x3FAD]  }
0x39: {  	_ = 	snop;
	(pc) =	sbr.ind lr, $3  }
0x3a: {  	_ = 	snop  }
0x3b: {  	_ = 	snop  }
0x3c: {  	p2 =	seq.s32 s10, $0x1;
	s10 =	sld [smem:$0x3FAC]  }
0x3d: {  	_ =	shalt  }
0x3e: {  	_ =	shalt  }
0x3f: {  	_ =	shalt  }
0x40: {  	_ =	shalt  }
0x41: {  	_ =	shalt  }
0x42: {  	_ =	shalt  }
0x43: {  	_ =	shalt  }
0x44: {  	_ =	shalt  }
0x45: {  	_ =	shalt  }
0x46: {  	_ =	shalt  }
0x47: {  	_ =	shalt  }
0x48: {  	_ =	shalt  }
0x49: {  	_ =	shalt  }
0x4a: {  	_ =	shalt  }
0x4b: {  	_ =	shalt  }
0x4c: {  	_ =	shalt  }
0x4d: {  	_ =	shalt  }
0x4e: {  	_ =	shalt  }
0x4f: {  	_ =	shalt  }
0x50: {  	_ =	shalt  }
0x51: {  	_ =	shalt  }
0x52: {  	_ =	shalt  }
0x53: {  	_ =	shalt  }
0x54: {  	_ =	shalt  }
0x55: {  	_ =	shalt  }
0x56: {  	_ =	shalt  }
0x57: {  	_ =	shalt  }
0x58: {  	_ =	shalt  }
0x59: {  	_ =	shalt  }
0x5a: {  	_ =	shalt  }
0x5b: {  	_ =	shalt  }
0x5c: {  	_ =	shalt  }
0x5d: {  	_ =	shalt  }
0x5e: {  	_ =	shalt  }
0x5f: {  	_ =	shalt  }
0x60: {  	_ =	shalt  }
0x61: {  	_ =	shalt  }
0x62: {  	_ =	shalt  }
0x63: {  	_ =	shalt  }
0x64: {  	_ =	shalt  }
0x65: {  	_ =	shalt  }
0x66: {  	_ =	shalt  }
0x67: {  	_ =	shalt  }
0x68: {  	_ =	shalt  }
0x69: {  	_ =	shalt  }
0x6a: {  	_ =	shalt  }
0x6b: {  	_ =	shalt  }
0x6c: {  	_ =	shalt  }
0x6d: {  	_ =	shalt  }
0x6e: {  	_ =	shalt  }
0x6f: {  	_ =	shalt  }
0x70: {  	_ =	shalt  }
0x71: {  	_ =	shalt  }
0x72: {  	_ =	shalt  }
0x73: {  	_ =	shalt  }
0x74: {  	_ =	shalt  }
0x75: {  	_ =	shalt  }
0x76: {  	_ =	shalt  }
0x77: {  	_ =	shalt  }
0x78: {  	_ =	shalt  }
0x79: {  	_ =	shalt  }
0x7a: {  	_ =	shalt  }
0x7b: {  	_ =	shalt  }
0x7c: {  	_ =	shalt  }
0x7d: {  	_ =	shalt  }
0x7e: {  	_ =	shalt  }
0x7f: {  	_ =	shalt  }
0x80: {  	_ =	shalt  }
0x81: {  	_ =	shalt  }
0x82: {  	_ =	shalt  }
0x83: {  	_ =	shalt  }
0x84: {  	_ =	shalt  }
0x85: {  	_ =	shalt  }
0x86: {  	_ =	shalt  }
0x87: {  	_ =	shalt  }
.Lfunc_end0:
.L_simem_size_0:
called_computation_lowered:
.L_overlay_start_0:
0x88: {  	s2 =	sld [smem:$0x3FD9]  }
0x89: {  	s3 =	sld [smem:$0x3FFE];
	_ =	sdelay $0x1  }
0x8a: {  	s1 =	srdreg.scid  }
0x8b: {  	s0 =	sand.u32 $0x1, s1  }
0x8c: {  	s17 =	sshll.u32 s0, $0xA;
	s2 =	sadd.s32 s3, s2  }
0x8d: {  	s2 =	sadd.s32 s2, s17  }
0x8e: {  	[smem:$0x3FB8] =	sst s2  }
0x8f: {  	_ = 	snop  }
0x90: {  	s2 =	sld [smem:$0x3FD0];
	(tm) =	ssettm $0x1  }
0x91: {  	s18 =	sld [smem:$0x3FFB];
	_ =	sdelay $0x3  }
0x92: {  	_ =	strace s18  }
0x93: {  	s3 =	sld [smem:$0x3FFC];
	_ =	sdelay $0x3  }
0x94: {  	_ =	strace s3  }
0x95: {  	s3 =	sld [smem:$0x3FFD];
	_ =	sdelay $0x3  }
0x96: {  	_ =	strace s3  }
0x97: {  	_ =	strace $0x8FFFFFFF  }
0x98: {  	s19 =	sld [smem:$0x3FDB];
	_ =	sdelay $0x1  }
0x99: {  	s4 =	simm.s32 $_scs_section_size  }
0x9a: {  	s5 =	simm.s32 $_size__tile_overlayer_lowered;
	s6 =	simm.s32 $_tile_overlayer_lowered  }
0x9b: {  	s22 =	simm.s32 $0x1BFF;
	s21 =	sshll.u32 s6, $0x1;
	s3 =	sadd.s32 s4, s19  }
0x9c: {  	s7 =	simm.s32 $0x0;
	s20 =	sshll.u32 s5, $0x1;
	s5 =	sadd.s32 s21, s3  }
0x9d: {  	[timem:s7], [sflag:s22] =	dma.local [hbm:s5], s20  }
0x9e: {  	_ =	swait.ge [sflag:s22], s20  }
0x9f: {  	s4 =	ssub.s32 $0x0, s20;
	[sflag:s22] =	ssyncset.done $0x0  }
0xa0: {  	[sflag:s22] =	ssyncadd.s32 s4;
	_ =	sdelay $0x1  }
0xa1: {  	s23 =	simm.s32 $0x1B8B  }
0xa2: {  	_ =	swait.ge [sflag:s23], $0x1  }
0xa3: {  	[sflag:s23] =	ssyncset.done $0x0  }
0xa4: {  	s25 =	simm.s32 $0x1B8E;
	s24 =	sld [smem:$0x3FFE];
	[sflag:s23] =	ssyncadd.s32 $0xFFFFFFFF  }
0xa5: {  	s26 =	simm.s32 $execute0_lowered;
	[smem:$0x3FD2] =	sst s25  }
0xa6: {  	s5 =	sshll.u32 s26, $0x1;
	_ =	strace $0x80000046;
	[dreg:$0x1] =	wrdreg $0xFFFFFFFF  }
0xa7: {  	s28 =	simm.s32 $_size_execute0_lowered;
	s3 =	sadd.s32 s3, s5;
	[dreg:$0x0] =	wrdreg $0x0  }
0xa8: {  	s5 =	sshll.u32 s28, $0x1;
	[dreg:$0x2] =	wrdreg s3  }
0xa9: {  	[dreg:$0x3] =	wrdreg s5  }
0xaa: {  	[dreg:$0x4] =	wrdreg $0xC0  }
0xab: {  	_ =	task [dreg:s7], $0x5FFFF  }
0xac: {  	[dreg:$0x1] =	wrdreg $0xFFFFFFFF  }
0xad: {  	[dreg:$0x0] =	wrdreg $0x60  }
0xae: {  	[dreg:$0x2] =	wrdreg s24  }
0xaf: {  	[dreg:$0x3] =	wrdreg s2  }
0xb0: {  	[dreg:$0x4] =	wrdreg $0x98800  }
0xb1: {  	[dreg:$0x5] =	wrdreg $0x1D8800  }
0xb2: {  	[dreg:$0x6] =	wrdreg $0x9  }
0xb3: {  	_ =	task.clear_ibuf [dreg:s7], $0x7FFFF;
	_ =	strace $0x90000046  }
0xb4: {  	s29 =	simm.s32 $0x9;
	_ =	strace $0x80000048  }
0xb5: {  	_ =	swait.ge [sflag:s29], $0x1  }
0xb6: {  	[sflag:s29] =	ssyncadd.s32 $0xFFFFFFFF  }
0xb7: {  	_ =	strace $0x90000048  }
0xb8: {  	_ =	sfence  }
0xb9: {  	s30 =	sld [smem:$0x0];
	_ =	sdelay $0x2  }
0xba: {  	s31 =	sshll.u32 s1, $0xD;
	s1 =	sshrl.u32 s1, $0x2  }
0xbb: {  	s3 =	sand.u32 $0x4000, s31;
	s1 =	sadd.s32 s1, s30  }
0xbc: {  	s0 =	sor.u32 s3, s0;
	s1 =	sshll.u32 s1, $0x11  }
0xbd: {  	s0 =	sor.u32 s1, s0  }
0xbe: {  	s0 =	sadd.s32 $0x8F2B, s0  }
0xbf: {  	[sflag:s0] =	ssyncadd.remote.s32 $0x1  }
0xc0: {  	_ =	sfence.sel $0xFFFF  }
0xc1: {  	[dreg:$0x0] =	wrdreg $0xFFFFFFFF;
	(pc) =	sbr.abs _section_cstart, $3  }
0xc2: {  	[dreg:$0x1] =	wrdreg $0xFFFFFFFF  }
0xc3: {  	_ =	task.clear_ibuf [dreg:s7], $0x2FFFF;
	_ =	strace $0x9FFFFFFF  }
0xc4: {  	(tm) =	ssettm $0x7FFFFFFF  }
0xc5: {  	_ =	shalt  }
tec
execute0_lowered:
.L_overlay_start_1:
0x0: {  	(tag) =	ssettag $0x1  }
0x1: {  	s0 =	rddreg [dreg:$0x0]  }
0x2: {  	s6 =	rddreg [dreg:$0x1]  }
0x3: {  	s1 =	srdreg.scid;
	s2 =	rddreg [dreg:$0x2]  }
0x4: {  	s17 =	stileid.u32;
	s3 =	rddreg [dreg:$0x3];
	s4 =	simm.s32 $0x0  }
0x5: {  	s25 =	simm.s32 $0x80;
	s18 =	simm.s32 $0x180;
	s20 =	simm.s32 $0x200  }
0x6: {  	s21 =	simm.s32 $0x280;
	s22 =	simm.s32 $0x300;
	s23 =	simm.s32 $0x380  }
0x7: {  	s30 =	simm.s32 $0x1600;
	s31 =	simm.s32 $0x1680;
	s28 =	simm.s32 $0x1B80  }
0x8: {  	s29 =	simm.s32 $0x1C00;
	s1 =	sand.u32 $0x1, s1;
	s5 =	smul.u32 $0xA000, s17  }
0x9: {  	[smem:$0x7FF] =	sst s4;
	s8 =	smul.u32 $0x2800, s17;
	s10 =	sadd.s32 $0x7A400, s0  }
0xa: {  	s12 =	sadd.s32 $0xA2400, s0;
	_ =	strace $0x80000047;
	[dreg:$0x7] =	wrdreg s25  }
0xb: {  	s14 =	smul.u32 $0x50000, s17;
	s15 =	sadd.s32 $0x79800, s0;
	[dreg:$0x9] =	wrdreg s18  }
0xc: {  	s24 =	smul.u32 $0x280, s17;
	s26 =	sshll.u32 s17, $0x6;
	[dreg:$0xa] =	wrdreg s20  }
0xd: {  	s7 =	smul.u32 $0x5000, s1;
	s11 =	ssub.s32 $0x2, s1;
	[dreg:$0xb] =	wrdreg s21  }
0xe: {  	s17 =	sor.u32 $0x1C05, s26;
	p0 =	seq.s32 s1, $0x1;
	[dreg:$0xc] =	wrdreg s22  }
0xf: {  	[dreg:$0xd] =	wrdreg s23;
	s25 =	simm.s32 $0x400;
	s26 =	simm.s32 $0x480  }
0x10: {  	s18 =	simm.s32 $0x800;
	s20 =	simm.s32 $0x900;
	[dreg:$0xe] =	wrdreg s25  }
0x11: {  	s21 =	simm.s32 $0x980;
	s22 =	simm.s32 $0xA00;
	[dreg:$0xf] =	wrdreg s26  }
0x12: {  	s23 =	simm.s32 $0xA80;
	s1 =	simm.s32 $0x4;
	[dreg:$0x16] =	wrdreg s18  }
0x13: {  	s9 =	sadd.s32 s8, s0;
	s13 =	sshrl.u32 s11, $0x1;
	[dreg:$0x18] =	wrdreg s20  }
0x14: {  	s14 =	sshrl.u32 s14, $0x2;
	s19 =	sadd.s32 s24, s3;
	[dreg:$0x19] =	wrdreg s21  }
0x15: {  	s10 =	smov.u32 @p0 s12;
	s18 =	simm.s32 $0x4800;
	[dreg:$0x1a] =	wrdreg s22  }
0x16: {  	s20 =	simm.s32 $0x1;
	s21 =	simm.s32 $0x9800;
	[dreg:$0x1b] =	wrdreg s23  }
0x17: {  	s22 =	simm.s32 $0x2;
	s25 =	simm.s32 $0xB80;
	s26 =	simm.s32 $0xC00  }
0x18: {  	s23 =	simm.s32 $0x1A00;
	s5 =	sadd.s32 s7, s5;
	[dreg:$0x1d] =	wrdreg s25  }
0x19: {  	s11 =	ssub.s32 s11, s13;
	s9 =	sadd.s32 $0x51800, s9;
	[dreg:$0x1e] =	wrdreg s26  }
0x1a: {  	s14 =	sadd.s32 s14, s2;
	s8 =	sadd.s32 s10, s8;
	[dreg:$0x1f] =	wrdreg s9  }
0x1b: {  	s13 =	sshrl.u32 s24, $0x3;
	s10 =	simm.s32 $0x500;
	[smem:$0x7F9] =	sst s8  }
0x1c: {  	s25 =	simm.s32 $0x1A80;
	s6 =	sadd.s32 s6, s13;
	[dreg:$0x10] =	wrdreg s10  }
0x1d: {  	s26 =	simm.s32 $0x1B00;
	s24 =	smax.u32 s11, $0x1;
	[smem:$0x7F7] =	sst s6  }
0x1e: {  	s7 =	sshrl.u32 s5, $0x3;
	s11 =	simm.s32 $0x580;
	[smem:$0x7F8] =	sst s24  }
0x1f: {  	s8 =	sshrl.u32 s19, $0x3;
	s19 =	simm.s32 $0x880;
	[dreg:$0x11] =	wrdreg s11  }
0x20: {  	s5 =	sadd.s32 $0x2A600, s0;
	s10 =	sshrl.u32 s14, $0x3;
	[dreg:$0x17] =	wrdreg s19  }
0x21: {  	s9 =	simm.s32 $0x1700;
	s14 =	simm.s32 $0x1900;
	[smem:$0x7FC] =	sst s10  }
0x22: {  	s6 =	smov.u32 s17;
	s17 =	simm.s32 $0x780;
	[smem:$0x7FD] =	sst s8  }
0x23: {  	s7 =	sadd.s32 s7, s0;
	s24 =	simm.s32 $0xB00;
	[dreg:$0x15] =	wrdreg s17  }
0x24: {  	s0 =	sadd.s32 $0x79E00, s0;
	s19 =	simm.s32 $0x7000;
	[dreg:$0x1c] =	wrdreg s24  }
0x25: {  	s11 =	simm.s32 $0x1800;
	s16 =	sadd.s32 $0x16600, s7;
	[smem:$0x7FB] =	sst s6  }
0x26: {  	s7 =	sadd.s32 $0x2600, s7;
	s15 =	smov.u32 @p0 s0;
	[dreg:$0x5] =	wrdreg s16  }
0x27: {  	s17 =	simm.s32 $0x2000;
	[dreg:$0x6] =	wrdreg s7;
	s16 =	simm.s32 $0x100  }
0x28: {  	s24 =	simm.s32 $0x3;
	s12 =	sadd.s32 s15, s13;
	[dreg:$0x8] =	wrdreg s16  }
0x29: {  	s13 =	simm.s32 $0x600;
	s15 =	simm.s32 $0x680;
	[smem:$0x7FA] =	sst s12  }
0x2a: {  	s7 =	simm.s32 $0x0;
	[dreg:$0x12] =	wrdreg s13;
	s13 =	simm.s32 $0x5  }
0x2b: {  	[dreg:$0x13] =	wrdreg s15;
	s16 =	simm.s32 $0x700;
	s15 =	simm.s32 $0x1000  }
0x2c: {  	v0 =	vimm.f32 $1.000000000e+00;
	s12 =	simm.s32 $0x1880;
	[dreg:$0x14] =	wrdreg s16;
	s16 =	simm.s32 $0x50  }
.LBB2_1:
0x2d: {  	[smem:$0x7F6] =	sst s7  }
0x2e: {  	s0 =	rddreg [dreg:$0x1f]  }
0x2f: {  	[spmem:s10], [sflag:s6] =	dma.local [hbm:s0], $0x2800  }
0x30: {  	_ =	swait.ge [sflag:s13], $0x2800  }
0x31: {  	s7 =	sld [smem:$0x7F7]  }
0x32: {  	[sflag:s13] =	ssyncset.done $0x0  }
0x33: {  	[sflag:s13] =	ssyncadd.s32 $0xFFFFD800  }
0x34: {  	[spmem:s8], [sflag:s6] =	dma.local [hbm:s7], $0x50  }
0x35: {  	_ =	swait.ge [sflag:s13], $0x50  }
0x36: {  	[sflag:s13] =	ssyncset.done $0x0  }
0x37: {  	[sflag:s13] =	ssyncadd.s32 $0xFFFFFFB0  }
0x38: {  	[tilespmem:$0x9800] =	vst v0  }
0x39: {  	[tilespmem:$0x9810] =	vst v0  }
0x3a: {  	[tilespmem:$0x9820] =	vst v0  }
0x3b: {  	[tilespmem:$0x9830] =	vst v0  }
0x3c: {  	[tilespmem:$0x9840] =	vst v0  }
0x3d: {  	[bflag:$0x0] =	sbarrier.arrive $0xFFFF  }
0x3e: {  	s10 =	rddreg [dreg:$0x6]  }
0x3f: {  	s0 =	sadd.s32 $0x0, s10  }
0x40: {  	[tilespmem:s4], [sflag:$0x5] =	stream.linear.gather [hbm4b:s0+s4], $0xC80, $0x38;
	[tilespmem:$0x1DB00] =	vst v63  }
0x41: {  	_ =	swait.ge [sflag:s13], $0xC80  }
0x42: {  	s6 =	rddreg [dreg:$0x5];
	[sflag:s13] =	ssyncset.done $0x0  }
0x43: {  	[sflag:s13] =	ssyncadd.s32 $0xFFFFF380;
	s0 =	sadd.s32 $0x0, s6  }
0x44: {  	[tilespmem:s15], [sflag:$0x5] =	stream.linear.gather [hbm4b:s0+s4], $0xC80, $0x38;
	[tilespmem:$0x1DB00] =	vst v63  }
0x45: {  	_ =	swait.ge [sflag:s13], $0xC80  }
0x46: {  	[sflag:s13] =	ssyncset.done $0x0  }
0x47: {  	[sflag:s13] =	ssyncadd.s32 $0xFFFFF380  }
0x48: {  	[tilespmem:s17], [sflag:$0x1] =	stream.indirect.gather [hbm4b:s5+s16], $0x80, s4, s16, $0xb8;
	[tilespmem:$0x1DB00] =	vst v63  }
0x49: {  	s7 =	rddreg [dreg:$0x7]  }
0x4a: {  	[tilespmem:s18], [sflag:$0x2] =	stream.indirect.gather [hbm4b:s5+s16], $0x80, s7, s16, $0xb8;
	[tilespmem:$0x1DB00] =	vst v63  }
0x4b: {  	s8 =	rddreg [dreg:$0x8]  }
0x4c: {  	[tilespmem:s19], [sflag:$0x3] =	stream.indirect.gather [hbm4b:s5+s16], $0x80, s8, s16, $0xb8;
	[tilespmem:$0x1DB00] =	vst v63  }
0x4d: {  	_ =	swait.ge [sflag:s20], $0x2800  }
0x4e: {  	[sflag:s20] =	ssyncset.done $0x0  }
0x4f: {  	[sflag:s20] =	ssyncadd.s32 $0xFFFFD800  }
0x50: {  	[spmem:s2] =	stream.indirect.scatter.add.f32 [tilespmem:s17], [sflag:$0x5], $0x80, s15, s16, $0xb8;
	[tilespmem:$0x1DB00] =	vst v63  }
0x51: {  	_ =	swait.ge [sflag:s13], $0x2800  }
0x52: {  	[sflag:s13] =	ssyncset.done $0x0  }
0x53: {  	[sflag:s13] =	ssyncadd.s32 $0xFFFFD800  }
0x54: {  	[spmem:s3] =	stream.indirect.scatter.add.f32 [tilespmem:s21], [sflag:$0x4], $0x1, s15, s16, $0xb8;
	[tilespmem:$0x1DB00] =	vst v63  }
0x55: {  	s10 =	rddreg [dreg:$0x9]  }
0x56: {  	[tilespmem:s17], [sflag:$0x1] =	stream.indirect.gather [hbm4b:s5+s16], $0x80, s10, s16, $0xb8;
	[tilespmem:$0x1DB00] =	vst v63  }
0x57: {  	_ =	swait.ge [sflag:s22], $0x2800  }
0x58: {  	[sflag:s22] =	ssyncset.done $0x0  }
0x59: {  	s0 =	simm.s32 $0x1080;
	[sflag:s22] =	ssyncadd.s32 $0xFFFFD800  }
0x5a: {  	[spmem:s2] =	stream.indirect.scatter.add.f32 [tilespmem:s18], [sflag:$0x5], $0x80, s0, s16, $0xb8;
	[tilespmem:$0x1DB00] =	vst v63  }
0x5b: {  	_ =	swait.ge [sflag:s13], $0x2800  }
0x5c: {  	[sflag:s13] =	ssyncset.done $0x0  }
0x5d: {  	[sflag:s13] =	ssyncadd.s32 $0xFFFFD800  }
0x5e: {  	[spmem:s3] =	stream.indirect.scatter.add.f32 [tilespmem:s21], [sflag:$0x4], $0x1, s0, s16, $0xb8;
	[tilespmem:$0x1DB00] =	vst v63  }
0x5f: {  	s7 =	rddreg [dreg:$0xa]  }
0x60: {  	[tilespmem:s18], [sflag:$0x2] =	stream.indirect.gather [hbm4b:s5+s16], $0x80, s7, s16, $0xb8;
	[tilespmem:$0x1DB00] =	vst v63  }
0x61: {  	_ =	swait.ge [sflag:s24], $0x2800  }
0x62: {  	[sflag:s24] =	ssyncset.done $0x0  }
0x63: {  	s8 =	simm.s32 $0x1100;
	[sflag:s24] =	ssyncadd.s32 $0xFFFFD800  }
0x64: {  	[spmem:s2] =	stream.indirect.scatter.add.f32 [tilespmem:s19], [sflag:$0x5], $0x80, s8, s16, $0xb8;
	[tilespmem:$0x1DB00] =	vst v63  }
0x65: {  	_ =	swait.ge [sflag:s13], $0x2800  }
0x66: {  	[sflag:s13] =	ssyncset.done $0x0  }
0x67: {  	[sflag:s13] =	ssyncadd.s32 $0xFFFFD800  }
0x68: {  	[spmem:s3] =	stream.indirect.scatter.add.f32 [tilespmem:s21], [sflag:$0x4], $0x1, s8, s16, $0xb8;
	[tilespmem:$0x1DB00] =	vst v63  }
0x69: {  	s10 =	rddreg [dreg:$0xb]  }
0x6a: {  	[tilespmem:s19], [sflag:$0x3] =	stream.indirect.gather [hbm4b:s5+s16], $0x80, s10, s16, $0xb8;
	[tilespmem:$0x1DB00] =	vst v63  }
0x6b: {  	_ =	swait.ge [sflag:s20], $0x2800  }
0x6c: {  	[sflag:s20] =	ssyncset.done $0x0  }
0x6d: {  	s0 =	simm.s32 $0x1180;
	[sflag:s20] =	ssyncadd.s32 $0xFFFFD800  }
0x6e: {  	[spmem:s2] =	stream.indirect.scatter.add.f32 [tilespmem:s17], [sflag:$0x5], $0x80, s0, s16, $0xb8;
	[tilespmem:$0x1DB00] =	vst v63  }
0x6f: {  	_ =	swait.ge [sflag:s13], $0x2800  }
0x70: {  	[sflag:s13] =	ssyncset.done $0x0  }
0x71: {  	[sflag:s13] =	ssyncadd.s32 $0xFFFFD800  }
0x72: {  	[spmem:s3] =	stream.indirect.scatter.add.f32 [tilespmem:s21], [sflag:$0x4], $0x1, s0, s16, $0xb8;
	[tilespmem:$0x1DB00] =	vst v63  }
0x73: {  	s7 =	rddreg [dreg:$0xc]  }
0x74: {  	[tilespmem:s17], [sflag:$0x1] =	stream.indirect.gather [hbm4b:s5+s16], $0x80, s7, s16, $0xb8;
	[tilespmem:$0x1DB00] =	vst v63  }
0x75: {  	_ =	swait.ge [sflag:s22], $0x2800  }
0x76: {  	[sflag:s22] =	ssyncset.done $0x0  }
0x77: {  	s8 =	simm.s32 $0x1200;
	[sflag:s22] =	ssyncadd.s32 $0xFFFFD800  }
0x78: {  	[spmem:s2] =	stream.indirect.scatter.add.f32 [tilespmem:s18], [sflag:$0x5], $0x80, s8, s16, $0xb8;
	[tilespmem:$0x1DB00] =	vst v63  }
0x79: {  	_ =	swait.ge [sflag:s13], $0x2800  }
0x7a: {  	[sflag:s13] =	ssyncset.done $0x0  }
0x7b: {  	[sflag:s13] =	ssyncadd.s32 $0xFFFFD800  }
0x7c: {  	[spmem:s3] =	stream.indirect.scatter.add.f32 [tilespmem:s21], [sflag:$0x4], $0x1, s8, s16, $0xb8;
	[tilespmem:$0x1DB00] =	vst v63  }
0x7d: {  	s10 =	rddreg [dreg:$0xd]  }
0x7e: {  	[tilespmem:s18], [sflag:$0x2] =	stream.indirect.gather [hbm4b:s5+s16], $0x80, s10, s16, $0xb8;
	[tilespmem:$0x1DB00] =	vst v63  }
0x7f: {  	_ =	swait.ge [sflag:s24], $0x2800  }
0x80: {  	[sflag:s24] =	ssyncset.done $0x0  }
0x81: {  	s0 =	simm.s32 $0x1280;
	[sflag:s24] =	ssyncadd.s32 $0xFFFFD800  }
0x82: {  	[spmem:s2] =	stream.indirect.scatter.add.f32 [tilespmem:s19], [sflag:$0x5], $0x80, s0, s16, $0xb8;
	[tilespmem:$0x1DB00] =	vst v63  }
0x83: {  	_ =	swait.ge [sflag:s13], $0x2800  }
0x84: {  	[sflag:s13] =	ssyncset.done $0x0  }
0x85: {  	[sflag:s13] =	ssyncadd.s32 $0xFFFFD800  }
0x86: {  	[spmem:s3] =	stream.indirect.scatter.add.f32 [tilespmem:s21], [sflag:$0x4], $0x1, s0, s16, $0xb8;
	[tilespmem:$0x1DB00] =	vst v63  }
0x87: {  	s7 =	rddreg [dreg:$0xe]  }
0x88: {  	[tilespmem:s19], [sflag:$0x3] =	stream.indirect.gather [hbm4b:s5+s16], $0x80, s7, s16, $0xb8;
	[tilespmem:$0x1DB00] =	vst v63  }
0x89: {  	_ =	swait.ge [sflag:s20], $0x2800  }
0x8a: {  	[sflag:s20] =	ssyncset.done $0x0  }
0x8b: {  	s8 =	simm.s32 $0x1300;
	[sflag:s20] =	ssyncadd.s32 $0xFFFFD800  }
0x8c: {  	[spmem:s2] =	stream.indirect.scatter.add.f32 [tilespmem:s17], [sflag:$0x5], $0x80, s8, s16, $0xb8;
	[tilespmem:$0x1DB00] =	vst v63  }
0x8d: {  	_ =	swait.ge [sflag:s13], $0x2800  }
0x8e: {  	[sflag:s13] =	ssyncset.done $0x0  }
0x8f: {  	[sflag:s13] =	ssyncadd.s32 $0xFFFFD800  }
0x90: {  	[spmem:s3] =	stream.indirect.scatter.add.f32 [tilespmem:s21], [sflag:$0x4], $0x1, s8, s16, $0xb8;
	[tilespmem:$0x1DB00] =	vst v63  }
0x91: {  	s10 =	rddreg [dreg:$0xf]  }
0x92: {  	[tilespmem:s17], [sflag:$0x1] =	stream.indirect.gather [hbm4b:s5+s16], $0x80, s10, s16, $0xb8;
	[tilespmem:$0x1DB00] =	vst v63  }
0x93: {  	_ =	swait.ge [sflag:s22], $0x2800  }
0x94: {  	[sflag:s22] =	ssyncset.done $0x0  }
0x95: {  	s0 =	simm.s32 $0x1380;
	[sflag:s22] =	ssyncadd.s32 $0xFFFFD800  }
0x96: {  	[spmem:s2] =	stream.indirect.scatter.add.f32 [tilespmem:s18], [sflag:$0x5], $0x80, s0, s16, $0xb8;
	[tilespmem:$0x1DB00] =	vst v63  }
0x97: {  	_ =	swait.ge [sflag:s13], $0x2800  }
0x98: {  	[sflag:s13] =	ssyncset.done $0x0  }
0x99: {  	[sflag:s13] =	ssyncadd.s32 $0xFFFFD800  }
0x9a: {  	[spmem:s3] =	stream.indirect.scatter.add.f32 [tilespmem:s21], [sflag:$0x4], $0x1, s0, s16, $0xb8;
	[tilespmem:$0x1DB00] =	vst v63  }
0x9b: {  	s7 =	rddreg [dreg:$0x10]  }
0x9c: {  	[tilespmem:s18], [sflag:$0x2] =	stream.indirect.gather [hbm4b:s5+s16], $0x80, s7, s16, $0xb8;
	[tilespmem:$0x1DB00] =	vst v63  }
0x9d: {  	_ =	swait.ge [sflag:s24], $0x2800  }
0x9e: {  	[sflag:s24] =	ssyncset.done $0x0  }
0x9f: {  	s8 =	simm.s32 $0x1400;
	[sflag:s24] =	ssyncadd.s32 $0xFFFFD800  }
0xa0: {  	[spmem:s2] =	stream.indirect.scatter.add.f32 [tilespmem:s19], [sflag:$0x5], $0x80, s8, s16, $0xb8;
	[tilespmem:$0x1DB00] =	vst v63  }
0xa1: {  	_ =	swait.ge [sflag:s13], $0x2800  }
0xa2: {  	[sflag:s13] =	ssyncset.done $0x0  }
0xa3: {  	[sflag:s13] =	ssyncadd.s32 $0xFFFFD800  }
0xa4: {  	[spmem:s3] =	stream.indirect.scatter.add.f32 [tilespmem:s21], [sflag:$0x4], $0x1, s8, s16, $0xb8;
	[tilespmem:$0x1DB00] =	vst v63  }
0xa5: {  	s10 =	rddreg [dreg:$0x11]  }
0xa6: {  	[tilespmem:s19], [sflag:$0x3] =	stream.indirect.gather [hbm4b:s5+s16], $0x80, s10, s16, $0xb8;
	[tilespmem:$0x1DB00] =	vst v63  }
0xa7: {  	_ =	swait.ge [sflag:s20], $0x2800  }
0xa8: {  	[sflag:s20] =	ssyncset.done $0x0  }
0xa9: {  	s0 =	simm.s32 $0x1480;
	[sflag:s20] =	ssyncadd.s32 $0xFFFFD800  }
0xaa: {  	[spmem:s2] =	stream.indirect.scatter.add.f32 [tilespmem:s17], [sflag:$0x5], $0x80, s0, s16, $0xb8;
	[tilespmem:$0x1DB00] =	vst v63  }
0xab: {  	_ =	swait.ge [sflag:s13], $0x2800  }
0xac: {  	[sflag:s13] =	ssyncset.done $0x0  }
0xad: {  	[sflag:s13] =	ssyncadd.s32 $0xFFFFD800  }
0xae: {  	[spmem:s3] =	stream.indirect.scatter.add.f32 [tilespmem:s21], [sflag:$0x4], $0x1, s0, s16, $0xb8;
	[tilespmem:$0x1DB00] =	vst v63  }
0xaf: {  	s7 =	rddreg [dreg:$0x12]  }
0xb0: {  	[tilespmem:s17], [sflag:$0x1] =	stream.indirect.gather [hbm4b:s5+s16], $0x80, s7, s16, $0xb8;
	[tilespmem:$0x1DB00] =	vst v63  }
0xb1: {  	_ =	swait.ge [sflag:s22], $0x2800  }
0xb2: {  	[sflag:s22] =	ssyncset.done $0x0  }
0xb3: {  	s8 =	simm.s32 $0x1500;
	[sflag:s22] =	ssyncadd.s32 $0xFFFFD800  }
0xb4: {  	[spmem:s2] =	stream.indirect.scatter.add.f32 [tilespmem:s18], [sflag:$0x5], $0x80, s8, s16, $0xb8;
	[tilespmem:$0x1DB00] =	vst v63  }
0xb5: {  	_ =	swait.ge [sflag:s13], $0x2800  }
0xb6: {  	[sflag:s13] =	ssyncset.done $0x0  }
0xb7: {  	[sflag:s13] =	ssyncadd.s32 $0xFFFFD800  }
0xb8: {  	[spmem:s3] =	stream.indirect.scatter.add.f32 [tilespmem:s21], [sflag:$0x4], $0x1, s8, s16, $0xb8;
	[tilespmem:$0x1DB00] =	vst v63  }
0xb9: {  	s10 =	rddreg [dreg:$0x13]  }
0xba: {  	[tilespmem:s18], [sflag:$0x2] =	stream.indirect.gather [hbm4b:s5+s16], $0x80, s10, s16, $0xb8;
	[tilespmem:$0x1DB00] =	vst v63  }
0xbb: {  	_ =	swait.ge [sflag:s24], $0x2800  }
0xbc: {  	[sflag:s24] =	ssyncset.done $0x0  }
0xbd: {  	s0 =	simm.s32 $0x1580;
	[sflag:s24] =	ssyncadd.s32 $0xFFFFD800  }
0xbe: {  	[spmem:s2] =	stream.indirect.scatter.add.f32 [tilespmem:s19], [sflag:$0x5], $0x80, s0, s16, $0xb8;
	[tilespmem:$0x1DB00] =	vst v63  }
0xbf: {  	_ =	swait.ge [sflag:s13], $0x2800  }
0xc0: {  	[sflag:s13] =	ssyncset.done $0x0  }
0xc1: {  	[sflag:s13] =	ssyncadd.s32 $0xFFFFD800  }
0xc2: {  	[spmem:s3] =	stream.indirect.scatter.add.f32 [tilespmem:s21], [sflag:$0x4], $0x1, s0, s16, $0xb8;
	[tilespmem:$0x1DB00] =	vst v63  }
0xc3: {  	s7 =	rddreg [dreg:$0x14]  }
0xc4: {  	[tilespmem:s19], [sflag:$0x3] =	stream.indirect.gather [hbm4b:s5+s16], $0x80, s7, s16, $0xb8;
	[tilespmem:$0x1DB00] =	vst v63  }
0xc5: {  	_ =	swait.ge [sflag:s20], $0x2800  }
0xc6: {  	[sflag:s20] =	ssyncset.done $0x0  }
0xc7: {  	[sflag:s20] =	ssyncadd.s32 $0xFFFFD800  }
0xc8: {  	[spmem:s2] =	stream.indirect.scatter.add.f32 [tilespmem:s17], [sflag:$0x5], $0x80, s30, s16, $0xb8;
	[tilespmem:$0x1DB00] =	vst v63  }
0xc9: {  	_ =	swait.ge [sflag:s13], $0x2800  }
0xca: {  	[sflag:s13] =	ssyncset.done $0x0  }
0xcb: {  	[sflag:s13] =	ssyncadd.s32 $0xFFFFD800  }
0xcc: {  	[spmem:s3] =	stream.indirect.scatter.add.f32 [tilespmem:s21], [sflag:$0x4], $0x1, s30, s16, $0xb8;
	[tilespmem:$0x1DB00] =	vst v63  }
0xcd: {  	s8 =	rddreg [dreg:$0x15]  }
0xce: {  	[tilespmem:s17], [sflag:$0x1] =	stream.indirect.gather [hbm4b:s5+s16], $0x80, s8, s16, $0xb8;
	[tilespmem:$0x1DB00] =	vst v63  }
0xcf: {  	_ =	swait.ge [sflag:s22], $0x2800  }
0xd0: {  	[sflag:s22] =	ssyncset.done $0x0  }
0xd1: {  	[sflag:s22] =	ssyncadd.s32 $0xFFFFD800  }
0xd2: {  	[spmem:s2] =	stream.indirect.scatter.add.f32 [tilespmem:s18], [sflag:$0x5], $0x80, s31, s16, $0xb8;
	[tilespmem:$0x1DB00] =	vst v63  }
0xd3: {  	_ =	swait.ge [sflag:s13], $0x2800  }
0xd4: {  	[sflag:s13] =	ssyncset.done $0x0  }
0xd5: {  	[sflag:s13] =	ssyncadd.s32 $0xFFFFD800  }
0xd6: {  	[spmem:s3] =	stream.indirect.scatter.add.f32 [tilespmem:s21], [sflag:$0x4], $0x1, s31, s16, $0xb8;
	[tilespmem:$0x1DB00] =	vst v63  }
0xd7: {  	s10 =	rddreg [dreg:$0x16]  }
0xd8: {  	[tilespmem:s18], [sflag:$0x2] =	stream.indirect.gather [hbm4b:s5+s16], $0x80, s10, s16, $0xb8;
	[tilespmem:$0x1DB00] =	vst v63  }
0xd9: {  	_ =	swait.ge [sflag:s24], $0x2800  }
0xda: {  	[sflag:s24] =	ssyncset.done $0x0  }
0xdb: {  	[sflag:s24] =	ssyncadd.s32 $0xFFFFD800  }
0xdc: {  	[spmem:s2] =	stream.indirect.scatter.add.f32 [tilespmem:s19], [sflag:$0x5], $0x80, s9, s16, $0xb8;
	[tilespmem:$0x1DB00] =	vst v63  }
0xdd: {  	_ =	swait.ge [sflag:s13], $0x2800  }
0xde: {  	[sflag:s13] =	ssyncset.done $0x0  }
0xdf: {  	[sflag:s13] =	ssyncadd.s32 $0xFFFFD800  }
0xe0: {  	[spmem:s3] =	stream.indirect.scatter.add.f32 [tilespmem:s21], [sflag:$0x4], $0x1, s9, s16, $0xb8;
	[tilespmem:$0x1DB00] =	vst v63  }
0xe1: {  	s6 =	rddreg [dreg:$0x17]  }
0xe2: {  	[tilespmem:s19], [sflag:$0x3] =	stream.indirect.gather [hbm4b:s5+s16], $0x80, s6, s16, $0xb8;
	[tilespmem:$0x1DB00] =	vst v63  }
0xe3: {  	_ =	swait.ge [sflag:s20], $0x2800  }
0xe4: {  	[sflag:s20] =	ssyncset.done $0x0  }
0xe5: {  	s10 =	simm.s32 $0x1780;
	[sflag:s20] =	ssyncadd.s32 $0xFFFFD800  }
0xe6: {  	[spmem:s2] =	stream.indirect.scatter.add.f32 [tilespmem:s17], [sflag:$0x5], $0x80, s10, s16, $0xb8;
	[tilespmem:$0x1DB00] =	vst v63  }
0xe7: {  	_ =	swait.ge [sflag:s13], $0x2800  }
0xe8: {  	[sflag:s13] =	ssyncset.done $0x0  }
0xe9: {  	[sflag:s13] =	ssyncadd.s32 $0xFFFFD800  }
0xea: {  	[spmem:s3] =	stream.indirect.scatter.add.f32 [tilespmem:s21], [sflag:$0x4], $0x1, s10, s16, $0xb8;
	[tilespmem:$0x1DB00] =	vst v63  }
0xeb: {  	s7 =	rddreg [dreg:$0x18]  }
0xec: {  	[tilespmem:s17], [sflag:$0x1] =	stream.indirect.gather [hbm4b:s5+s16], $0x80, s7, s16, $0xb8;
	[tilespmem:$0x1DB00] =	vst v63  }
0xed: {  	_ =	swait.ge [sflag:s22], $0x2800  }
0xee: {  	[sflag:s22] =	ssyncset.done $0x0  }
0xef: {  	[sflag:s22] =	ssyncadd.s32 $0xFFFFD800  }
0xf0: {  	[spmem:s2] =	stream.indirect.scatter.add.f32 [tilespmem:s18], [sflag:$0x5], $0x80, s11, s16, $0xb8;
	[tilespmem:$0x1DB00] =	vst v63  }
0xf1: {  	_ =	swait.ge [sflag:s13], $0x2800  }
0xf2: {  	[sflag:s13] =	ssyncset.done $0x0  }
0xf3: {  	[sflag:s13] =	ssyncadd.s32 $0xFFFFD800  }
0xf4: {  	[spmem:s3] =	stream.indirect.scatter.add.f32 [tilespmem:s21], [sflag:$0x4], $0x1, s11, s16, $0xb8;
	[tilespmem:$0x1DB00] =	vst v63  }
0xf5: {  	s8 =	rddreg [dreg:$0x19]  }
0xf6: {  	[tilespmem:s18], [sflag:$0x2] =	stream.indirect.gather [hbm4b:s5+s16], $0x80, s8, s16, $0xb8;
	[tilespmem:$0x1DB00] =	vst v63  }
0xf7: {  	_ =	swait.ge [sflag:s24], $0x2800  }
0xf8: {  	[sflag:s24] =	ssyncset.done $0x0  }
0xf9: {  	[sflag:s24] =	ssyncadd.s32 $0xFFFFD800  }
0xfa: {  	[spmem:s2] =	stream.indirect.scatter.add.f32 [tilespmem:s19], [sflag:$0x5], $0x80, s12, s16, $0xb8;
	[tilespmem:$0x1DB00] =	vst v63  }
0xfb: {  	_ =	swait.ge [sflag:s13], $0x2800  }
0xfc: {  	[sflag:s13] =	ssyncset.done $0x0  }
0xfd: {  	[sflag:s13] =	ssyncadd.s32 $0xFFFFD800  }
0xfe: {  	[spmem:s3] =	stream.indirect.scatter.add.f32 [tilespmem:s21], [sflag:$0x4], $0x1, s12, s16, $0xb8;
	[tilespmem:$0x1DB00] =	vst v63  }
0xff: {  	s6 =	rddreg [dreg:$0x1a]  }
0x100: {  	[tilespmem:s19], [sflag:$0x3] =	stream.indirect.gather [hbm4b:s5+s16], $0x80, s6, s16, $0xb8;
	[tilespmem:$0x1DB00] =	vst v63  }
0x101: {  	_ =	swait.ge [sflag:s20], $0x2800  }
0x102: {  	[sflag:s20] =	ssyncset.done $0x0  }
0x103: {  	[sflag:s20] =	ssyncadd.s32 $0xFFFFD800  }
0x104: {  	[spmem:s2] =	stream.indirect.scatter.add.f32 [tilespmem:s17], [sflag:$0x5], $0x80, s14, s16, $0xb8;
	[tilespmem:$0x1DB00] =	vst v63  }
0x105: {  	_ =	swait.ge [sflag:s13], $0x2800  }
0x106: {  	[sflag:s13] =	ssyncset.done $0x0  }
0x107: {  	[sflag:s13] =	ssyncadd.s32 $0xFFFFD800  }
0x108: {  	[spmem:s3] =	stream.indirect.scatter.add.f32 [tilespmem:s21], [sflag:$0x4], $0x1, s14, s16, $0xb8;
	[tilespmem:$0x1DB00] =	vst v63  }
0x109: {  	s7 =	rddreg [dreg:$0x1b]  }
0x10a: {  	[tilespmem:s17], [sflag:$0x1] =	stream.indirect.gather [hbm4b:s5+s16], $0x80, s7, s16, $0xb8;
	[tilespmem:$0x1DB00] =	vst v63  }
0x10b: {  	_ =	swait.ge [sflag:s22], $0x2800  }
0x10c: {  	[sflag:s22] =	ssyncset.done $0x0  }
0x10d: {  	s7 =	simm.s32 $0x1980;
	[sflag:s22] =	ssyncadd.s32 $0xFFFFD800  }
0x10e: {  	[spmem:s2] =	stream.indirect.scatter.add.f32 [tilespmem:s18], [sflag:$0x5], $0x80, s7, s16, $0xb8;
	[tilespmem:$0x1DB00] =	vst v63  }
0x10f: {  	_ =	swait.ge [sflag:s13], $0x2800  }
0x110: {  	[sflag:s13] =	ssyncset.done $0x0  }
0x111: {  	[sflag:s13] =	ssyncadd.s32 $0xFFFFD800  }
0x112: {  	[spmem:s3] =	stream.indirect.scatter.add.f32 [tilespmem:s21], [sflag:$0x4], $0x1, s7, s16, $0xb8;
	[tilespmem:$0x1DB00] =	vst v63  }
0x113: {  	s8 =	rddreg [dreg:$0x1c]  }
0x114: {  	[tilespmem:s18], [sflag:$0x2] =	stream.indirect.gather [hbm4b:s5+s16], $0x80, s8, s16, $0xb8;
	[tilespmem:$0x1DB00] =	vst v63  }
0x115: {  	_ =	swait.ge [sflag:s24], $0x2800  }
0x116: {  	[sflag:s24] =	ssyncset.done $0x0  }
0x117: {  	[sflag:s24] =	ssyncadd.s32 $0xFFFFD800  }
0x118: {  	[spmem:s2] =	stream.indirect.scatter.add.f32 [tilespmem:s19], [sflag:$0x5], $0x80, s23, s16, $0xb8;
	[tilespmem:$0x1DB00] =	vst v63  }
0x119: {  	_ =	swait.ge [sflag:s13], $0x2800  }
0x11a: {  	[sflag:s13] =	ssyncset.done $0x0  }
0x11b: {  	[sflag:s13] =	ssyncadd.s32 $0xFFFFD800  }
0x11c: {  	[spmem:s3] =	stream.indirect.scatter.add.f32 [tilespmem:s21], [sflag:$0x4], $0x1, s23, s16, $0xb8;
	[tilespmem:$0x1DB00] =	vst v63  }
0x11d: {  	s6 =	rddreg [dreg:$0x1d]  }
0x11e: {  	[tilespmem:s19], [sflag:$0x3] =	stream.indirect.gather [hbm4b:s5+s16], $0x80, s6, s16, $0xb8;
	[tilespmem:$0x1DB00] =	vst v63  }
0x11f: {  	_ =	swait.ge [sflag:s20], $0x2800  }
0x120: {  	[sflag:s20] =	ssyncset.done $0x0  }
0x121: {  	[sflag:s20] =	ssyncadd.s32 $0xFFFFD800  }
0x122: {  	[spmem:s2] =	stream.indirect.scatter.add.f32 [tilespmem:s17], [sflag:$0x5], $0x80, s25, s16, $0xb8;
	[tilespmem:$0x1DB00] =	vst v63  }
0x123: {  	_ =	swait.ge [sflag:s13], $0x2800  }
0x124: {  	[sflag:s13] =	ssyncset.done $0x0  }
0x125: {  	[sflag:s13] =	ssyncadd.s32 $0xFFFFD800  }
0x126: {  	[spmem:s3] =	stream.indirect.scatter.add.f32 [tilespmem:s21], [sflag:$0x4], $0x1, s25, s16, $0xb8;
	[tilespmem:$0x1DB00] =	vst v63  }
0x127: {  	s8 =	rddreg [dreg:$0x1e]  }
0x128: {  	[tilespmem:s17], [sflag:$0x1] =	stream.indirect.gather [hbm4b:s5+s16], $0x80, s8, s16, $0xb8;
	[tilespmem:$0x1DB00] =	vst v63  }
0x129: {  	_ =	swait.ge [sflag:s22], $0x2800  }
0x12a: {  	[sflag:s22] =	ssyncset.done $0x0  }
0x12b: {  	[sflag:s22] =	ssyncadd.s32 $0xFFFFD800  }
0x12c: {  	[spmem:s2] =	stream.indirect.scatter.add.f32 [tilespmem:s18], [sflag:$0x5], $0x80, s26, s16, $0xb8;
	[tilespmem:$0x1DB00] =	vst v63  }
0x12d: {  	_ =	swait.ge [sflag:s13], $0x2800  }
0x12e: {  	[sflag:s13] =	ssyncset.done $0x0  }
0x12f: {  	[sflag:s13] =	ssyncadd.s32 $0xFFFFD800  }
0x130: {  	[spmem:s3] =	stream.indirect.scatter.add.f32 [tilespmem:s21], [sflag:$0x4], $0x1, s26, s16, $0xb8;
	[tilespmem:$0x1DB00] =	vst v63  }
0x131: {  	_ =	swait.ge [sflag:s24], $0x2800  }
0x132: {  	[sflag:s24] =	ssyncset.done $0x0  }
0x133: {  	[sflag:s24] =	ssyncadd.s32 $0xFFFFD800  }
0x134: {  	[spmem:s2] =	stream.indirect.scatter.add.f32 [tilespmem:s19], [sflag:$0x5], $0x80, s28, s16, $0xb8;
	[tilespmem:$0x1DB00] =	vst v63  }
0x135: {  	_ =	swait.ge [sflag:s13], $0x2800  }
0x136: {  	[sflag:s13] =	ssyncset.done $0x0  }
0x137: {  	[sflag:s13] =	ssyncadd.s32 $0xFFFFD800  }
0x138: {  	[spmem:s3] =	stream.indirect.scatter.add.f32 [tilespmem:s21], [sflag:$0x4], $0x1, s28, s16, $0xb8;
	[tilespmem:$0x1DB00] =	vst v63  }
0x139: {  	_ =	swait.ge [sflag:s20], $0x2800  }
0x13a: {  	[sflag:s20] =	ssyncset.done $0x0  }
0x13b: {  	[sflag:s20] =	ssyncadd.s32 $0xFFFFD800  }
0x13c: {  	[spmem:s2] =	stream.indirect.scatter.add.f32 [tilespmem:s17], [sflag:$0x5], $0x80, s29, s16, $0xb8;
	[tilespmem:$0x1DB00] =	vst v63  }
0x13d: {  	_ =	swait.ge [sflag:s13], $0x2800  }
0x13e: {  	[sflag:s13] =	ssyncset.done $0x0  }
0x13f: {  	[sflag:s13] =	ssyncadd.s32 $0xFFFFD800  }
0x140: {  	[spmem:s3] =	stream.indirect.scatter.add.f32 [tilespmem:s21], [sflag:$0x4], $0x1, s29, s16, $0xb8;
	[tilespmem:$0x1DB00] =	vst v63  }
0x141: {  	_ =	swait.ge [sflag:s1], $0x50  }
0x142: {  	[sflag:s1] =	ssyncset.done $0x0  }
0x143: {  	[sflag:s1] =	ssyncadd.s32 $0xFFFFFFB0  }
0x144: {  	_ =	swait.ge [sflag:s1], $0x50  }
0x145: {  	[sflag:s1] =	ssyncset.done $0x0  }
0x146: {  	[sflag:s1] =	ssyncadd.s32 $0xFFFFFFB0  }
0x147: {  	_ =	swait.ge [sflag:s1], $0x50  }
0x148: {  	[sflag:s1] =	ssyncset.done $0x0  }
0x149: {  	[sflag:s1] =	ssyncadd.s32 $0xFFFFFFB0  }
0x14a: {  	_ =	swait.ge [sflag:s1], $0x50  }
0x14b: {  	[sflag:s1] =	ssyncset.done $0x0  }
0x14c: {  	[sflag:s1] =	ssyncadd.s32 $0xFFFFFFB0  }
0x14d: {  	_ =	swait.ge [sflag:s1], $0x50  }
0x14e: {  	[sflag:s1] =	ssyncset.done $0x0  }
0x14f: {  	[sflag:s1] =	ssyncadd.s32 $0xFFFFFFB0  }
0x150: {  	_ =	swait.ge [sflag:s1], $0x50  }
0x151: {  	[sflag:s1] =	ssyncset.done $0x0  }
0x152: {  	[sflag:s1] =	ssyncadd.s32 $0xFFFFFFB0  }
0x153: {  	_ =	swait.ge [sflag:s1], $0x50  }
0x154: {  	[sflag:s1] =	ssyncset.done $0x0  }
0x155: {  	[sflag:s1] =	ssyncadd.s32 $0xFFFFFFB0  }
0x156: {  	_ =	swait.ge [sflag:s1], $0x50  }
0x157: {  	[sflag:s1] =	ssyncset.done $0x0  }
0x158: {  	[sflag:s1] =	ssyncadd.s32 $0xFFFFFFB0  }
0x159: {  	_ =	swait.ge [sflag:s1], $0x50  }
0x15a: {  	[sflag:s1] =	ssyncset.done $0x0  }
0x15b: {  	[sflag:s1] =	ssyncadd.s32 $0xFFFFFFB0  }
0x15c: {  	_ =	swait.ge [sflag:s1], $0x50  }
0x15d: {  	[sflag:s1] =	ssyncset.done $0x0  }
0x15e: {  	[sflag:s1] =	ssyncadd.s32 $0xFFFFFFB0  }
0x15f: {  	_ =	swait.ge [sflag:s1], $0x50  }
0x160: {  	[sflag:s1] =	ssyncset.done $0x0  }
0x161: {  	[sflag:s1] =	ssyncadd.s32 $0xFFFFFFB0  }
0x162: {  	_ =	swait.ge [sflag:s1], $0x50  }
0x163: {  	[sflag:s1] =	ssyncset.done $0x0  }
0x164: {  	[sflag:s1] =	ssyncadd.s32 $0xFFFFFFB0  }
0x165: {  	_ =	swait.ge [sflag:s1], $0x50  }
0x166: {  	[sflag:s1] =	ssyncset.done $0x0  }
0x167: {  	[sflag:s1] =	ssyncadd.s32 $0xFFFFFFB0  }
0x168: {  	_ =	swait.ge [sflag:s1], $0x50  }
0x169: {  	[sflag:s1] =	ssyncset.done $0x0  }
0x16a: {  	[sflag:s1] =	ssyncadd.s32 $0xFFFFFFB0  }
0x16b: {  	_ =	swait.ge [sflag:s1], $0x50  }
0x16c: {  	[sflag:s1] =	ssyncset.done $0x0  }
0x16d: {  	[sflag:s1] =	ssyncadd.s32 $0xFFFFFFB0  }
0x16e: {  	_ =	swait.ge [sflag:s1], $0x50  }
0x16f: {  	[sflag:s1] =	ssyncset.done $0x0  }
0x170: {  	[sflag:s1] =	ssyncadd.s32 $0xFFFFFFB0  }
0x171: {  	_ =	swait.ge [sflag:s1], $0x50  }
0x172: {  	[sflag:s1] =	ssyncset.done $0x0  }
0x173: {  	[sflag:s1] =	ssyncadd.s32 $0xFFFFFFB0  }
0x174: {  	_ =	swait.ge [sflag:s1], $0x50  }
0x175: {  	[sflag:s1] =	ssyncset.done $0x0  }
0x176: {  	[sflag:s1] =	ssyncadd.s32 $0xFFFFFFB0  }
0x177: {  	_ =	swait.ge [sflag:s1], $0x50  }
0x178: {  	[sflag:s1] =	ssyncset.done $0x0  }
0x179: {  	[sflag:s1] =	ssyncadd.s32 $0xFFFFFFB0  }
0x17a: {  	_ =	swait.ge [sflag:s1], $0x50  }
0x17b: {  	[sflag:s1] =	ssyncset.done $0x0  }
0x17c: {  	[sflag:s1] =	ssyncadd.s32 $0xFFFFFFB0  }
0x17d: {  	_ =	swait.ge [sflag:s1], $0x50  }
0x17e: {  	[sflag:s1] =	ssyncset.done $0x0  }
0x17f: {  	[sflag:s1] =	ssyncadd.s32 $0xFFFFFFB0  }
0x180: {  	_ =	swait.ge [sflag:s1], $0x50  }
0x181: {  	[sflag:s1] =	ssyncset.done $0x0  }
0x182: {  	[sflag:s1] =	ssyncadd.s32 $0xFFFFFFB0  }
0x183: {  	_ =	swait.ge [sflag:s1], $0x50  }
0x184: {  	[sflag:s1] =	ssyncset.done $0x0  }
0x185: {  	[sflag:s1] =	ssyncadd.s32 $0xFFFFFFB0  }
0x186: {  	_ =	swait.ge [sflag:s1], $0x50  }
0x187: {  	[sflag:s1] =	ssyncset.done $0x0  }
0x188: {  	[sflag:s1] =	ssyncadd.s32 $0xFFFFFFB0  }
0x189: {  	s0 =	simm.s32 $0x200;
	_ =	swait.ge [sflag:s1], $0x50  }
.LBB2_2:
0x18a: {  	s6 =	rddreg [dreg:$0x6];
	s8 =	smov.u32 s0;
	[sflag:s1] =	ssyncset.done $0x0  }
0x18b: {  	s6 =	sadd.s32 s8, s6;
	[sflag:s1] =	ssyncadd.s32 $0xFFFFFFB0  }
0x18c: {  	[tilespmem:s4], [sflag:$0x5] =	stream.linear.gather [hbm4b:s6+s4], $0xC80, $0x38;
	[tilespmem:$0x1DB00] =	vst v63  }
0x18d: {  	_ =	swait.ge [sflag:s13], $0xC80  }
0x18e: {  	s6 =	rddreg [dreg:$0x5];
	[sflag:s13] =	ssyncset.done $0x0  }
0x18f: {  	[sflag:s13] =	ssyncadd.s32 $0xFFFFF380;
	s6 =	sadd.s32 s8, s6  }
0x190: {  	[tilespmem:s15], [sflag:$0x5] =	stream.linear.gather [hbm4b:s6+s4], $0xC80, $0x38;
	[tilespmem:$0x1DB00] =	vst v63  }
0x191: {  	_ =	swait.ge [sflag:s13], $0xC80  }
0x192: {  	[sflag:s13] =	ssyncset.done $0x0  }
0x193: {  	[sflag:s13] =	ssyncadd.s32 $0xFFFFF380  }
0x194: {  	[tilespmem:s17], [sflag:$0x1] =	stream.indirect.gather [hbm4b:s5+s16], $0x80, s4, s16, $0xb8;
	[tilespmem:$0x1DB00] =	vst v63  }
0x195: {  	s6 =	rddreg [dreg:$0x7]  }
0x196: {  	[tilespmem:s18], [sflag:$0x2] =	stream.indirect.gather [hbm4b:s5+s16], $0x80, s6, s16, $0xb8;
	[tilespmem:$0x1DB00] =	vst v63  }
0x197: {  	s8 =	rddreg [dreg:$0x8]  }
0x198: {  	[tilespmem:s19], [sflag:$0x3] =	stream.indirect.gather [hbm4b:s5+s16], $0x80, s8, s16, $0xb8;
	[tilespmem:$0x1DB00] =	vst v63  }
0x199: {  	_ =	swait.ge [sflag:s20], $0x2800  }
0x19a: {  	[sflag:s20] =	ssyncset.done $0x0  }
0x19b: {  	[sflag:s20] =	ssyncadd.s32 $0xFFFFD800  }
0x19c: {  	[spmem:s2] =	stream.indirect.scatter.add.f32 [tilespmem:s17], [sflag:$0x5], $0x80, s15, s16, $0xb8;
	[tilespmem:$0x1DB00] =	vst v63  }
0x19d: {  	_ =	swait.ge [sflag:s13], $0x2800  }
0x19e: {  	[sflag:s13] =	ssyncset.done $0x0  }
0x19f: {  	[sflag:s13] =	ssyncadd.s32 $0xFFFFD800  }
0x1a0: {  	[spmem:s3] =	stream.indirect.scatter.add.f32 [tilespmem:s21], [sflag:$0x4], $0x1, s15, s16, $0xb8;
	[tilespmem:$0x1DB00] =	vst v63  }
0x1a1: {  	s8 =	rddreg [dreg:$0x9]  }
0x1a2: {  	[tilespmem:s17], [sflag:$0x1] =	stream.indirect.gather [hbm4b:s5+s16], $0x80, s8, s16, $0xb8;
	[tilespmem:$0x1DB00] =	vst v63  }
0x1a3: {  	_ =	swait.ge [sflag:s22], $0x2800  }
0x1a4: {  	[sflag:s22] =	ssyncset.done $0x0  }
0x1a5: {  	s8 =	simm.s32 $0x1080;
	[sflag:s22] =	ssyncadd.s32 $0xFFFFD800  }
0x1a6: {  	[spmem:s2] =	stream.indirect.scatter.add.f32 [tilespmem:s18], [sflag:$0x5], $0x80, s8, s16, $0xb8;
	[tilespmem:$0x1DB00] =	vst v63  }
0x1a7: {  	_ =	swait.ge [sflag:s13], $0x2800  }
0x1a8: {  	[sflag:s13] =	ssyncset.done $0x0  }
0x1a9: {  	[sflag:s13] =	ssyncadd.s32 $0xFFFFD800  }
0x1aa: {  	[spmem:s3] =	stream.indirect.scatter.add.f32 [tilespmem:s21], [sflag:$0x4], $0x1, s8, s16, $0xb8;
	[tilespmem:$0x1DB00] =	vst v63  }
0x1ab: {  	s6 =	rddreg [dreg:$0xa]  }
0x1ac: {  	[tilespmem:s18], [sflag:$0x2] =	stream.indirect.gather [hbm4b:s5+s16], $0x80, s6, s16, $0xb8;
	[tilespmem:$0x1DB00] =	vst v63  }
0x1ad: {  	_ =	swait.ge [sflag:s24], $0x2800  }
0x1ae: {  	[sflag:s24] =	ssyncset.done $0x0  }
0x1af: {  	s8 =	simm.s32 $0x1100;
	[sflag:s24] =	ssyncadd.s32 $0xFFFFD800  }
0x1b0: {  	[spmem:s2] =	stream.indirect.scatter.add.f32 [tilespmem:s19], [sflag:$0x5], $0x80, s8, s16, $0xb8;
	[tilespmem:$0x1DB00] =	vst v63  }
0x1b1: {  	_ =	swait.ge [sflag:s13], $0x2800  }
0x1b2: {  	[sflag:s13] =	ssyncset.done $0x0  }
0x1b3: {  	[sflag:s13] =	ssyncadd.s32 $0xFFFFD800  }
0x1b4: {  	[spmem:s3] =	stream.indirect.scatter.add.f32 [tilespmem:s21], [sflag:$0x4], $0x1, s8, s16, $0xb8;
	[tilespmem:$0x1DB00] =	vst v63  }
0x1b5: {  	s6 =	rddreg [dreg:$0xb]  }
0x1b6: {  	[tilespmem:s19], [sflag:$0x3] =	stream.indirect.gather [hbm4b:s5+s16], $0x80, s6, s16, $0xb8;
	[tilespmem:$0x1DB00] =	vst v63  }
0x1b7: {  	_ =	swait.ge [sflag:s20], $0x2800  }
0x1b8: {  	[sflag:s20] =	ssyncset.done $0x0  }
0x1b9: {  	s8 =	simm.s32 $0x1180;
	[sflag:s20] =	ssyncadd.s32 $0xFFFFD800  }
0x1ba: {  	[spmem:s2] =	stream.indirect.scatter.add.f32 [tilespmem:s17], [sflag:$0x5], $0x80, s8, s16, $0xb8;
	[tilespmem:$0x1DB00] =	vst v63  }
0x1bb: {  	_ =	swait.ge [sflag:s13], $0x2800  }
0x1bc: {  	[sflag:s13] =	ssyncset.done $0x0  }
0x1bd: {  	[sflag:s13] =	ssyncadd.s32 $0xFFFFD800  }
0x1be: {  	[spmem:s3] =	stream.indirect.scatter.add.f32 [tilespmem:s21], [sflag:$0x4], $0x1, s8, s16, $0xb8;
	[tilespmem:$0x1DB00] =	vst v63  }
0x1bf: {  	s6 =	rddreg [dreg:$0xc]  }
0x1c0: {  	[tilespmem:s17], [sflag:$0x1] =	stream.indirect.gather [hbm4b:s5+s16], $0x80, s6, s16, $0xb8;
	[tilespmem:$0x1DB00] =	vst v63  }
0x1c1: {  	_ =	swait.ge [sflag:s22], $0x2800  }
0x1c2: {  	[sflag:s22] =	ssyncset.done $0x0  }
0x1c3: {  	s8 =	simm.s32 $0x1200;
	[sflag:s22] =	ssyncadd.s32 $0xFFFFD800  }
0x1c4: {  	[spmem:s2] =	stream.indirect.scatter.add.f32 [tilespmem:s18], [sflag:$0x5], $0x80, s8, s16, $0xb8;
	[tilespmem:$0x1DB00] =	vst v63  }
0x1c5: {  	_ =	swait.ge [sflag:s13], $0x2800  }
0x1c6: {  	[sflag:s13] =	ssyncset.done $0x0  }
0x1c7: {  	[sflag:s13] =	ssyncadd.s32 $0xFFFFD800  }
0x1c8: {  	[spmem:s3] =	stream.indirect.scatter.add.f32 [tilespmem:s21], [sflag:$0x4], $0x1, s8, s16, $0xb8;
	[tilespmem:$0x1DB00] =	vst v63  }
0x1c9: {  	s6 =	rddreg [dreg:$0xd]  }
0x1ca: {  	[tilespmem:s18], [sflag:$0x2] =	stream.indirect.gather [hbm4b:s5+s16], $0x80, s6, s16, $0xb8;
	[tilespmem:$0x1DB00] =	vst v63  }
0x1cb: {  	_ =	swait.ge [sflag:s24], $0x2800  }
0x1cc: {  	[sflag:s24] =	ssyncset.done $0x0  }
0x1cd: {  	s8 =	simm.s32 $0x1280;
	[sflag:s24] =	ssyncadd.s32 $0xFFFFD800  }
0x1ce: {  	[spmem:s2] =	stream.indirect.scatter.add.f32 [tilespmem:s19], [sflag:$0x5], $0x80, s8, s16, $0xb8;
	[tilespmem:$0x1DB00] =	vst v63  }
0x1cf: {  	_ =	swait.ge [sflag:s13], $0x2800  }
0x1d0: {  	[sflag:s13] =	ssyncset.done $0x0  }
0x1d1: {  	[sflag:s13] =	ssyncadd.s32 $0xFFFFD800  }
0x1d2: {  	[spmem:s3] =	stream.indirect.scatter.add.f32 [tilespmem:s21], [sflag:$0x4], $0x1, s8, s16, $0xb8;
	[tilespmem:$0x1DB00] =	vst v63  }
0x1d3: {  	s6 =	rddreg [dreg:$0xe]  }
0x1d4: {  	[tilespmem:s19], [sflag:$0x3] =	stream.indirect.gather [hbm4b:s5+s16], $0x80, s6, s16, $0xb8;
	[tilespmem:$0x1DB00] =	vst v63  }
0x1d5: {  	_ =	swait.ge [sflag:s20], $0x2800  }
0x1d6: {  	[sflag:s20] =	ssyncset.done $0x0  }
0x1d7: {  	s8 =	simm.s32 $0x1300;
	[sflag:s20] =	ssyncadd.s32 $0xFFFFD800  }
0x1d8: {  	[spmem:s2] =	stream.indirect.scatter.add.f32 [tilespmem:s17], [sflag:$0x5], $0x80, s8, s16, $0xb8;
	[tilespmem:$0x1DB00] =	vst v63  }
0x1d9: {  	_ =	swait.ge [sflag:s13], $0x2800  }
0x1da: {  	[sflag:s13] =	ssyncset.done $0x0  }
0x1db: {  	[sflag:s13] =	ssyncadd.s32 $0xFFFFD800  }
0x1dc: {  	[spmem:s3] =	stream.indirect.scatter.add.f32 [tilespmem:s21], [sflag:$0x4], $0x1, s8, s16, $0xb8;
	[tilespmem:$0x1DB00] =	vst v63  }
0x1dd: {  	s6 =	rddreg [dreg:$0xf]  }
0x1de: {  	[tilespmem:s17], [sflag:$0x1] =	stream.indirect.gather [hbm4b:s5+s16], $0x80, s6, s16, $0xb8;
	[tilespmem:$0x1DB00] =	vst v63  }
0x1df: {  	_ =	swait.ge [sflag:s22], $0x2800  }
0x1e0: {  	[sflag:s22] =	ssyncset.done $0x0  }
0x1e1: {  	s8 =	simm.s32 $0x1380;
	[sflag:s22] =	ssyncadd.s32 $0xFFFFD800  }
0x1e2: {  	[spmem:s2] =	stream.indirect.scatter.add.f32 [tilespmem:s18], [sflag:$0x5], $0x80, s8, s16, $0xb8;
	[tilespmem:$0x1DB00] =	vst v63  }
0x1e3: {  	_ =	swait.ge [sflag:s13], $0x2800  }
0x1e4: {  	[sflag:s13] =	ssyncset.done $0x0  }
0x1e5: {  	[sflag:s13] =	ssyncadd.s32 $0xFFFFD800  }
0x1e6: {  	[spmem:s3] =	stream.indirect.scatter.add.f32 [tilespmem:s21], [sflag:$0x4], $0x1, s8, s16, $0xb8;
	[tilespmem:$0x1DB00] =	vst v63  }
0x1e7: {  	s6 =	rddreg [dreg:$0x10]  }
0x1e8: {  	[tilespmem:s18], [sflag:$0x2] =	stream.indirect.gather [hbm4b:s5+s16], $0x80, s6, s16, $0xb8;
	[tilespmem:$0x1DB00] =	vst v63  }
0x1e9: {  	_ =	swait.ge [sflag:s24], $0x2800  }
0x1ea: {  	[sflag:s24] =	ssyncset.done $0x0  }
0x1eb: {  	s8 =	simm.s32 $0x1400;
	[sflag:s24] =	ssyncadd.s32 $0xFFFFD800  }
0x1ec: {  	[spmem:s2] =	stream.indirect.scatter.add.f32 [tilespmem:s19], [sflag:$0x5], $0x80, s8, s16, $0xb8;
	[tilespmem:$0x1DB00] =	vst v63  }
0x1ed: {  	_ =	swait.ge [sflag:s13], $0x2800  }
0x1ee: {  	[sflag:s13] =	ssyncset.done $0x0  }
0x1ef: {  	[sflag:s13] =	ssyncadd.s32 $0xFFFFD800  }
0x1f0: {  	[spmem:s3] =	stream.indirect.scatter.add.f32 [tilespmem:s21], [sflag:$0x4], $0x1, s8, s16, $0xb8;
	[tilespmem:$0x1DB00] =	vst v63  }
0x1f1: {  	s6 =	rddreg [dreg:$0x11]  }
0x1f2: {  	[tilespmem:s19], [sflag:$0x3] =	stream.indirect.gather [hbm4b:s5+s16], $0x80, s6, s16, $0xb8;
	[tilespmem:$0x1DB00] =	vst v63  }
0x1f3: {  	_ =	swait.ge [sflag:s20], $0x2800  }
0x1f4: {  	[sflag:s20] =	ssyncset.done $0x0  }
0x1f5: {  	s8 =	simm.s32 $0x1480;
	[sflag:s20] =	ssyncadd.s32 $0xFFFFD800  }
0x1f6: {  	[spmem:s2] =	stream.indirect.scatter.add.f32 [tilespmem:s17], [sflag:$0x5], $0x80, s8, s16, $0xb8;
	[tilespmem:$0x1DB00] =	vst v63  }
0x1f7: {  	_ =	swait.ge [sflag:s13], $0x2800  }
0x1f8: {  	[sflag:s13] =	ssyncset.done $0x0  }
0x1f9: {  	[sflag:s13] =	ssyncadd.s32 $0xFFFFD800  }
0x1fa: {  	[spmem:s3] =	stream.indirect.scatter.add.f32 [tilespmem:s21], [sflag:$0x4], $0x1, s8, s16, $0xb8;
	[tilespmem:$0x1DB00] =	vst v63  }
0x1fb: {  	s6 =	rddreg [dreg:$0x12]  }
0x1fc: {  	[tilespmem:s17], [sflag:$0x1] =	stream.indirect.gather [hbm4b:s5+s16], $0x80, s6, s16, $0xb8;
	[tilespmem:$0x1DB00] =	vst v63  }
0x1fd: {  	_ =	swait.ge [sflag:s22], $0x2800  }
0x1fe: {  	[sflag:s22] =	ssyncset.done $0x0  }
0x1ff: {  	s8 =	simm.s32 $0x1500;
	[sflag:s22] =	ssyncadd.s32 $0xFFFFD800  }
0x200: {  	[spmem:s2] =	stream.indirect.scatter.add.f32 [tilespmem:s18], [sflag:$0x5], $0x80, s8, s16, $0xb8;
	[tilespmem:$0x1DB00] =	vst v63  }
0x201: {  	_ =	swait.ge [sflag:s13], $0x2800  }
0x202: {  	[sflag:s13] =	ssyncset.done $0x0  }
0x203: {  	[sflag:s13] =	ssyncadd.s32 $0xFFFFD800  }
0x204: {  	[spmem:s3] =	stream.indirect.scatter.add.f32 [tilespmem:s21], [sflag:$0x4], $0x1, s8, s16, $0xb8;
	[tilespmem:$0x1DB00] =	vst v63  }
0x205: {  	s6 =	rddreg [dreg:$0x13]  }
0x206: {  	[tilespmem:s18], [sflag:$0x2] =	stream.indirect.gather [hbm4b:s5+s16], $0x80, s6, s16, $0xb8;
	[tilespmem:$0x1DB00] =	vst v63  }
0x207: {  	_ =	swait.ge [sflag:s24], $0x2800  }
0x208: {  	[sflag:s24] =	ssyncset.done $0x0  }
0x209: {  	s8 =	simm.s32 $0x1580;
	[sflag:s24] =	ssyncadd.s32 $0xFFFFD800  }
0x20a: {  	[spmem:s2] =	stream.indirect.scatter.add.f32 [tilespmem:s19], [sflag:$0x5], $0x80, s8, s16, $0xb8;
	[tilespmem:$0x1DB00] =	vst v63  }
0x20b: {  	_ =	swait.ge [sflag:s13], $0x2800  }
0x20c: {  	[sflag:s13] =	ssyncset.done $0x0  }
0x20d: {  	[sflag:s13] =	ssyncadd.s32 $0xFFFFD800  }
0x20e: {  	[spmem:s3] =	stream.indirect.scatter.add.f32 [tilespmem:s21], [sflag:$0x4], $0x1, s8, s16, $0xb8;
	[tilespmem:$0x1DB00] =	vst v63  }
0x20f: {  	s6 =	rddreg [dreg:$0x14]  }
0x210: {  	[tilespmem:s19], [sflag:$0x3] =	stream.indirect.gather [hbm4b:s5+s16], $0x80, s6, s16, $0xb8;
	[tilespmem:$0x1DB00] =	vst v63  }
0x211: {  	_ =	swait.ge [sflag:s20], $0x2800  }
0x212: {  	[sflag:s20] =	ssyncset.done $0x0  }
0x213: {  	[sflag:s20] =	ssyncadd.s32 $0xFFFFD800  }
0x214: {  	[spmem:s2] =	stream.indirect.scatter.add.f32 [tilespmem:s17], [sflag:$0x5], $0x80, s30, s16, $0xb8;
	[tilespmem:$0x1DB00] =	vst v63  }
0x215: {  	_ =	swait.ge [sflag:s13], $0x2800  }
0x216: {  	[sflag:s13] =	ssyncset.done $0x0  }
0x217: {  	[sflag:s13] =	ssyncadd.s32 $0xFFFFD800  }
0x218: {  	[spmem:s3] =	stream.indirect.scatter.add.f32 [tilespmem:s21], [sflag:$0x4], $0x1, s30, s16, $0xb8;
	[tilespmem:$0x1DB00] =	vst v63  }
0x219: {  	s8 =	rddreg [dreg:$0x15]  }
0x21a: {  	[tilespmem:s17], [sflag:$0x1] =	stream.indirect.gather [hbm4b:s5+s16], $0x80, s8, s16, $0xb8;
	[tilespmem:$0x1DB00] =	vst v63  }
0x21b: {  	_ =	swait.ge [sflag:s22], $0x2800  }
0x21c: {  	[sflag:s22] =	ssyncset.done $0x0  }
0x21d: {  	[sflag:s22] =	ssyncadd.s32 $0xFFFFD800  }
0x21e: {  	[spmem:s2] =	stream.indirect.scatter.add.f32 [tilespmem:s18], [sflag:$0x5], $0x80, s31, s16, $0xb8;
	[tilespmem:$0x1DB00] =	vst v63  }
0x21f: {  	_ =	swait.ge [sflag:s13], $0x2800  }
0x220: {  	[sflag:s13] =	ssyncset.done $0x0  }
0x221: {  	[sflag:s13] =	ssyncadd.s32 $0xFFFFD800  }
0x222: {  	[spmem:s3] =	stream.indirect.scatter.add.f32 [tilespmem:s21], [sflag:$0x4], $0x1, s31, s16, $0xb8;
	[tilespmem:$0x1DB00] =	vst v63  }
0x223: {  	s8 =	rddreg [dreg:$0x16]  }
0x224: {  	[tilespmem:s18], [sflag:$0x2] =	stream.indirect.gather [hbm4b:s5+s16], $0x80, s8, s16, $0xb8;
	[tilespmem:$0x1DB00] =	vst v63  }
0x225: {  	_ =	swait.ge [sflag:s24], $0x2800  }
0x226: {  	[sflag:s24] =	ssyncset.done $0x0  }
0x227: {  	[sflag:s24] =	ssyncadd.s32 $0xFFFFD800  }
0x228: {  	[spmem:s2] =	stream.indirect.scatter.add.f32 [tilespmem:s19], [sflag:$0x5], $0x80, s9, s16, $0xb8;
	[tilespmem:$0x1DB00] =	vst v63  }
0x229: {  	_ =	swait.ge [sflag:s13], $0x2800  }
0x22a: {  	[sflag:s13] =	ssyncset.done $0x0  }
0x22b: {  	[sflag:s13] =	ssyncadd.s32 $0xFFFFD800  }
0x22c: {  	[spmem:s3] =	stream.indirect.scatter.add.f32 [tilespmem:s21], [sflag:$0x4], $0x1, s9, s16, $0xb8;
	[tilespmem:$0x1DB00] =	vst v63  }
0x22d: {  	s8 =	rddreg [dreg:$0x17]  }
0x22e: {  	[tilespmem:s19], [sflag:$0x3] =	stream.indirect.gather [hbm4b:s5+s16], $0x80, s8, s16, $0xb8;
	[tilespmem:$0x1DB00] =	vst v63  }
0x22f: {  	_ =	swait.ge [sflag:s20], $0x2800  }
0x230: {  	[sflag:s20] =	ssyncset.done $0x0  }
0x231: {  	[sflag:s20] =	ssyncadd.s32 $0xFFFFD800  }
0x232: {  	[spmem:s2] =	stream.indirect.scatter.add.f32 [tilespmem:s17], [sflag:$0x5], $0x80, s10, s16, $0xb8;
	[tilespmem:$0x1DB00] =	vst v63  }
0x233: {  	_ =	swait.ge [sflag:s13], $0x2800  }
0x234: {  	[sflag:s13] =	ssyncset.done $0x0  }
0x235: {  	[sflag:s13] =	ssyncadd.s32 $0xFFFFD800  }
0x236: {  	[spmem:s3] =	stream.indirect.scatter.add.f32 [tilespmem:s21], [sflag:$0x4], $0x1, s10, s16, $0xb8;
	[tilespmem:$0x1DB00] =	vst v63  }
0x237: {  	s8 =	rddreg [dreg:$0x18]  }
0x238: {  	[tilespmem:s17], [sflag:$0x1] =	stream.indirect.gather [hbm4b:s5+s16], $0x80, s8, s16, $0xb8;
	[tilespmem:$0x1DB00] =	vst v63  }
0x239: {  	_ =	swait.ge [sflag:s22], $0x2800  }
0x23a: {  	[sflag:s22] =	ssyncset.done $0x0  }
0x23b: {  	[sflag:s22] =	ssyncadd.s32 $0xFFFFD800  }
0x23c: {  	[spmem:s2] =	stream.indirect.scatter.add.f32 [tilespmem:s18], [sflag:$0x5], $0x80, s11, s16, $0xb8;
	[tilespmem:$0x1DB00] =	vst v63  }
0x23d: {  	_ =	swait.ge [sflag:s13], $0x2800  }
0x23e: {  	[sflag:s13] =	ssyncset.done $0x0  }
0x23f: {  	[sflag:s13] =	ssyncadd.s32 $0xFFFFD800  }
0x240: {  	[spmem:s3] =	stream.indirect.scatter.add.f32 [tilespmem:s21], [sflag:$0x4], $0x1, s11, s16, $0xb8;
	[tilespmem:$0x1DB00] =	vst v63  }
0x241: {  	s8 =	rddreg [dreg:$0x19]  }
0x242: {  	[tilespmem:s18], [sflag:$0x2] =	stream.indirect.gather [hbm4b:s5+s16], $0x80, s8, s16, $0xb8;
	[tilespmem:$0x1DB00] =	vst v63  }
0x243: {  	_ =	swait.ge [sflag:s24], $0x2800  }
0x244: {  	[sflag:s24] =	ssyncset.done $0x0  }
0x245: {  	[sflag:s24] =	ssyncadd.s32 $0xFFFFD800  }
0x246: {  	[spmem:s2] =	stream.indirect.scatter.add.f32 [tilespmem:s19], [sflag:$0x5], $0x80, s12, s16, $0xb8;
	[tilespmem:$0x1DB00] =	vst v63  }
0x247: {  	_ =	swait.ge [sflag:s13], $0x2800  }
0x248: {  	[sflag:s13] =	ssyncset.done $0x0  }
0x249: {  	[sflag:s13] =	ssyncadd.s32 $0xFFFFD800  }
0x24a: {  	[spmem:s3] =	stream.indirect.scatter.add.f32 [tilespmem:s21], [sflag:$0x4], $0x1, s12, s16, $0xb8;
	[tilespmem:$0x1DB00] =	vst v63  }
0x24b: {  	s8 =	rddreg [dreg:$0x1a]  }
0x24c: {  	[tilespmem:s19], [sflag:$0x3] =	stream.indirect.gather [hbm4b:s5+s16], $0x80, s8, s16, $0xb8;
	[tilespmem:$0x1DB00] =	vst v63  }
0x24d: {  	_ =	swait.ge [sflag:s20], $0x2800  }
0x24e: {  	[sflag:s20] =	ssyncset.done $0x0  }
0x24f: {  	[sflag:s20] =	ssyncadd.s32 $0xFFFFD800  }
0x250: {  	[spmem:s2] =	stream.indirect.scatter.add.f32 [tilespmem:s17], [sflag:$0x5], $0x80, s14, s16, $0xb8;
	[tilespmem:$0x1DB00] =	vst v63  }
0x251: {  	_ =	swait.ge [sflag:s13], $0x2800  }
0x252: {  	[sflag:s13] =	ssyncset.done $0x0  }
0x253: {  	[sflag:s13] =	ssyncadd.s32 $0xFFFFD800  }
0x254: {  	[spmem:s3] =	stream.indirect.scatter.add.f32 [tilespmem:s21], [sflag:$0x4], $0x1, s14, s16, $0xb8;
	[tilespmem:$0x1DB00] =	vst v63  }
0x255: {  	s8 =	rddreg [dreg:$0x1b]  }
0x256: {  	[tilespmem:s17], [sflag:$0x1] =	stream.indirect.gather [hbm4b:s5+s16], $0x80, s8, s16, $0xb8;
	[tilespmem:$0x1DB00] =	vst v63  }
0x257: {  	_ =	swait.ge [sflag:s22], $0x2800  }
0x258: {  	[sflag:s22] =	ssyncset.done $0x0  }
0x259: {  	[sflag:s22] =	ssyncadd.s32 $0xFFFFD800  }
0x25a: {  	[spmem:s2] =	stream.indirect.scatter.add.f32 [tilespmem:s18], [sflag:$0x5], $0x80, s7, s16, $0xb8;
	[tilespmem:$0x1DB00] =	vst v63  }
0x25b: {  	_ =	swait.ge [sflag:s13], $0x2800  }
0x25c: {  	[sflag:s13] =	ssyncset.done $0x0  }
0x25d: {  	[sflag:s13] =	ssyncadd.s32 $0xFFFFD800  }
0x25e: {  	[spmem:s3] =	stream.indirect.scatter.add.f32 [tilespmem:s21], [sflag:$0x4], $0x1, s7, s16, $0xb8;
	[tilespmem:$0x1DB00] =	vst v63  }
0x25f: {  	s8 =	rddreg [dreg:$0x1c]  }
0x260: {  	[tilespmem:s18], [sflag:$0x2] =	stream.indirect.gather [hbm4b:s5+s16], $0x80, s8, s16, $0xb8;
	[tilespmem:$0x1DB00] =	vst v63  }
0x261: {  	_ =	swait.ge [sflag:s24], $0x2800  }
0x262: {  	[sflag:s24] =	ssyncset.done $0x0  }
0x263: {  	[sflag:s24] =	ssyncadd.s32 $0xFFFFD800  }
0x264: {  	[spmem:s2] =	stream.indirect.scatter.add.f32 [tilespmem:s19], [sflag:$0x5], $0x80, s23, s16, $0xb8;
	[tilespmem:$0x1DB00] =	vst v63  }
0x265: {  	_ =	swait.ge [sflag:s13], $0x2800  }
0x266: {  	[sflag:s13] =	ssyncset.done $0x0  }
0x267: {  	[sflag:s13] =	ssyncadd.s32 $0xFFFFD800  }
0x268: {  	[spmem:s3] =	stream.indirect.scatter.add.f32 [tilespmem:s21], [sflag:$0x4], $0x1, s23, s16, $0xb8;
	[tilespmem:$0x1DB00] =	vst v63  }
0x269: {  	s8 =	rddreg [dreg:$0x1d]  }
0x26a: {  	[tilespmem:s19], [sflag:$0x3] =	stream.indirect.gather [hbm4b:s5+s16], $0x80, s8, s16, $0xb8;
	[tilespmem:$0x1DB00] =	vst v63  }
0x26b: {  	_ =	swait.ge [sflag:s20], $0x2800  }
0x26c: {  	[sflag:s20] =	ssyncset.done $0x0  }
0x26d: {  	[sflag:s20] =	ssyncadd.s32 $0xFFFFD800  }
0x26e: {  	[spmem:s2] =	stream.indirect.scatter.add.f32 [tilespmem:s17], [sflag:$0x5], $0x80, s25, s16, $0xb8;
	[tilespmem:$0x1DB00] =	vst v63  }
0x26f: {  	_ =	swait.ge [sflag:s13], $0x2800  }
0x270: {  	[sflag:s13] =	ssyncset.done $0x0  }
0x271: {  	[sflag:s13] =	ssyncadd.s32 $0xFFFFD800  }
0x272: {  	[spmem:s3] =	stream.indirect.scatter.add.f32 [tilespmem:s21], [sflag:$0x4], $0x1, s25, s16, $0xb8;
	[tilespmem:$0x1DB00] =	vst v63  }
0x273: {  	s8 =	rddreg [dreg:$0x1e]  }
0x274: {  	[tilespmem:s17], [sflag:$0x1] =	stream.indirect.gather [hbm4b:s5+s16], $0x80, s8, s16, $0xb8;
	[tilespmem:$0x1DB00] =	vst v63  }
0x275: {  	_ =	swait.ge [sflag:s22], $0x2800  }
0x276: {  	[sflag:s22] =	ssyncset.done $0x0  }
0x277: {  	[sflag:s22] =	ssyncadd.s32 $0xFFFFD800  }
0x278: {  	[spmem:s2] =	stream.indirect.scatter.add.f32 [tilespmem:s18], [sflag:$0x5], $0x80, s26, s16, $0xb8;
	[tilespmem:$0x1DB00] =	vst v63  }
0x279: {  	_ =	swait.ge [sflag:s13], $0x2800  }
0x27a: {  	[sflag:s13] =	ssyncset.done $0x0  }
0x27b: {  	[sflag:s13] =	ssyncadd.s32 $0xFFFFD800  }
0x27c: {  	[spmem:s3] =	stream.indirect.scatter.add.f32 [tilespmem:s21], [sflag:$0x4], $0x1, s26, s16, $0xb8;
	[tilespmem:$0x1DB00] =	vst v63  }
0x27d: {  	_ =	swait.ge [sflag:s24], $0x2800  }
0x27e: {  	[sflag:s24] =	ssyncset.done $0x0  }
0x27f: {  	[sflag:s24] =	ssyncadd.s32 $0xFFFFD800  }
0x280: {  	[spmem:s2] =	stream.indirect.scatter.add.f32 [tilespmem:s19], [sflag:$0x5], $0x80, s28, s16, $0xb8;
	[tilespmem:$0x1DB00] =	vst v63  }
0x281: {  	_ =	swait.ge [sflag:s13], $0x2800  }
0x282: {  	[sflag:s13] =	ssyncset.done $0x0  }
0x283: {  	[sflag:s13] =	ssyncadd.s32 $0xFFFFD800  }
0x284: {  	[spmem:s3] =	stream.indirect.scatter.add.f32 [tilespmem:s21], [sflag:$0x4], $0x1, s28, s16, $0xb8;
	[tilespmem:$0x1DB00] =	vst v63  }
0x285: {  	_ =	swait.ge [sflag:s20], $0x2800  }
0x286: {  	[sflag:s20] =	ssyncset.done $0x0  }
0x287: {  	[sflag:s20] =	ssyncadd.s32 $0xFFFFD800  }
0x288: {  	[spmem:s2] =	stream.indirect.scatter.add.f32 [tilespmem:s17], [sflag:$0x5], $0x80, s29, s16, $0xb8;
	[tilespmem:$0x1DB00] =	vst v63  }
0x289: {  	_ =	swait.ge [sflag:s13], $0x2800  }
0x28a: {  	[sflag:s13] =	ssyncset.done $0x0  }
0x28b: {  	[sflag:s13] =	ssyncadd.s32 $0xFFFFD800  }
0x28c: {  	[spmem:s3] =	stream.indirect.scatter.add.f32 [tilespmem:s21], [sflag:$0x4], $0x1, s29, s16, $0xb8;
	[tilespmem:$0x1DB00] =	vst v63  }
0x28d: {  	_ =	swait.ge [sflag:s1], $0x50  }
0x28e: {  	[sflag:s1] =	ssyncset.done $0x0  }
0x28f: {  	[sflag:s1] =	ssyncadd.s32 $0xFFFFFFB0  }
0x290: {  	_ =	swait.ge [sflag:s1], $0x50  }
0x291: {  	[sflag:s1] =	ssyncset.done $0x0  }
0x292: {  	[sflag:s1] =	ssyncadd.s32 $0xFFFFFFB0  }
0x293: {  	_ =	swait.ge [sflag:s1], $0x50  }
0x294: {  	[sflag:s1] =	ssyncset.done $0x0  }
0x295: {  	[sflag:s1] =	ssyncadd.s32 $0xFFFFFFB0  }
0x296: {  	_ =	swait.ge [sflag:s1], $0x50  }
0x297: {  	[sflag:s1] =	ssyncset.done $0x0  }
0x298: {  	[sflag:s1] =	ssyncadd.s32 $0xFFFFFFB0  }
0x299: {  	_ =	swait.ge [sflag:s1], $0x50  }
0x29a: {  	[sflag:s1] =	ssyncset.done $0x0  }
0x29b: {  	[sflag:s1] =	ssyncadd.s32 $0xFFFFFFB0  }
0x29c: {  	_ =	swait.ge [sflag:s1], $0x50  }
0x29d: {  	[sflag:s1] =	ssyncset.done $0x0  }
0x29e: {  	[sflag:s1] =	ssyncadd.s32 $0xFFFFFFB0  }
0x29f: {  	_ =	swait.ge [sflag:s1], $0x50  }
0x2a0: {  	[sflag:s1] =	ssyncset.done $0x0  }
0x2a1: {  	[sflag:s1] =	ssyncadd.s32 $0xFFFFFFB0  }
0x2a2: {  	_ =	swait.ge [sflag:s1], $0x50  }
0x2a3: {  	[sflag:s1] =	ssyncset.done $0x0  }
0x2a4: {  	[sflag:s1] =	ssyncadd.s32 $0xFFFFFFB0  }
0x2a5: {  	_ =	swait.ge [sflag:s1], $0x50  }
0x2a6: {  	[sflag:s1] =	ssyncset.done $0x0  }
0x2a7: {  	[sflag:s1] =	ssyncadd.s32 $0xFFFFFFB0  }
0x2a8: {  	_ =	swait.ge [sflag:s1], $0x50  }
0x2a9: {  	[sflag:s1] =	ssyncset.done $0x0  }
0x2aa: {  	[sflag:s1] =	ssyncadd.s32 $0xFFFFFFB0  }
0x2ab: {  	_ =	swait.ge [sflag:s1], $0x50  }
0x2ac: {  	[sflag:s1] =	ssyncset.done $0x0  }
0x2ad: {  	[sflag:s1] =	ssyncadd.s32 $0xFFFFFFB0  }
0x2ae: {  	_ =	swait.ge [sflag:s1], $0x50  }
0x2af: {  	[sflag:s1] =	ssyncset.done $0x0  }
0x2b0: {  	[sflag:s1] =	ssyncadd.s32 $0xFFFFFFB0  }
0x2b1: {  	_ =	swait.ge [sflag:s1], $0x50  }
0x2b2: {  	[sflag:s1] =	ssyncset.done $0x0  }
0x2b3: {  	[sflag:s1] =	ssyncadd.s32 $0xFFFFFFB0  }
0x2b4: {  	_ =	swait.ge [sflag:s1], $0x50  }
0x2b5: {  	[sflag:s1] =	ssyncset.done $0x0  }
0x2b6: {  	[sflag:s1] =	ssyncadd.s32 $0xFFFFFFB0  }
0x2b7: {  	_ =	swait.ge [sflag:s1], $0x50  }
0x2b8: {  	[sflag:s1] =	ssyncset.done $0x0  }
0x2b9: {  	[sflag:s1] =	ssyncadd.s32 $0xFFFFFFB0  }
0x2ba: {  	_ =	swait.ge [sflag:s1], $0x50  }
0x2bb: {  	[sflag:s1] =	ssyncset.done $0x0  }
0x2bc: {  	[sflag:s1] =	ssyncadd.s32 $0xFFFFFFB0  }
0x2bd: {  	_ =	swait.ge [sflag:s1], $0x50  }
0x2be: {  	[sflag:s1] =	ssyncset.done $0x0  }
0x2bf: {  	[sflag:s1] =	ssyncadd.s32 $0xFFFFFFB0  }
0x2c0: {  	_ =	swait.ge [sflag:s1], $0x50  }
0x2c1: {  	[sflag:s1] =	ssyncset.done $0x0  }
0x2c2: {  	[sflag:s1] =	ssyncadd.s32 $0xFFFFFFB0  }
0x2c3: {  	_ =	swait.ge [sflag:s1], $0x50  }
0x2c4: {  	[sflag:s1] =	ssyncset.done $0x0  }
0x2c5: {  	[sflag:s1] =	ssyncadd.s32 $0xFFFFFFB0  }
0x2c6: {  	_ =	swait.ge [sflag:s1], $0x50  }
0x2c7: {  	[sflag:s1] =	ssyncset.done $0x0  }
0x2c8: {  	[sflag:s1] =	ssyncadd.s32 $0xFFFFFFB0  }
0x2c9: {  	_ =	swait.ge [sflag:s1], $0x50  }
0x2ca: {  	[sflag:s1] =	ssyncset.done $0x0  }
0x2cb: {  	[sflag:s1] =	ssyncadd.s32 $0xFFFFFFB0  }
0x2cc: {  	_ =	swait.ge [sflag:s1], $0x50  }
0x2cd: {  	[sflag:s1] =	ssyncset.done $0x0  }
0x2ce: {  	[sflag:s1] =	ssyncadd.s32 $0xFFFFFFB0  }
0x2cf: {  	_ =	swait.ge [sflag:s1], $0x50  }
0x2d0: {  	p0 =	sne.s32 s0, $0x800;
	[sflag:s1] =	ssyncset.done $0x0  }
.Ltmp0:
0x2d1: {  	[sflag:s1] =	ssyncadd.s32 $0xFFFFFFB0;
	(pc) =	sbr.rel @p0 .LBB2_2-.Ltmp0, $4  }
0x2d2: {  	_ =	swait.ge [sflag:s1], $0x50  }
0x2d3: {  	[sflag:s1] =	ssyncset.done $0x0  }
0x2d4: {  	[sflag:s1] =	ssyncadd.s32 $0xFFFFFFB0  }
0x2d5: {  	s0 =	sadd.s32 $0x200, s0;
	_ =	swait.ge [sflag:s1], $0x50  }
0x2d6: {  	[sflag:s1] =	ssyncset.done $0x0  }
0x2d7: {  	[sflag:s1] =	ssyncadd.s32 $0xFFFFFFB0  }
0x2d8: {  	[bflag:$0x0] =	sbarrier.arrive $0xFFFF  }
0x2d9: {  	s6 =	sld [smem:$0x7FB]  }
0x2da: {  	s0 =	sld [smem:$0x7F9]  }
0x2db: {  	s10 =	sld [smem:$0x7FC];
	_ =	sdelay $0x2  }
0x2dc: {  	[hbm:s0], [sflag:s6] =	dma.local [spmem:s10], $0x2800  }
0x2dd: {  	_ =	swait.ge [sflag:s13], $0x2800  }
0x2de: {  	s7 =	sld [smem:$0x7FA]  }
0x2df: {  	s8 =	sld [smem:$0x7FD]  }
0x2e0: {  	[sflag:s13] =	ssyncset.done $0x0  }
0x2e1: {  	[sflag:s13] =	ssyncadd.s32 $0xFFFFD800  }
0x2e2: {  	[hbm:s7], [sflag:s6] =	dma.local [spmem:s8], $0x50  }
0x2e3: {  	_ =	swait.ge [sflag:s13], $0x50  }
0x2e4: {  	s7 =	sld [smem:$0x7F6]  }
0x2e5: {  	s0 =	sld [smem:$0x7F8];
	_ =	sdelay $0x1  }
0x2e6: {  	s7 =	sadd.s32 $0x1, s7  }
0x2e7: {  	p0 =	sne.s32 s7, s0  }
.Ltmp1:
0x2e8: {  	_ = 	snop;
	(pc) =	sbr.rel @p0 .LBB2_1-.Ltmp1, $3  }
0x2e9: {  	_ =	sdelay $0x1  }
0x2ea: {  	[sflag:s13] =	ssyncset.done $0x0  }
0x2eb: {  	[sflag:s13] =	ssyncadd.s32 $0xFFFFFFB0  }
0x2ec: {  	_ =	sfence.sel $0x180000  }
0x2ed: {  	[bflag:$0x0] =	sbarrier.arrive $0xFFFF  }
0x2ee: {  	_ =	strace $0x90000047  }
0x2ef: {  	s0 =	stileid.u32;
	[bflag:$0x2] =	sbarrier.arrive $0xFFFF  }
0x2f0: {  	p0 =	sne.s32 s0, $0x0;
	s0 =	rddreg [dreg:$0x4]  }
0x2f1: {  	s0 =	sadd.s32 @!p0 $0x100000, s0  }
0x2f2: {  	[sflag:s0] =	ssyncadd.tile.s32 @!p0 $0x1;
	_ =	shalt  }
.Lfunc_end2:
_tile_overlayer_lowered:
.L_overlay_start_2:
0x2f3: {  	(tag) =	ssettag $0x2  }
0x2f4: {  	s0 =	rddreg [dreg:$0x0];
	s2 =	stileid.u32  }
0x2f5: {  	s1 =	rddreg [dreg:$0x1];
	p0 =	sne.s32 s2, $0x0  }
0x2f6: {  	s3 =	rddreg [dreg:$0x2];
	[bflag:$0x3] =	sbarrier.arrive $0xFFFF;
	s2 =	simm.s32 @!p0 $0x1C05  }
0x2f7: {  	[timem:s3], [sflag:s2] =	dma.local @!p0 [hbm:s0], s1  }
0x2f8: {  	s0 =	simm.s32 @!p0 $0x5  }
0x2f9: {  	_ =	swait.ge @!p0 [sflag:s0], s1  }
0x2fa: {  	s1 =	ssub.s32 @!p0 $0x0, s1;
	[sflag:s0] =	ssyncset.done @!p0 $0x0  }
0x2fb: {  	[sflag:s0] =	ssyncadd.s32 @!p0 s1  }
0x2fc: {  	[bflag:$0x3] =	sbarrier.arrive $0xFFFF  }
0x2fd: {  	_ =	shalt  }

// kernel: kernel.9.cloned.1.call-start
scs
__scs_entry_jumppad:
0x0: {  	(pc) =	sbr.rel $0x88, $3  }
0x1: {  	(tag) =	ssettag $0x0;
	lr =	simm.s32 $0x1  }
0x2: {  	[smem:$0x3F91] =	sst lr;
	_ =	strace $0xD0000000  }
0x3: {  	_ = 	snop  }
0x4: {  	_ = 	snop  }
0x5: {  	_ = 	snop  }
0x6: {  	_ = 	snop  }
0x7: {  	_ = 	snop  }
__scs_overlays_trampoline_lowered:
0x8: {  	[smem:$0x3FA0] =	sst s0  }
0x9: {  	[smem:$0x3FA1] =	sst s1  }
0xa: {  	[smem:$0x3FA2] =	sst s2  }
0xb: {  	[smem:$0x3FA3] =	sst s3  }
0xc: {  	[smem:$0x3FA4] =	sst s4  }
0xd: {  	[smem:$0x3FA5] =	sst s5  }
0xe: {  	[smem:$0x3FA6] =	sst s6  }
0xf: {  	[smem:$0x3FA7] =	sst s7  }
0x10: {  	[smem:$0x3FA8] =	sst s8  }
0x11: {  	[smem:$0x3FA9] =	sst s9;
	s0 =	simm.s32 @!p0 $0x0  }
0x12: {  	s1 =	sld [smem:$0x3F8F];
	s0 =	simm.s32 @p0 $0x1  }
0x13: {  	[smem:$0x3FAA] =	sst s0;
	s0 =	simm.s32 @!p1 $0x0  }
0x14: {  	s2 =	sld [smem:$0x3F8E];
	s0 =	simm.s32 @p1 $0x1  }
0x15: {  	[smem:$0x3FAB] =	sst s0;
	s0 =	simm.s32 @!p2 $0x0  }
0x16: {  	s3 =	sld [smem:$0x3FDB];
	s0 =	simm.s32 @p2 $0x1  }
0x17: {  	s4 =	simm.s32 $0x1BF5;
	[smem:$0x3FAD] =	sst s0  }
0x18: {  	s0 =	sld [smem:$0x3F90];
	_ =	swait.ge [sflag:s4], $0x0  }
0x19: {  	s7 =	sld [smem:$0x3F91]  }
0x1a: {  	s8 =	sadd.s32 $0xFFFFE003, lr  }
0x1b: {  	s9 =	sadd.s32 $0xFFFFFEF7, lr;
	s5 =	simm.s32 $0xFFFFFFFF;
	p2 =	slt.u32 s8, $0xFFFFF086  }
0x1c: {  	p1 =	slt.u32 s9, $0xF7A;
	s5 =	simm.s32 @!p2 $0x0  }
0x1d: {  	s5 =	simm.s32 @p1 $0x1;
	p0 =	seq.s32 s7, s2  }
0x1e: {  	s7 =	smul.u32 @!p0 $0xF7A, s2;
	p2 =	seq.s32 @!p0 s5, $0x0  }
0x1f: {  	s9 =	smul.u32 $0xF7A, s1;
	s8 =	simm.s32 @!p0 $0x1BF5;
	p2 =	por !p2, p0  }
0x20: {  	[sflag:s8] =	ssyncset.s32 @!p0 $0xFFFFF086;
	s6 =	sadd.s32 @!p0 s3, s7;
	s7 =	simm.s32 @!p0 $0x108  }
0x21: {  	s3 =	sadd.s32 s3, s9;
	s6 =	sadd.s32 @!p0 $0x88, s6;
	s7 =	simm.s32 @p2 $0x1082  }
0x22: {  	[simem:s7], [sflag:s8] =	dma.local @!p0 [hbm:s6], $0xF7A  }
0x23: {  	s9 =	sor.u32 $0xD0000000, s2;
	s6 =	simm.s32 $0x108;
	_ =	swait.ge @!p0 [sflag:s8], $0x0  }
0x24: {  	s3 =	sadd.s32 $0x88, s3;
	s6 =	simm.s32 @!p1 $0x1082;
	[sflag:s4] =	ssyncset.s32 $0xFFFFF086  }
0x25: {  	[simem:s6], [sflag:s4] =	dma.local [hbm:s3], $0xF7A  }
0x26: {  	[smem:$0x3F91] =	sst s1;
	(tag) =	ssettag s2;
	_ =	strace s9  }
0x27: {  	s1 =	sld [smem:$0x3FA1]  }
0x28: {  	s2 =	sld [smem:$0x3FA2]  }
0x29: {  	s4 =	sld [smem:$0x3FA4]  }
0x2a: {  	p0 =	seq.s32 s5, $0x0;
	s5 =	sld [smem:$0x3FA5]  }
0x2b: {  	s6 =	sld [smem:$0x3FA6]  }
0x2c: {  	s7 =	sld [smem:$0x3FA7]  }
0x2d: {  	s3 =	simm.s32 $0x108;
	s8 =	sld [smem:$0x3FA8]  }
0x2e: {  	s3 =	simm.s32 @!p0 $0x1082;
	s9 =	sld [smem:$0x3FA9]  }
0x2f: {  	lr =	sadd.s32 s0, s3;
	s0 =	sld [smem:$0x3FA0]  }
0x30: {  	s3 =	sld [smem:$0x3FA3]  }
0x31: {  	[smem:$0x3FAC] =	sst s10  }
0x32: {  	s10 =	sld [smem:$0x3FAA];
	_ =	sdelay $0x3  }
0x33: {  	p0 =	seq.s32 s10, $0x1;
	s10 =	sld [smem:$0x3FAC];
	_ =	sdelay $0x3  }
0x34: {  	[smem:$0x3FAC] =	sst s10  }
0x35: {  	s10 =	sld [smem:$0x3FAB];
	_ =	sdelay $0x3  }
0x36: {  	p1 =	seq.s32 s10, $0x1;
	s10 =	sld [smem:$0x3FAC];
	_ =	sdelay $0x3  }
0x37: {  	[smem:$0x3FAC] =	sst s10  }
0x38: {  	s10 =	sld [smem:$0x3FAD]  }
0x39: {  	_ = 	snop;
	(pc) =	sbr.ind lr, $3  }
0x3a: {  	_ = 	snop  }
0x3b: {  	_ = 	snop  }
0x3c: {  	p2 =	seq.s32 s10, $0x1;
	s10 =	sld [smem:$0x3FAC]  }
0x3d: {  	_ =	shalt  }
0x3e: {  	_ =	shalt  }
0x3f: {  	_ =	shalt  }
0x40: {  	_ =	shalt  }
0x41: {  	_ =	shalt  }
0x42: {  	_ =	shalt  }
0x43: {  	_ =	shalt  }
0x44: {  	_ =	shalt  }
0x45: {  	_ =	shalt  }
0x46: {  	_ =	shalt  }
0x47: {  	_ =	shalt  }
0x48: {  	_ =	shalt  }
0x49: {  	_ =	shalt  }
0x4a: {  	_ =	shalt  }
0x4b: {  	_ =	shalt  }
0x4c: {  	_ =	shalt  }
0x4d: {  	_ =	shalt  }
0x4e: {  	_ =	shalt  }
0x4f: {  	_ =	shalt  }
0x50: {  	_ =	shalt  }
0x51: {  	_ =	shalt  }
0x52: {  	_ =	shalt  }
0x53: {  	_ =	shalt  }
0x54: {  	_ =	shalt  }
0x55: {  	_ =	shalt  }
0x56: {  	_ =	shalt  }
0x57: {  	_ =	shalt  }
0x58: {  	_ =	shalt  }
0x59: {  	_ =	shalt  }
0x5a: {  	_ =	shalt  }
0x5b: {  	_ =	shalt  }
0x5c: {  	_ =	shalt  }
0x5d: {  	_ =	shalt  }
0x5e: {  	_ =	shalt  }
0x5f: {  	_ =	shalt  }
0x60: {  	_ =	shalt  }
0x61: {  	_ =	shalt  }
0x62: {  	_ =	shalt  }
0x63: {  	_ =	shalt  }
0x64: {  	_ =	shalt  }
0x65: {  	_ =	shalt  }
0x66: {  	_ =	shalt  }
0x67: {  	_ =	shalt  }
0x68: {  	_ =	shalt  }
0x69: {  	_ =	shalt  }
0x6a: {  	_ =	shalt  }
0x6b: {  	_ =	shalt  }
0x6c: {  	_ =	shalt  }
0x6d: {  	_ =	shalt  }
0x6e: {  	_ =	shalt  }
0x6f: {  	_ =	shalt  }
0x70: {  	_ =	shalt  }
0x71: {  	_ =	shalt  }
0x72: {  	_ =	shalt  }
0x73: {  	_ =	shalt  }
0x74: {  	_ =	shalt  }
0x75: {  	_ =	shalt  }
0x76: {  	_ =	shalt  }
0x77: {  	_ =	shalt  }
0x78: {  	_ =	shalt  }
0x79: {  	_ =	shalt  }
0x7a: {  	_ =	shalt  }
0x7b: {  	_ =	shalt  }
0x7c: {  	_ =	shalt  }
0x7d: {  	_ =	shalt  }
0x7e: {  	_ =	shalt  }
0x7f: {  	_ =	shalt  }
0x80: {  	_ =	shalt  }
0x81: {  	_ =	shalt  }
0x82: {  	_ =	shalt  }
0x83: {  	_ =	shalt  }
0x84: {  	_ =	shalt  }
0x85: {  	_ =	shalt  }
0x86: {  	_ =	shalt  }
0x87: {  	_ =	shalt  }
.Lfunc_end0:
.L_simem_size_0:
called_computation.1_lowered:
.L_overlay_start_0:
0x88: {  	s2 =	sld [smem:$0x3FD9]  }
0x89: {  	s3 =	sld [smem:$0x3FFE];
	_ =	sdelay $0x1  }
0x8a: {  	s1 =	srdreg.scid  }
0x8b: {  	s0 =	sand.u32 $0x1, s1  }
0x8c: {  	s17 =	sshll.u32 s0, $0xA;
	s2 =	sadd.s32 s3, s2  }
0x8d: {  	s2 =	sadd.s32 s2, s17  }
0x8e: {  	[smem:$0x3FB8] =	sst s2  }
0x8f: {  	_ = 	snop  }
0x90: {  	s2 =	sld [smem:$0x3FD0];
	(tm) =	ssettm $0x1  }
0x91: {  	s18 =	sld [smem:$0x3FFB];
	_ =	sdelay $0x3  }
0x92: {  	_ =	strace s18  }
0x93: {  	s3 =	sld [smem:$0x3FFC];
	_ =	sdelay $0x3  }
0x94: {  	_ =	strace s3  }
0x95: {  	s3 =	sld [smem:$0x3FFD];
	_ =	sdelay $0x3  }
0x96: {  	_ =	strace s3  }
0x97: {  	_ =	strace $0x8FFFFFFF  }
0x98: {  	s19 =	sld [smem:$0x3FDB];
	_ =	sdelay $0x1  }
0x99: {  	s4 =	simm.s32 $_scs_section_size  }
0x9a: {  	s5 =	simm.s32 $_size__tile_overlayer_lowered;
	s6 =	simm.s32 $_tile_overlayer_lowered  }
0x9b: {  	s22 =	simm.s32 $0x1BFF;
	s21 =	sshll.u32 s6, $0x1;
	s3 =	sadd.s32 s4, s19  }
0x9c: {  	s7 =	simm.s32 $0x0;
	s20 =	sshll.u32 s5, $0x1;
	s5 =	sadd.s32 s21, s3  }
0x9d: {  	[timem:s7], [sflag:s22] =	dma.local [hbm:s5], s20  }
0x9e: {  	_ =	swait.ge [sflag:s22], s20  }
0x9f: {  	s4 =	ssub.s32 $0x0, s20;
	[sflag:s22] =	ssyncset.done $0x0  }
0xa0: {  	[sflag:s22] =	ssyncadd.s32 s4;
	_ =	sdelay $0x1  }
0xa1: {  	s23 =	simm.s32 $0x1B8B  }
0xa2: {  	_ =	swait.ge [sflag:s23], $0x1  }
0xa3: {  	[sflag:s23] =	ssyncset.done $0x0  }
0xa4: {  	s25 =	simm.s32 $0x1B8E;
	s24 =	sld [smem:$0x3FFE];
	[sflag:s23] =	ssyncadd.s32 $0xFFFFFFFF  }
0xa5: {  	s26 =	simm.s32 $execute0_lowered;
	[smem:$0x3FD2] =	sst s25  }
0xa6: {  	s5 =	sshll.u32 s26, $0x1;
	_ =	strace $0x80000049;
	[dreg:$0x1] =	wrdreg $0xFFFFFFFF  }
0xa7: {  	s28 =	simm.s32 $_size_execute0_lowered;
	s3 =	sadd.s32 s3, s5;
	[dreg:$0x0] =	wrdreg $0x0  }
0xa8: {  	s5 =	sshll.u32 s28, $0x1;
	[dreg:$0x2] =	wrdreg s3  }
0xa9: {  	[dreg:$0x3] =	wrdreg s5  }
0xaa: {  	[dreg:$0x4] =	wrdreg $0xC0  }
0xab: {  	_ =	task [dreg:s7], $0x5FFFF  }
0xac: {  	[dreg:$0x1] =	wrdreg $0xFFFFFFFF  }
0xad: {  	[dreg:$0x0] =	wrdreg $0x60  }
0xae: {  	[dreg:$0x2] =	wrdreg s24  }
0xaf: {  	[dreg:$0x3] =	wrdreg s2  }
0xb0: {  	[dreg:$0x4] =	wrdreg $0x98800  }
0xb1: {  	[dreg:$0x5] =	wrdreg $0x1D8800  }
0xb2: {  	[dreg:$0x6] =	wrdreg $0x9  }
0xb3: {  	_ =	task.clear_ibuf [dreg:s7], $0x7FFFF;
	_ =	strace $0x90000049  }
0xb4: {  	s29 =	simm.s32 $0x9;
	_ =	strace $0x8000004B  }
0xb5: {  	_ =	swait.ge [sflag:s29], $0x1  }
0xb6: {  	[sflag:s29] =	ssyncadd.s32 $0xFFFFFFFF  }
0xb7: {  	_ =	strace $0x9000004B  }
0xb8: {  	_ =	sfence  }
0xb9: {  	s30 =	sld [smem:$0x0];
	_ =	sdelay $0x2  }
0xba: {  	s31 =	sshll.u32 s1, $0xD;
	s1 =	sshrl.u32 s1, $0x2  }
0xbb: {  	s3 =	sand.u32 $0x4000, s31;
	s1 =	sadd.s32 s1, s30  }
0xbc: {  	s0 =	sor.u32 s3, s0;
	s1 =	sshll.u32 s1, $0x11  }
0xbd: {  	s0 =	sor.u32 s1, s0  }
0xbe: {  	s0 =	sadd.s32 $0x8F2B, s0  }
0xbf: {  	[sflag:s0] =	ssyncadd.remote.s32 $0x1  }
0xc0: {  	_ =	sfence.sel $0xFFFF  }
0xc1: {  	[dreg:$0x0] =	wrdreg $0xFFFFFFFF;
	(pc) =	sbr.abs _section_cstart, $3  }
0xc2: {  	[dreg:$0x1] =	wrdreg $0xFFFFFFFF  }
0xc3: {  	_ =	task.clear_ibuf [dreg:s7], $0x2FFFF;
	_ =	strace $0x9FFFFFFF  }
0xc4: {  	(tm) =	ssettm $0x7FFFFFFF  }
0xc5: {  	_ =	shalt  }
tec
execute0_lowered:
.L_overlay_start_1:
0x0: {  	(tag) =	ssettag $0x1  }
0x1: {  	s0 =	rddreg [dreg:$0x0]  }
0x2: {  	s6 =	rddreg [dreg:$0x1]  }
0x3: {  	s1 =	srdreg.scid;
	s2 =	rddreg [dreg:$0x2]  }
0x4: {  	s17 =	stileid.u32;
	s3 =	rddreg [dreg:$0x3];
	s4 =	simm.s32 $0x0  }
0x5: {  	s25 =	simm.s32 $0x80;
	s18 =	simm.s32 $0x180;
	s20 =	simm.s32 $0x200  }
0x6: {  	s21 =	simm.s32 $0x280;
	s22 =	simm.s32 $0x300;
	s23 =	simm.s32 $0x380  }
0x7: {  	s30 =	simm.s32 $0x1600;
	s31 =	simm.s32 $0x1680;
	s28 =	simm.s32 $0x1B80  }
0x8: {  	s29 =	simm.s32 $0x1C00;
	s1 =	sand.u32 $0x1, s1;
	s5 =	smul.u32 $0xA000, s17  }
0x9: {  	[smem:$0x7FF] =	sst s4;
	s8 =	smul.u32 $0x2800, s17;
	s10 =	sadd.s32 $0x7A400, s0  }
0xa: {  	s12 =	sadd.s32 $0xA2400, s0;
	_ =	strace $0x8000004A;
	[dreg:$0x7] =	wrdreg s25  }
0xb: {  	s14 =	smul.u32 $0x50000, s17;
	s15 =	sadd.s32 $0x79800, s0;
	[dreg:$0x9] =	wrdreg s18  }
0xc: {  	s24 =	smul.u32 $0x280, s17;
	s26 =	sshll.u32 s17, $0x6;
	[dreg:$0xa] =	wrdreg s20  }
0xd: {  	s7 =	smul.u32 $0x5000, s1;
	s11 =	ssub.s32 $0x2, s1;
	[dreg:$0xb] =	wrdreg s21  }
0xe: {  	s17 =	sor.u32 $0x1C05, s26;
	p0 =	seq.s32 s1, $0x1;
	[dreg:$0xc] =	wrdreg s22  }
0xf: {  	[dreg:$0xd] =	wrdreg s23;
	s25 =	simm.s32 $0x400;
	s26 =	simm.s32 $0x480  }
0x10: {  	s18 =	simm.s32 $0x800;
	s20 =	simm.s32 $0x900;
	[dreg:$0xe] =	wrdreg s25  }
0x11: {  	s21 =	simm.s32 $0x980;
	s22 =	simm.s32 $0xA00;
	[dreg:$0xf] =	wrdreg s26  }
0x12: {  	s23 =	simm.s32 $0xA80;
	s1 =	simm.s32 $0x4;
	[dreg:$0x16] =	wrdreg s18  }
0x13: {  	s9 =	sadd.s32 s8, s0;
	s13 =	sshrl.u32 s11, $0x1;
	[dreg:$0x18] =	wrdreg s20  }
0x14: {  	s14 =	sshrl.u32 s14, $0x2;
	s19 =	sadd.s32 s24, s3;
	[dreg:$0x19] =	wrdreg s21  }
0x15: {  	s10 =	smov.u32 @p0 s12;
	s18 =	simm.s32 $0x4800;
	[dreg:$0x1a] =	wrdreg s22  }
0x16: {  	s20 =	simm.s32 $0x1;
	s21 =	simm.s32 $0x9800;
	[dreg:$0x1b] =	wrdreg s23  }
0x17: {  	s22 =	simm.s32 $0x2;
	s25 =	simm.s32 $0xB80;
	s26 =	simm.s32 $0xC00  }
0x18: {  	s23 =	simm.s32 $0x1A00;
	s5 =	sadd.s32 s7, s5;
	[dreg:$0x1d] =	wrdreg s25  }
0x19: {  	s11 =	ssub.s32 s11, s13;
	s9 =	sadd.s32 $0x51800, s9;
	[dreg:$0x1e] =	wrdreg s26  }
0x1a: {  	s14 =	sadd.s32 s14, s2;
	s8 =	sadd.s32 s10, s8;
	[dreg:$0x1f] =	wrdreg s9  }
0x1b: {  	s13 =	sshrl.u32 s24, $0x3;
	s10 =	simm.s32 $0x500;
	[smem:$0x7F9] =	sst s8  }
0x1c: {  	s25 =	simm.s32 $0x1A80;
	s6 =	sadd.s32 s6, s13;
	[dreg:$0x10] =	wrdreg s10  }
0x1d: {  	s26 =	simm.s32 $0x1B00;
	s24 =	smax.u32 s11, $0x1;
	[smem:$0x7F7] =	sst s6  }
0x1e: {  	s7 =	sshrl.u32 s5, $0x3;
	s11 =	simm.s32 $0x580;
	[smem:$0x7F8] =	sst s24  }
0x1f: {  	s8 =	sshrl.u32 s19, $0x3;
	s19 =	simm.s32 $0x880;
	[dreg:$0x11] =	wrdreg s11  }
0x20: {  	s5 =	sadd.s32 $0x2A600, s0;
	s10 =	sshrl.u32 s14, $0x3;
	[dreg:$0x17] =	wrdreg s19  }
0x21: {  	s9 =	simm.s32 $0x1700;
	s14 =	simm.s32 $0x1900;
	[smem:$0x7FC] =	sst s10  }
0x22: {  	s6 =	smov.u32 s17;
	s17 =	simm.s32 $0x780;
	[smem:$0x7FD] =	sst s8  }
0x23: {  	s7 =	sadd.s32 s7, s0;
	s24 =	simm.s32 $0xB00;
	[dreg:$0x15] =	wrdreg s17  }
0x24: {  	s0 =	sadd.s32 $0x79E00, s0;
	s19 =	simm.s32 $0x7000;
	[dreg:$0x1c] =	wrdreg s24  }
0x25: {  	s11 =	simm.s32 $0x1800;
	s16 =	sadd.s32 $0x16600, s7;
	[smem:$0x7FB] =	sst s6  }
0x26: {  	s7 =	sadd.s32 $0x2600, s7;
	s15 =	smov.u32 @p0 s0;
	[dreg:$0x5] =	wrdreg s16  }
0x27: {  	s17 =	simm.s32 $0x2000;
	[dreg:$0x6] =	wrdreg s7;
	s16 =	simm.s32 $0x100  }
0x28: {  	s24 =	simm.s32 $0x3;
	s12 =	sadd.s32 s15, s13;
	[dreg:$0x8] =	wrdreg s16  }
0x29: {  	s13 =	simm.s32 $0x600;
	s15 =	simm.s32 $0x680;
	[smem:$0x7FA] =	sst s12  }
0x2a: {  	s7 =	simm.s32 $0x0;
	[dreg:$0x12] =	wrdreg s13;
	s13 =	simm.s32 $0x5  }
0x2b: {  	[dreg:$0x13] =	wrdreg s15;
	s16 =	simm.s32 $0x700;
	s15 =	simm.s32 $0x1000  }
0x2c: {  	v0 =	vimm.f32 $1.000000000e+00;
	s12 =	simm.s32 $0x1880;
	[dreg:$0x14] =	wrdreg s16;
	s16 =	simm.s32 $0x50  }
.LBB2_1:
0x2d: {  	[smem:$0x7F6] =	sst s7  }
0x2e: {  	s0 =	rddreg [dreg:$0x1f]  }
0x2f: {  	[spmem:s10], [sflag:s6] =	dma.local [hbm:s0], $0x2800  }
0x30: {  	_ =	swait.ge [sflag:s13], $0x2800  }
0x31: {  	s7 =	sld [smem:$0x7F7]  }
0x32: {  	[sflag:s13] =	ssyncset.done $0x0  }
0x33: {  	[sflag:s13] =	ssyncadd.s32 $0xFFFFD800  }
0x34: {  	[spmem:s8], [sflag:s6] =	dma.local [hbm:s7], $0x50  }
0x35: {  	_ =	swait.ge [sflag:s13], $0x50  }
0x36: {  	[sflag:s13] =	ssyncset.done $0x0  }
0x37: {  	[sflag:s13] =	ssyncadd.s32 $0xFFFFFFB0  }
0x38: {  	[tilespmem:$0x9800] =	vst v0  }
0x39: {  	[tilespmem:$0x9810] =	vst v0  }
0x3a: {  	[tilespmem:$0x9820] =	vst v0  }
0x3b: {  	[tilespmem:$0x9830] =	vst v0  }
0x3c: {  	[tilespmem:$0x9840] =	vst v0  }
0x3d: {  	[bflag:$0x0] =	sbarrier.arrive $0xFFFF  }
0x3e: {  	s10 =	rddreg [dreg:$0x6]  }
0x3f: {  	s0 =	sadd.s32 $0x0, s10  }
0x40: {  	[tilespmem:s4], [sflag:$0x5] =	stream.linear.gather [hbm4b:s0+s4], $0xC80, $0x38;
	[tilespmem:$0x1DB00] =	vst v63  }
0x41: {  	_ =	swait.ge [sflag:s13], $0xC80  }
0x42: {  	s6 =	rddreg [dreg:$0x5];
	[sflag:s13] =	ssyncset.done $0x0  }
0x43: {  	[sflag:s13] =	ssyncadd.s32 $0xFFFFF380;
	s0 =	sadd.s32 $0x0, s6  }
0x44: {  	[tilespmem:s15], [sflag:$0x5] =	stream.linear.gather [hbm4b:s0+s4], $0xC80, $0x38;
	[tilespmem:$0x1DB00] =	vst v63  }
0x45: {  	_ =	swait.ge [sflag:s13], $0xC80  }
0x46: {  	[sflag:s13] =	ssyncset.done $0x0  }
0x47: {  	[sflag:s13] =	ssyncadd.s32 $0xFFFFF380  }
0x48: {  	[tilespmem:s17], [sflag:$0x1] =	stream.indirect.gather [hbm4b:s5+s16], $0x80, s4, s16, $0xb8;
	[tilespmem:$0x1DB00] =	vst v63  }
0x49: {  	s7 =	rddreg [dreg:$0x7]  }
0x4a: {  	[tilespmem:s18], [sflag:$0x2] =	stream.indirect.gather [hbm4b:s5+s16], $0x80, s7, s16, $0xb8;
	[tilespmem:$0x1DB00] =	vst v63  }
0x4b: {  	s8 =	rddreg [dreg:$0x8]  }
0x4c: {  	[tilespmem:s19], [sflag:$0x3] =	stream.indirect.gather [hbm4b:s5+s16], $0x80, s8, s16, $0xb8;
	[tilespmem:$0x1DB00] =	vst v63  }
0x4d: {  	_ =	swait.ge [sflag:s20], $0x2800  }
0x4e: {  	[sflag:s20] =	ssyncset.done $0x0  }
0x4f: {  	[sflag:s20] =	ssyncadd.s32 $0xFFFFD800  }
0x50: {  	[spmem:s2] =	stream.indirect.scatter.add.f32 [tilespmem:s17], [sflag:$0x5], $0x80, s15, s16, $0xb8;
	[tilespmem:$0x1DB00] =	vst v63  }
0x51: {  	_ =	swait.ge [sflag:s13], $0x2800  }
0x52: {  	[sflag:s13] =	ssyncset.done $0x0  }
0x53: {  	[sflag:s13] =	ssyncadd.s32 $0xFFFFD800  }
0x54: {  	[spmem:s3] =	stream.indirect.scatter.add.f32 [tilespmem:s21], [sflag:$0x4], $0x1, s15, s16, $0xb8;
	[tilespmem:$0x1DB00] =	vst v63  }
0x55: {  	s10 =	rddreg [dreg:$0x9]  }
0x56: {  	[tilespmem:s17], [sflag:$0x1] =	stream.indirect.gather [hbm4b:s5+s16], $0x80, s10, s16, $0xb8;
	[tilespmem:$0x1DB00] =	vst v63  }
0x57: {  	_ =	swait.ge [sflag:s22], $0x2800  }
0x58: {  	[sflag:s22] =	ssyncset.done $0x0  }
0x59: {  	s0 =	simm.s32 $0x1080;
	[sflag:s22] =	ssyncadd.s32 $0xFFFFD800  }
0x5a: {  	[spmem:s2] =	stream.indirect.scatter.add.f32 [tilespmem:s18], [sflag:$0x5], $0x80, s0, s16, $0xb8;
	[tilespmem:$0x1DB00] =	vst v63  }
0x5b: {  	_ =	swait.ge [sflag:s13], $0x2800  }
0x5c: {  	[sflag:s13] =	ssyncset.done $0x0  }
0x5d: {  	[sflag:s13] =	ssyncadd.s32 $0xFFFFD800  }
0x5e: {  	[spmem:s3] =	stream.indirect.scatter.add.f32 [tilespmem:s21], [sflag:$0x4], $0x1, s0, s16, $0xb8;
	[tilespmem:$0x1DB00] =	vst v63  }
0x5f: {  	s7 =	rddreg [dreg:$0xa]  }
0x60: {  	[tilespmem:s18], [sflag:$0x2] =	stream.indirect.gather [hbm4b:s5+s16], $0x80, s7, s16, $0xb8;
	[tilespmem:$0x1DB00] =	vst v63  }
0x61: {  	_ =	swait.ge [sflag:s24], $0x2800  }
0x62: {  	[sflag:s24] =	ssyncset.done $0x0  }
0x63: {  	s8 =	simm.s32 $0x1100;
	[sflag:s24] =	ssyncadd.s32 $0xFFFFD800  }
0x64: {  	[spmem:s2] =	stream.indirect.scatter.add.f32 [tilespmem:s19], [sflag:$0x5], $0x80, s8, s16, $0xb8;
	[tilespmem:$0x1DB00] =	vst v63  }
0x65: {  	_ =	swait.ge [sflag:s13], $0x2800  }
0x66: {  	[sflag:s13] =	ssyncset.done $0x0  }
0x67: {  	[sflag:s13] =	ssyncadd.s32 $0xFFFFD800  }
0x68: {  	[spmem:s3] =	stream.indirect.scatter.add.f32 [tilespmem:s21], [sflag:$0x4], $0x1, s8, s16, $0xb8;
	[tilespmem:$0x1DB00] =	vst v63  }
0x69: {  	s10 =	rddreg [dreg:$0xb]  }
0x6a: {  	[tilespmem:s19], [sflag:$0x3] =	stream.indirect.gather [hbm4b:s5+s16], $0x80, s10, s16, $0xb8;
	[tilespmem:$0x1DB00] =	vst v63  }
0x6b: {  	_ =	swait.ge [sflag:s20], $0x2800  }
0x6c: {  	[sflag:s20] =	ssyncset.done $0x0  }
0x6d: {  	s0 =	simm.s32 $0x1180;
	[sflag:s20] =	ssyncadd.s32 $0xFFFFD800  }
0x6e: {  	[spmem:s2] =	stream.indirect.scatter.add.f32 [tilespmem:s17], [sflag:$0x5], $0x80, s0, s16, $0xb8;
	[tilespmem:$0x1DB00] =	vst v63  }
0x6f: {  	_ =	swait.ge [sflag:s13], $0x2800  }
0x70: {  	[sflag:s13] =	ssyncset.done $0x0  }
0x71: {  	[sflag:s13] =	ssyncadd.s32 $0xFFFFD800  }
0x72: {  	[spmem:s3] =	stream.indirect.scatter.add.f32 [tilespmem:s21], [sflag:$0x4], $0x1, s0, s16, $0xb8;
	[tilespmem:$0x1DB00] =	vst v63  }
0x73: {  	s7 =	rddreg [dreg:$0xc]  }
0x74: {  	[tilespmem:s17], [sflag:$0x1] =	stream.indirect.gather [hbm4b:s5+s16], $0x80, s7, s16, $0xb8;
	[tilespmem:$0x1DB00] =	vst v63  }
0x75: {  	_ =	swait.ge [sflag:s22], $0x2800  }
0x76: {  	[sflag:s22] =	ssyncset.done $0x0  }
0x77: {  	s8 =	simm.s32 $0x1200;
	[sflag:s22] =	ssyncadd.s32 $0xFFFFD800  }
0x78: {  	[spmem:s2] =	stream.indirect.scatter.add.f32 [tilespmem:s18], [sflag:$0x5], $0x80, s8, s16, $0xb8;
	[tilespmem:$0x1DB00] =	vst v63  }
0x79: {  	_ =	swait.ge [sflag:s13], $0x2800  }
0x7a: {  	[sflag:s13] =	ssyncset.done $0x0  }
0x7b: {  	[sflag:s13] =	ssyncadd.s32 $0xFFFFD800  }
0x7c: {  	[spmem:s3] =	stream.indirect.scatter.add.f32 [tilespmem:s21], [sflag:$0x4], $0x1, s8, s16, $0xb8;
	[tilespmem:$0x1DB00] =	vst v63  }
0x7d: {  	s10 =	rddreg [dreg:$0xd]  }
0x7e: {  	[tilespmem:s18], [sflag:$0x2] =	stream.indirect.gather [hbm4b:s5+s16], $0x80, s10, s16, $0xb8;
	[tilespmem:$0x1DB00] =	vst v63  }
0x7f: {  	_ =	swait.ge [sflag:s24], $0x2800  }
0x80: {  	[sflag:s24] =	ssyncset.done $0x0  }
0x81: {  	s0 =	simm.s32 $0x1280;
	[sflag:s24] =	ssyncadd.s32 $0xFFFFD800  }
0x82: {  	[spmem:s2] =	stream.indirect.scatter.add.f32 [tilespmem:s19], [sflag:$0x5], $0x80, s0, s16, $0xb8;
	[tilespmem:$0x1DB00] =	vst v63  }
0x83: {  	_ =	swait.ge [sflag:s13], $0x2800  }
0x84: {  	[sflag:s13] =	ssyncset.done $0x0  }
0x85: {  	[sflag:s13] =	ssyncadd.s32 $0xFFFFD800  }
0x86: {  	[spmem:s3] =	stream.indirect.scatter.add.f32 [tilespmem:s21], [sflag:$0x4], $0x1, s0, s16, $0xb8;
	[tilespmem:$0x1DB00] =	vst v63  }
0x87: {  	s7 =	rddreg [dreg:$0xe]  }
0x88: {  	[tilespmem:s19], [sflag:$0x3] =	stream.indirect.gather [hbm4b:s5+s16], $0x80, s7, s16, $0xb8;
	[tilespmem:$0x1DB00] =	vst v63  }
0x89: {  	_ =	swait.ge [sflag:s20], $0x2800  }
0x8a: {  	[sflag:s20] =	ssyncset.done $0x0  }
0x8b: {  	s8 =	simm.s32 $0x1300;
	[sflag:s20] =	ssyncadd.s32 $0xFFFFD800  }
0x8c: {  	[spmem:s2] =	stream.indirect.scatter.add.f32 [tilespmem:s17], [sflag:$0x5], $0x80, s8, s16, $0xb8;
	[tilespmem:$0x1DB00] =	vst v63  }
0x8d: {  	_ =	swait.ge [sflag:s13], $0x2800  }
0x8e: {  	[sflag:s13] =	ssyncset.done $0x0  }
0x8f: {  	[sflag:s13] =	ssyncadd.s32 $0xFFFFD800  }
0x90: {  	[spmem:s3] =	stream.indirect.scatter.add.f32 [tilespmem:s21], [sflag:$0x4], $0x1, s8, s16, $0xb8;
	[tilespmem:$0x1DB00] =	vst v63  }
0x91: {  	s10 =	rddreg [dreg:$0xf]  }
0x92: {  	[tilespmem:s17], [sflag:$0x1] =	stream.indirect.gather [hbm4b:s5+s16], $0x80, s10, s16, $0xb8;
	[tilespmem:$0x1DB00] =	vst v63  }
0x93: {  	_ =	swait.ge [sflag:s22], $0x2800  }
0x94: {  	[sflag:s22] =	ssyncset.done $0x0  }
0x95: {  	s0 =	simm.s32 $0x1380;
	[sflag:s22] =	ssyncadd.s32 $0xFFFFD800  }
0x96: {  	[spmem:s2] =	stream.indirect.scatter.add.f32 [tilespmem:s18], [sflag:$0x5], $0x80, s0, s16, $0xb8;
	[tilespmem:$0x1DB00] =	vst v63  }
0x97: {  	_ =	swait.ge [sflag:s13], $0x2800  }
0x98: {  	[sflag:s13] =	ssyncset.done $0x0  }
0x99: {  	[sflag:s13] =	ssyncadd.s32 $0xFFFFD800  }
0x9a: {  	[spmem:s3] =	stream.indirect.scatter.add.f32 [tilespmem:s21], [sflag:$0x4], $0x1, s0, s16, $0xb8;
	[tilespmem:$0x1DB00] =	vst v63  }
0x9b: {  	s7 =	rddreg [dreg:$0x10]  }
0x9c: {  	[tilespmem:s18], [sflag:$0x2] =	stream.indirect.gather [hbm4b:s5+s16], $0x80, s7, s16, $0xb8;
	[tilespmem:$0x1DB00] =	vst v63  }
0x9d: {  	_ =	swait.ge [sflag:s24], $0x2800  }
0x9e: {  	[sflag:s24] =	ssyncset.done $0x0  }
0x9f: {  	s8 =	simm.s32 $0x1400;
	[sflag:s24] =	ssyncadd.s32 $0xFFFFD800  }
0xa0: {  	[spmem:s2] =	stream.indirect.scatter.add.f32 [tilespmem:s19], [sflag:$0x5], $0x80, s8, s16, $0xb8;
	[tilespmem:$0x1DB00] =	vst v63  }
0xa1: {  	_ =	swait.ge [sflag:s13], $0x2800  }
0xa2: {  	[sflag:s13] =	ssyncset.done $0x0  }
0xa3: {  	[sflag:s13] =	ssyncadd.s32 $0xFFFFD800  }
0xa4: {  	[spmem:s3] =	stream.indirect.scatter.add.f32 [tilespmem:s21], [sflag:$0x4], $0x1, s8, s16, $0xb8;
	[tilespmem:$0x1DB00] =	vst v63  }
0xa5: {  	s10 =	rddreg [dreg:$0x11]  }
0xa6: {  	[tilespmem:s19], [sflag:$0x3] =	stream.indirect.gather [hbm4b:s5+s16], $0x80, s10, s16, $0xb8;
	[tilespmem:$0x1DB00] =	vst v63  }
0xa7: {  	_ =	swait.ge [sflag:s20], $0x2800  }
0xa8: {  	[sflag:s20] =	ssyncset.done $0x0  }
0xa9: {  	s0 =	simm.s32 $0x1480;
	[sflag:s20] =	ssyncadd.s32 $0xFFFFD800  }
0xaa: {  	[spmem:s2] =	stream.indirect.scatter.add.f32 [tilespmem:s17], [sflag:$0x5], $0x80, s0, s16, $0xb8;
	[tilespmem:$0x1DB00] =	vst v63  }
0xab: {  	_ =	swait.ge [sflag:s13], $0x2800  }
0xac: {  	[sflag:s13] =	ssyncset.done $0x0  }
0xad: {  	[sflag:s13] =	ssyncadd.s32 $0xFFFFD800  }
0xae: {  	[spmem:s3] =	stream.indirect.scatter.add.f32 [tilespmem:s21], [sflag:$0x4], $0x1, s0, s16, $0xb8;
	[tilespmem:$0x1DB00] =	vst v63  }
0xaf: {  	s7 =	rddreg [dreg:$0x12]  }
0xb0: {  	[tilespmem:s17], [sflag:$0x1] =	stream.indirect.gather [hbm4b:s5+s16], $0x80, s7, s16, $0xb8;
	[tilespmem:$0x1DB00] =	vst v63  }
0xb1: {  	_ =	swait.ge [sflag:s22], $0x2800  }
0xb2: {  	[sflag:s22] =	ssyncset.done $0x0  }
0xb3: {  	s8 =	simm.s32 $0x1500;
	[sflag:s22] =	ssyncadd.s32 $0xFFFFD800  }
0xb4: {  	[spmem:s2] =	stream.indirect.scatter.add.f32 [tilespmem:s18], [sflag:$0x5], $0x80, s8, s16, $0xb8;
	[tilespmem:$0x1DB00] =	vst v63  }
0xb5: {  	_ =	swait.ge [sflag:s13], $0x2800  }
0xb6: {  	[sflag:s13] =	ssyncset.done $0x0  }
0xb7: {  	[sflag:s13] =	ssyncadd.s32 $0xFFFFD800  }
0xb8: {  	[spmem:s3] =	stream.indirect.scatter.add.f32 [tilespmem:s21], [sflag:$0x4], $0x1, s8, s16, $0xb8;
	[tilespmem:$0x1DB00] =	vst v63  }
0xb9: {  	s10 =	rddreg [dreg:$0x13]  }
0xba: {  	[tilespmem:s18], [sflag:$0x2] =	stream.indirect.gather [hbm4b:s5+s16], $0x80, s10, s16, $0xb8;
	[tilespmem:$0x1DB00] =	vst v63  }
0xbb: {  	_ =	swait.ge [sflag:s24], $0x2800  }
0xbc: {  	[sflag:s24] =	ssyncset.done $0x0  }
0xbd: {  	s0 =	simm.s32 $0x1580;
	[sflag:s24] =	ssyncadd.s32 $0xFFFFD800  }
0xbe: {  	[spmem:s2] =	stream.indirect.scatter.add.f32 [tilespmem:s19], [sflag:$0x5], $0x80, s0, s16, $0xb8;
	[tilespmem:$0x1DB00] =	vst v63  }
0xbf: {  	_ =	swait.ge [sflag:s13], $0x2800  }
0xc0: {  	[sflag:s13] =	ssyncset.done $0x0  }
0xc1: {  	[sflag:s13] =	ssyncadd.s32 $0xFFFFD800  }
0xc2: {  	[spmem:s3] =	stream.indirect.scatter.add.f32 [tilespmem:s21], [sflag:$0x4], $0x1, s0, s16, $0xb8;
	[tilespmem:$0x1DB00] =	vst v63  }
0xc3: {  	s7 =	rddreg [dreg:$0x14]  }
0xc4: {  	[tilespmem:s19], [sflag:$0x3] =	stream.indirect.gather [hbm4b:s5+s16], $0x80, s7, s16, $0xb8;
	[tilespmem:$0x1DB00] =	vst v63  }
0xc5: {  	_ =	swait.ge [sflag:s20], $0x2800  }
0xc6: {  	[sflag:s20] =	ssyncset.done $0x0  }
0xc7: {  	[sflag:s20] =	ssyncadd.s32 $0xFFFFD800  }
0xc8: {  	[spmem:s2] =	stream.indirect.scatter.add.f32 [tilespmem:s17], [sflag:$0x5], $0x80, s30, s16, $0xb8;
	[tilespmem:$0x1DB00] =	vst v63  }
0xc9: {  	_ =	swait.ge [sflag:s13], $0x2800  }
0xca: {  	[sflag:s13] =	ssyncset.done $0x0  }
0xcb: {  	[sflag:s13] =	ssyncadd.s32 $0xFFFFD800  }
0xcc: {  	[spmem:s3] =	stream.indirect.scatter.add.f32 [tilespmem:s21], [sflag:$0x4], $0x1, s30, s16, $0xb8;
	[tilespmem:$0x1DB00] =	vst v63  }
0xcd: {  	s8 =	rddreg [dreg:$0x15]  }
0xce: {  	[tilespmem:s17], [sflag:$0x1] =	stream.indirect.gather [hbm4b:s5+s16], $0x80, s8, s16, $0xb8;
	[tilespmem:$0x1DB00] =	vst v63  }
0xcf: {  	_ =	swait.ge [sflag:s22], $0x2800  }
0xd0: {  	[sflag:s22] =	ssyncset.done $0x0  }
0xd1: {  	[sflag:s22] =	ssyncadd.s32 $0xFFFFD800  }
0xd2: {  	[spmem:s2] =	stream.indirect.scatter.add.f32 [tilespmem:s18], [sflag:$0x5], $0x80, s31, s16, $0xb8;
	[tilespmem:$0x1DB00] =	vst v63  }
0xd3: {  	_ =	swait.ge [sflag:s13], $0x2800  }
0xd4: {  	[sflag:s13] =	ssyncset.done $0x0  }
0xd5: {  	[sflag:s13] =	ssyncadd.s32 $0xFFFFD800  }
0xd6: {  	[spmem:s3] =	stream.indirect.scatter.add.f32 [tilespmem:s21], [sflag:$0x4], $0x1, s31, s16, $0xb8;
	[tilespmem:$0x1DB00] =	vst v63  }
0xd7: {  	s10 =	rddreg [dreg:$0x16]  }
0xd8: {  	[tilespmem:s18], [sflag:$0x2] =	stream.indirect.gather [hbm4b:s5+s16], $0x80, s10, s16, $0xb8;
	[tilespmem:$0x1DB00] =	vst v63  }
0xd9: {  	_ =	swait.ge [sflag:s24], $0x2800  }
0xda: {  	[sflag:s24] =	ssyncset.done $0x0  }
0xdb: {  	[sflag:s24] =	ssyncadd.s32 $0xFFFFD800  }
0xdc: {  	[spmem:s2] =	stream.indirect.scatter.add.f32 [tilespmem:s19], [sflag:$0x5], $0x80, s9, s16, $0xb8;
	[tilespmem:$0x1DB00] =	vst v63  }
0xdd: {  	_ =	swait.ge [sflag:s13], $0x2800  }
0xde: {  	[sflag:s13] =	ssyncset.done $0x0  }
0xdf: {  	[sflag:s13] =	ssyncadd.s32 $0xFFFFD800  }
0xe0: {  	[spmem:s3] =	stream.indirect.scatter.add.f32 [tilespmem:s21], [sflag:$0x4], $0x1, s9, s16, $0xb8;
	[tilespmem:$0x1DB00] =	vst v63  }
0xe1: {  	s6 =	rddreg [dreg:$0x17]  }
0xe2: {  	[tilespmem:s19], [sflag:$0x3] =	stream.indirect.gather [hbm4b:s5+s16], $0x80, s6, s16, $0xb8;
	[tilespmem:$0x1DB00] =	vst v63  }
0xe3: {  	_ =	swait.ge [sflag:s20], $0x2800  }
0xe4: {  	[sflag:s20] =	ssyncset.done $0x0  }
0xe5: {  	s10 =	simm.s32 $0x1780;
	[sflag:s20] =	ssyncadd.s32 $0xFFFFD800  }
0xe6: {  	[spmem:s2] =	stream.indirect.scatter.add.f32 [tilespmem:s17], [sflag:$0x5], $0x80, s10, s16, $0xb8;
	[tilespmem:$0x1DB00] =	vst v63  }
0xe7: {  	_ =	swait.ge [sflag:s13], $0x2800  }
0xe8: {  	[sflag:s13] =	ssyncset.done $0x0  }
0xe9: {  	[sflag:s13] =	ssyncadd.s32 $0xFFFFD800  }
0xea: {  	[spmem:s3] =	stream.indirect.scatter.add.f32 [tilespmem:s21], [sflag:$0x4], $0x1, s10, s16, $0xb8;
	[tilespmem:$0x1DB00] =	vst v63  }
0xeb: {  	s7 =	rddreg [dreg:$0x18]  }
0xec: {  	[tilespmem:s17], [sflag:$0x1] =	stream.indirect.gather [hbm4b:s5+s16], $0x80, s7, s16, $0xb8;
	[tilespmem:$0x1DB00] =	vst v63  }
0xed: {  	_ =	swait.ge [sflag:s22], $0x2800  }
0xee: {  	[sflag:s22] =	ssyncset.done $0x0  }
0xef: {  	[sflag:s22] =	ssyncadd.s32 $0xFFFFD800  }
0xf0: {  	[spmem:s2] =	stream.indirect.scatter.add.f32 [tilespmem:s18], [sflag:$0x5], $0x80, s11, s16, $0xb8;
	[tilespmem:$0x1DB00] =	vst v63  }
0xf1: {  	_ =	swait.ge [sflag:s13], $0x2800  }
0xf2: {  	[sflag:s13] =	ssyncset.done $0x0  }
0xf3: {  	[sflag:s13] =	ssyncadd.s32 $0xFFFFD800  }
0xf4: {  	[spmem:s3] =	stream.indirect.scatter.add.f32 [tilespmem:s21], [sflag:$0x4], $0x1, s11, s16, $0xb8;
	[tilespmem:$0x1DB00] =	vst v63  }
0xf5: {  	s8 =	rddreg [dreg:$0x19]  }
0xf6: {  	[tilespmem:s18], [sflag:$0x2] =	stream.indirect.gather [hbm4b:s5+s16], $0x80, s8, s16, $0xb8;
	[tilespmem:$0x1DB00] =	vst v63  }
0xf7: {  	_ =	swait.ge [sflag:s24], $0x2800  }
0xf8: {  	[sflag:s24] =	ssyncset.done $0x0  }
0xf9: {  	[sflag:s24] =	ssyncadd.s32 $0xFFFFD800  }
0xfa: {  	[spmem:s2] =	stream.indirect.scatter.add.f32 [tilespmem:s19], [sflag:$0x5], $0x80, s12, s16, $0xb8;
	[tilespmem:$0x1DB00] =	vst v63  }
0xfb: {  	_ =	swait.ge [sflag:s13], $0x2800  }
0xfc: {  	[sflag:s13] =	ssyncset.done $0x0  }
0xfd: {  	[sflag:s13] =	ssyncadd.s32 $0xFFFFD800  }
0xfe: {  	[spmem:s3] =	stream.indirect.scatter.add.f32 [tilespmem:s21], [sflag:$0x4], $0x1, s12, s16, $0xb8;
	[tilespmem:$0x1DB00] =	vst v63  }
0xff: {  	s6 =	rddreg [dreg:$0x1a]  }
0x100: {  	[tilespmem:s19], [sflag:$0x3] =	stream.indirect.gather [hbm4b:s5+s16], $0x80, s6, s16, $0xb8;
	[tilespmem:$0x1DB00] =	vst v63  }
0x101: {  	_ =	swait.ge [sflag:s20], $0x2800  }
0x102: {  	[sflag:s20] =	ssyncset.done $0x0  }
0x103: {  	[sflag:s20] =	ssyncadd.s32 $0xFFFFD800  }
0x104: {  	[spmem:s2] =	stream.indirect.scatter.add.f32 [tilespmem:s17], [sflag:$0x5], $0x80, s14, s16, $0xb8;
	[tilespmem:$0x1DB00] =	vst v63  }
0x105: {  	_ =	swait.ge [sflag:s13], $0x2800  }
0x106: {  	[sflag:s13] =	ssyncset.done $0x0  }
0x107: {  	[sflag:s13] =	ssyncadd.s32 $0xFFFFD800  }
0x108: {  	[spmem:s3] =	stream.indirect.scatter.add.f32 [tilespmem:s21], [sflag:$0x4], $0x1, s14, s16, $0xb8;
	[tilespmem:$0x1DB00] =	vst v63  }
0x109: {  	s7 =	rddreg [dreg:$0x1b]  }
0x10a: {  	[tilespmem:s17], [sflag:$0x1] =	stream.indirect.gather [hbm4b:s5+s16], $0x80, s7, s16, $0xb8;
	[tilespmem:$0x1DB00] =	vst v63  }
0x10b: {  	_ =	swait.ge [sflag:s22], $0x2800  }
0x10c: {  	[sflag:s22] =	ssyncset.done $0x0  }
0x10d: {  	s7 =	simm.s32 $0x1980;
	[sflag:s22] =	ssyncadd.s32 $0xFFFFD800  }
0x10e: {  	[spmem:s2] =	stream.indirect.scatter.add.f32 [tilespmem:s18], [sflag:$0x5], $0x80, s7, s16, $0xb8;
	[tilespmem:$0x1DB00] =	vst v63  }
0x10f: {  	_ =	swait.ge [sflag:s13], $0x2800  }
0x110: {  	[sflag:s13] =	ssyncset.done $0x0  }
0x111: {  	[sflag:s13] =	ssyncadd.s32 $0xFFFFD800  }
0x112: {  	[spmem:s3] =	stream.indirect.scatter.add.f32 [tilespmem:s21], [sflag:$0x4], $0x1, s7, s16, $0xb8;
	[tilespmem:$0x1DB00] =	vst v63  }
0x113: {  	s8 =	rddreg [dreg:$0x1c]  }
0x114: {  	[tilespmem:s18], [sflag:$0x2] =	stream.indirect.gather [hbm4b:s5+s16], $0x80, s8, s16, $0xb8;
	[tilespmem:$0x1DB00] =	vst v63  }
0x115: {  	_ =	swait.ge [sflag:s24], $0x2800  }
0x116: {  	[sflag:s24] =	ssyncset.done $0x0  }
0x117: {  	[sflag:s24] =	ssyncadd.s32 $0xFFFFD800  }
0x118: {  	[spmem:s2] =	stream.indirect.scatter.add.f32 [tilespmem:s19], [sflag:$0x5], $0x80, s23, s16, $0xb8;
	[tilespmem:$0x1DB00] =	vst v63  }
0x119: {  	_ =	swait.ge [sflag:s13], $0x2800  }
0x11a: {  	[sflag:s13] =	ssyncset.done $0x0  }
0x11b: {  	[sflag:s13] =	ssyncadd.s32 $0xFFFFD800  }
0x11c: {  	[spmem:s3] =	stream.indirect.scatter.add.f32 [tilespmem:s21], [sflag:$0x4], $0x1, s23, s16, $0xb8;
	[tilespmem:$0x1DB00] =	vst v63  }
0x11d: {  	s6 =	rddreg [dreg:$0x1d]  }
0x11e: {  	[tilespmem:s19], [sflag:$0x3] =	stream.indirect.gather [hbm4b:s5+s16], $0x80, s6, s16, $0xb8;
	[tilespmem:$0x1DB00] =	vst v63  }
0x11f: {  	_ =	swait.ge [sflag:s20], $0x2800  }
0x120: {  	[sflag:s20] =	ssyncset.done $0x0  }
0x121: {  	[sflag:s20] =	ssyncadd.s32 $0xFFFFD800  }
0x122: {  	[spmem:s2] =	stream.indirect.scatter.add.f32 [tilespmem:s17], [sflag:$0x5], $0x80, s25, s16, $0xb8;
	[tilespmem:$0x1DB00] =	vst v63  }
0x123: {  	_ =	swait.ge [sflag:s13], $0x2800  }
0x124: {  	[sflag:s13] =	ssyncset.done $0x0  }
0x125: {  	[sflag:s13] =	ssyncadd.s32 $0xFFFFD800  }
0x126: {  	[spmem:s3] =	stream.indirect.scatter.add.f32 [tilespmem:s21], [sflag:$0x4], $0x1, s25, s16, $0xb8;
	[tilespmem:$0x1DB00] =	vst v63  }
0x127: {  	s8 =	rddreg [dreg:$0x1e]  }
0x128: {  	[tilespmem:s17], [sflag:$0x1] =	stream.indirect.gather [hbm4b:s5+s16], $0x80, s8, s16, $0xb8;
	[tilespmem:$0x1DB00] =	vst v63  }
0x129: {  	_ =	swait.ge [sflag:s22], $0x2800  }
0x12a: {  	[sflag:s22] =	ssyncset.done $0x0  }
0x12b: {  	[sflag:s22] =	ssyncadd.s32 $0xFFFFD800  }
0x12c: {  	[spmem:s2] =	stream.indirect.scatter.add.f32 [tilespmem:s18], [sflag:$0x5], $0x80, s26, s16, $0xb8;
	[tilespmem:$0x1DB00] =	vst v63  }
0x12d: {  	_ =	swait.ge [sflag:s13], $0x2800  }
0x12e: {  	[sflag:s13] =	ssyncset.done $0x0  }
0x12f: {  	[sflag:s13] =	ssyncadd.s32 $0xFFFFD800  }
0x130: {  	[spmem:s3] =	stream.indirect.scatter.add.f32 [tilespmem:s21], [sflag:$0x4], $0x1, s26, s16, $0xb8;
	[tilespmem:$0x1DB00] =	vst v63  }
0x131: {  	_ =	swait.ge [sflag:s24], $0x2800  }
0x132: {  	[sflag:s24] =	ssyncset.done $0x0  }
0x133: {  	[sflag:s24] =	ssyncadd.s32 $0xFFFFD800  }
0x134: {  	[spmem:s2] =	stream.indirect.scatter.add.f32 [tilespmem:s19], [sflag:$0x5], $0x80, s28, s16, $0xb8;
	[tilespmem:$0x1DB00] =	vst v63  }
0x135: {  	_ =	swait.ge [sflag:s13], $0x2800  }
0x136: {  	[sflag:s13] =	ssyncset.done $0x0  }
0x137: {  	[sflag:s13] =	ssyncadd.s32 $0xFFFFD800  }
0x138: {  	[spmem:s3] =	stream.indirect.scatter.add.f32 [tilespmem:s21], [sflag:$0x4], $0x1, s28, s16, $0xb8;
	[tilespmem:$0x1DB00] =	vst v63  }
0x139: {  	_ =	swait.ge [sflag:s20], $0x2800  }
0x13a: {  	[sflag:s20] =	ssyncset.done $0x0  }
0x13b: {  	[sflag:s20] =	ssyncadd.s32 $0xFFFFD800  }
0x13c: {  	[spmem:s2] =	stream.indirect.scatter.add.f32 [tilespmem:s17], [sflag:$0x5], $0x80, s29, s16, $0xb8;
	[tilespmem:$0x1DB00] =	vst v63  }
0x13d: {  	_ =	swait.ge [sflag:s13], $0x2800  }
0x13e: {  	[sflag:s13] =	ssyncset.done $0x0  }
0x13f: {  	[sflag:s13] =	ssyncadd.s32 $0xFFFFD800  }
0x140: {  	[spmem:s3] =	stream.indirect.scatter.add.f32 [tilespmem:s21], [sflag:$0x4], $0x1, s29, s16, $0xb8;
	[tilespmem:$0x1DB00] =	vst v63  }
0x141: {  	_ =	swait.ge [sflag:s1], $0x50  }
0x142: {  	[sflag:s1] =	ssyncset.done $0x0  }
0x143: {  	[sflag:s1] =	ssyncadd.s32 $0xFFFFFFB0  }
0x144: {  	_ =	swait.ge [sflag:s1], $0x50  }
0x145: {  	[sflag:s1] =	ssyncset.done $0x0  }
0x146: {  	[sflag:s1] =	ssyncadd.s32 $0xFFFFFFB0  }
0x147: {  	_ =	swait.ge [sflag:s1], $0x50  }
0x148: {  	[sflag:s1] =	ssyncset.done $0x0  }
0x149: {  	[sflag:s1] =	ssyncadd.s32 $0xFFFFFFB0  }
0x14a: {  	_ =	swait.ge [sflag:s1], $0x50  }
0x14b: {  	[sflag:s1] =	ssyncset.done $0x0  }
0x14c: {  	[sflag:s1] =	ssyncadd.s32 $0xFFFFFFB0  }
0x14d: {  	_ =	swait.ge [sflag:s1], $0x50  }
0x14e: {  	[sflag:s1] =	ssyncset.done $0x0  }
0x14f: {  	[sflag:s1] =	ssyncadd.s32 $0xFFFFFFB0  }
0x150: {  	_ =	swait.ge [sflag:s1], $0x50  }
0x151: {  	[sflag:s1] =	ssyncset.done $0x0  }
0x152: {  	[sflag:s1] =	ssyncadd.s32 $0xFFFFFFB0  }
0x153: {  	_ =	swait.ge [sflag:s1], $0x50  }
0x154: {  	[sflag:s1] =	ssyncset.done $0x0  }
0x155: {  	[sflag:s1] =	ssyncadd.s32 $0xFFFFFFB0  }
0x156: {  	_ =	swait.ge [sflag:s1], $0x50  }
0x157: {  	[sflag:s1] =	ssyncset.done $0x0  }
0x158: {  	[sflag:s1] =	ssyncadd.s32 $0xFFFFFFB0  }
0x159: {  	_ =	swait.ge [sflag:s1], $0x50  }
0x15a: {  	[sflag:s1] =	ssyncset.done $0x0  }
0x15b: {  	[sflag:s1] =	ssyncadd.s32 $0xFFFFFFB0  }
0x15c: {  	_ =	swait.ge [sflag:s1], $0x50  }
0x15d: {  	[sflag:s1] =	ssyncset.done $0x0  }
0x15e: {  	[sflag:s1] =	ssyncadd.s32 $0xFFFFFFB0  }
0x15f: {  	_ =	swait.ge [sflag:s1], $0x50  }
0x160: {  	[sflag:s1] =	ssyncset.done $0x0  }
0x161: {  	[sflag:s1] =	ssyncadd.s32 $0xFFFFFFB0  }
0x162: {  	_ =	swait.ge [sflag:s1], $0x50  }
0x163: {  	[sflag:s1] =	ssyncset.done $0x0  }
0x164: {  	[sflag:s1] =	ssyncadd.s32 $0xFFFFFFB0  }
0x165: {  	_ =	swait.ge [sflag:s1], $0x50  }
0x166: {  	[sflag:s1] =	ssyncset.done $0x0  }
0x167: {  	[sflag:s1] =	ssyncadd.s32 $0xFFFFFFB0  }
0x168: {  	_ =	swait.ge [sflag:s1], $0x50  }
0x169: {  	[sflag:s1] =	ssyncset.done $0x0  }
0x16a: {  	[sflag:s1] =	ssyncadd.s32 $0xFFFFFFB0  }
0x16b: {  	_ =	swait.ge [sflag:s1], $0x50  }
0x16c: {  	[sflag:s1] =	ssyncset.done $0x0  }
0x16d: {  	[sflag:s1] =	ssyncadd.s32 $0xFFFFFFB0  }
0x16e: {  	_ =	swait.ge [sflag:s1], $0x50  }
0x16f: {  	[sflag:s1] =	ssyncset.done $0x0  }
0x170: {  	[sflag:s1] =	ssyncadd.s32 $0xFFFFFFB0  }
0x171: {  	_ =	swait.ge [sflag:s1], $0x50  }
0x172: {  	[sflag:s1] =	ssyncset.done $0x0  }
0x173: {  	[sflag:s1] =	ssyncadd.s32 $0xFFFFFFB0  }
0x174: {  	_ =	swait.ge [sflag:s1], $0x50  }
0x175: {  	[sflag:s1] =	ssyncset.done $0x0  }
0x176: {  	[sflag:s1] =	ssyncadd.s32 $0xFFFFFFB0  }
0x177: {  	_ =	swait.ge [sflag:s1], $0x50  }
0x178: {  	[sflag:s1] =	ssyncset.done $0x0  }
0x179: {  	[sflag:s1] =	ssyncadd.s32 $0xFFFFFFB0  }
0x17a: {  	_ =	swait.ge [sflag:s1], $0x50  }
0x17b: {  	[sflag:s1] =	ssyncset.done $0x0  }
0x17c: {  	[sflag:s1] =	ssyncadd.s32 $0xFFFFFFB0  }
0x17d: {  	_ =	swait.ge [sflag:s1], $0x50  }
0x17e: {  	[sflag:s1] =	ssyncset.done $0x0  }
0x17f: {  	[sflag:s1] =	ssyncadd.s32 $0xFFFFFFB0  }
0x180: {  	_ =	swait.ge [sflag:s1], $0x50  }
0x181: {  	[sflag:s1] =	ssyncset.done $0x0  }
0x182: {  	[sflag:s1] =	ssyncadd.s32 $0xFFFFFFB0  }
0x183: {  	_ =	swait.ge [sflag:s1], $0x50  }
0x184: {  	[sflag:s1] =	ssyncset.done $0x0  }
0x185: {  	[sflag:s1] =	ssyncadd.s32 $0xFFFFFFB0  }
0x186: {  	_ =	swait.ge [sflag:s1], $0x50  }
0x187: {  	[sflag:s1] =	ssyncset.done $0x0  }
0x188: {  	[sflag:s1] =	ssyncadd.s32 $0xFFFFFFB0  }
0x189: {  	s0 =	simm.s32 $0x200;
	_ =	swait.ge [sflag:s1], $0x50  }
.LBB2_2:
0x18a: {  	s6 =	rddreg [dreg:$0x6];
	s8 =	smov.u32 s0;
	[sflag:s1] =	ssyncset.done $0x0  }
0x18b: {  	s6 =	sadd.s32 s8, s6;
	[sflag:s1] =	ssyncadd.s32 $0xFFFFFFB0  }
0x18c: {  	[tilespmem:s4], [sflag:$0x5] =	stream.linear.gather [hbm4b:s6+s4], $0xC80, $0x38;
	[tilespmem:$0x1DB00] =	vst v63  }
0x18d: {  	_ =	swait.ge [sflag:s13], $0xC80  }
0x18e: {  	s6 =	rddreg [dreg:$0x5];
	[sflag:s13] =	ssyncset.done $0x0  }
0x18f: {  	[sflag:s13] =	ssyncadd.s32 $0xFFFFF380;
	s6 =	sadd.s32 s8, s6  }
0x190: {  	[tilespmem:s15], [sflag:$0x5] =	stream.linear.gather [hbm4b:s6+s4], $0xC80, $0x38;
	[tilespmem:$0x1DB00] =	vst v63  }
0x191: {  	_ =	swait.ge [sflag:s13], $0xC80  }
0x192: {  	[sflag:s13] =	ssyncset.done $0x0  }
0x193: {  	[sflag:s13] =	ssyncadd.s32 $0xFFFFF380  }
0x194: {  	[tilespmem:s17], [sflag:$0x1] =	stream.indirect.gather [hbm4b:s5+s16], $0x80, s4, s16, $0xb8;
	[tilespmem:$0x1DB00] =	vst v63  }
0x195: {  	s6 =	rddreg [dreg:$0x7]  }
0x196: {  	[tilespmem:s18], [sflag:$0x2] =	stream.indirect.gather [hbm4b:s5+s16], $0x80, s6, s16, $0xb8;
	[tilespmem:$0x1DB00] =	vst v63  }
0x197: {  	s8 =	rddreg [dreg:$0x8]  }
0x198: {  	[tilespmem:s19], [sflag:$0x3] =	stream.indirect.gather [hbm4b:s5+s16], $0x80, s8, s16, $0xb8;
	[tilespmem:$0x1DB00] =	vst v63  }
0x199: {  	_ =	swait.ge [sflag:s20], $0x2800  }
0x19a: {  	[sflag:s20] =	ssyncset.done $0x0  }
0x19b: {  	[sflag:s20] =	ssyncadd.s32 $0xFFFFD800  }
0x19c: {  	[spmem:s2] =	stream.indirect.scatter.add.f32 [tilespmem:s17], [sflag:$0x5], $0x80, s15, s16, $0xb8;
	[tilespmem:$0x1DB00] =	vst v63  }
0x19d: {  	_ =	swait.ge [sflag:s13], $0x2800  }
0x19e: {  	[sflag:s13] =	ssyncset.done $0x0  }
0x19f: {  	[sflag:s13] =	ssyncadd.s32 $0xFFFFD800  }
0x1a0: {  	[spmem:s3] =	stream.indirect.scatter.add.f32 [tilespmem:s21], [sflag:$0x4], $0x1, s15, s16, $0xb8;
	[tilespmem:$0x1DB00] =	vst v63  }
0x1a1: {  	s8 =	rddreg [dreg:$0x9]  }
0x1a2: {  	[tilespmem:s17], [sflag:$0x1] =	stream.indirect.gather [hbm4b:s5+s16], $0x80, s8, s16, $0xb8;
	[tilespmem:$0x1DB00] =	vst v63  }
0x1a3: {  	_ =	swait.ge [sflag:s22], $0x2800  }
0x1a4: {  	[sflag:s22] =	ssyncset.done $0x0  }
0x1a5: {  	s8 =	simm.s32 $0x1080;
	[sflag:s22] =	ssyncadd.s32 $0xFFFFD800  }
0x1a6: {  	[spmem:s2] =	stream.indirect.scatter.add.f32 [tilespmem:s18], [sflag:$0x5], $0x80, s8, s16, $0xb8;
	[tilespmem:$0x1DB00] =	vst v63  }
0x1a7: {  	_ =	swait.ge [sflag:s13], $0x2800  }
0x1a8: {  	[sflag:s13] =	ssyncset.done $0x0  }
0x1a9: {  	[sflag:s13] =	ssyncadd.s32 $0xFFFFD800  }
0x1aa: {  	[spmem:s3] =	stream.indirect.scatter.add.f32 [tilespmem:s21], [sflag:$0x4], $0x1, s8, s16, $0xb8;
	[tilespmem:$0x1DB00] =	vst v63  }
0x1ab: {  	s6 =	rddreg [dreg:$0xa]  }
0x1ac: {  	[tilespmem:s18], [sflag:$0x2] =	stream.indirect.gather [hbm4b:s5+s16], $0x80, s6, s16, $0xb8;
	[tilespmem:$0x1DB00] =	vst v63  }
0x1ad: {  	_ =	swait.ge [sflag:s24], $0x2800  }
0x1ae: {  	[sflag:s24] =	ssyncset.done $0x0  }
0x1af: {  	s8 =	simm.s32 $0x1100;
	[sflag:s24] =	ssyncadd.s32 $0xFFFFD800  }
0x1b0: {  	[spmem:s2] =	stream.indirect.scatter.add.f32 [tilespmem:s19], [sflag:$0x5], $0x80, s8, s16, $0xb8;
	[tilespmem:$0x1DB00] =	vst v63  }
0x1b1: {  	_ =	swait.ge [sflag:s13], $0x2800  }
0x1b2: {  	[sflag:s13] =	ssyncset.done $0x0  }
0x1b3: {  	[sflag:s13] =	ssyncadd.s32 $0xFFFFD800  }
0x1b4: {  	[spmem:s3] =	stream.indirect.scatter.add.f32 [tilespmem:s21], [sflag:$0x4], $0x1, s8, s16, $0xb8;
	[tilespmem:$0x1DB00] =	vst v63  }
0x1b5: {  	s6 =	rddreg [dreg:$0xb]  }
0x1b6: {  	[tilespmem:s19], [sflag:$0x3] =	stream.indirect.gather [hbm4b:s5+s16], $0x80, s6, s16, $0xb8;
	[tilespmem:$0x1DB00] =	vst v63  }
0x1b7: {  	_ =	swait.ge [sflag:s20], $0x2800  }
0x1b8: {  	[sflag:s20] =	ssyncset.done $0x0  }
0x1b9: {  	s8 =	simm.s32 $0x1180;
	[sflag:s20] =	ssyncadd.s32 $0xFFFFD800  }
0x1ba: {  	[spmem:s2] =	stream.indirect.scatter.add.f32 [tilespmem:s17], [sflag:$0x5], $0x80, s8, s16, $0xb8;
	[tilespmem:$0x1DB00] =	vst v63  }
0x1bb: {  	_ =	swait.ge [sflag:s13], $0x2800  }
0x1bc: {  	[sflag:s13] =	ssyncset.done $0x0  }
0x1bd: {  	[sflag:s13] =	ssyncadd.s32 $0xFFFFD800  }
0x1be: {  	[spmem:s3] =	stream.indirect.scatter.add.f32 [tilespmem:s21], [sflag:$0x4], $0x1, s8, s16, $0xb8;
	[tilespmem:$0x1DB00] =	vst v63  }
0x1bf: {  	s6 =	rddreg [dreg:$0xc]  }
0x1c0: {  	[tilespmem:s17], [sflag:$0x1] =	stream.indirect.gather [hbm4b:s5+s16], $0x80, s6, s16, $0xb8;
	[tilespmem:$0x1DB00] =	vst v63  }
0x1c1: {  	_ =	swait.ge [sflag:s22], $0x2800  }
0x1c2: {  	[sflag:s22] =	ssyncset.done $0x0  }
0x1c3: {  	s8 =	simm.s32 $0x1200;
	[sflag:s22] =	ssyncadd.s32 $0xFFFFD800  }
0x1c4: {  	[spmem:s2] =	stream.indirect.scatter.add.f32 [tilespmem:s18], [sflag:$0x5], $0x80, s8, s16, $0xb8;
	[tilespmem:$0x1DB00] =	vst v63  }
0x1c5: {  	_ =	swait.ge [sflag:s13], $0x2800  }
0x1c6: {  	[sflag:s13] =	ssyncset.done $0x0  }
0x1c7: {  	[sflag:s13] =	ssyncadd.s32 $0xFFFFD800  }
0x1c8: {  	[spmem:s3] =	stream.indirect.scatter.add.f32 [tilespmem:s21], [sflag:$0x4], $0x1, s8, s16, $0xb8;
	[tilespmem:$0x1DB00] =	vst v63  }
0x1c9: {  	s6 =	rddreg [dreg:$0xd]  }
0x1ca: {  	[tilespmem:s18], [sflag:$0x2] =	stream.indirect.gather [hbm4b:s5+s16], $0x80, s6, s16, $0xb8;
	[tilespmem:$0x1DB00] =	vst v63  }
0x1cb: {  	_ =	swait.ge [sflag:s24], $0x2800  }
0x1cc: {  	[sflag:s24] =	ssyncset.done $0x0  }
0x1cd: {  	s8 =	simm.s32 $0x1280;
	[sflag:s24] =	ssyncadd.s32 $0xFFFFD800  }
0x1ce: {  	[spmem:s2] =	stream.indirect.scatter.add.f32 [tilespmem:s19], [sflag:$0x5], $0x80, s8, s16, $0xb8;
	[tilespmem:$0x1DB00] =	vst v63  }
0x1cf: {  	_ =	swait.ge [sflag:s13], $0x2800  }
0x1d0: {  	[sflag:s13] =	ssyncset.done $0x0  }
0x1d1: {  	[sflag:s13] =	ssyncadd.s32 $0xFFFFD800  }
0x1d2: {  	[spmem:s3] =	stream.indirect.scatter.add.f32 [tilespmem:s21], [sflag:$0x4], $0x1, s8, s16, $0xb8;
	[tilespmem:$0x1DB00] =	vst v63  }
0x1d3: {  	s6 =	rddreg [dreg:$0xe]  }
0x1d4: {  	[tilespmem:s19], [sflag:$0x3] =	stream.indirect.gather [hbm4b:s5+s16], $0x80, s6, s16, $0xb8;
	[tilespmem:$0x1DB00] =	vst v63  }
0x1d5: {  	_ =	swait.ge [sflag:s20], $0x2800  }
0x1d6: {  	[sflag:s20] =	ssyncset.done $0x0  }
0x1d7: {  	s8 =	simm.s32 $0x1300;
	[sflag:s20] =	ssyncadd.s32 $0xFFFFD800  }
0x1d8: {  	[spmem:s2] =	stream.indirect.scatter.add.f32 [tilespmem:s17], [sflag:$0x5], $0x80, s8, s16, $0xb8;
	[tilespmem:$0x1DB00] =	vst v63  }
0x1d9: {  	_ =	swait.ge [sflag:s13], $0x2800  }
0x1da: {  	[sflag:s13] =	ssyncset.done $0x0  }
0x1db: {  	[sflag:s13] =	ssyncadd.s32 $0xFFFFD800  }
0x1dc: {  	[spmem:s3] =	stream.indirect.scatter.add.f32 [tilespmem:s21], [sflag:$0x4], $0x1, s8, s16, $0xb8;
	[tilespmem:$0x1DB00] =	vst v63  }
0x1dd: {  	s6 =	rddreg [dreg:$0xf]  }
0x1de: {  	[tilespmem:s17], [sflag:$0x1] =	stream.indirect.gather [hbm4b:s5+s16], $0x80, s6, s16, $0xb8;
	[tilespmem:$0x1DB00] =	vst v63  }
0x1df: {  	_ =	swait.ge [sflag:s22], $0x2800  }
0x1e0: {  	[sflag:s22] =	ssyncset.done $0x0  }
0x1e1: {  	s8 =	simm.s32 $0x1380;
	[sflag:s22] =	ssyncadd.s32 $0xFFFFD800  }
0x1e2: {  	[spmem:s2] =	stream.indirect.scatter.add.f32 [tilespmem:s18], [sflag:$0x5], $0x80, s8, s16, $0xb8;
	[tilespmem:$0x1DB00] =	vst v63  }
0x1e3: {  	_ =	swait.ge [sflag:s13], $0x2800  }
0x1e4: {  	[sflag:s13] =	ssyncset.done $0x0  }
0x1e5: {  	[sflag:s13] =	ssyncadd.s32 $0xFFFFD800  }
0x1e6: {  	[spmem:s3] =	stream.indirect.scatter.add.f32 [tilespmem:s21], [sflag:$0x4], $0x1, s8, s16, $0xb8;
	[tilespmem:$0x1DB00] =	vst v63  }
0x1e7: {  	s6 =	rddreg [dreg:$0x10]  }
0x1e8: {  	[tilespmem:s18], [sflag:$0x2] =	stream.indirect.gather [hbm4b:s5+s16], $0x80, s6, s16, $0xb8;
	[tilespmem:$0x1DB00] =	vst v63  }
0x1e9: {  	_ =	swait.ge [sflag:s24], $0x2800  }
0x1ea: {  	[sflag:s24] =	ssyncset.done $0x0  }
0x1eb: {  	s8 =	simm.s32 $0x1400;
	[sflag:s24] =	ssyncadd.s32 $0xFFFFD800  }
0x1ec: {  	[spmem:s2] =	stream.indirect.scatter.add.f32 [tilespmem:s19], [sflag:$0x5], $0x80, s8, s16, $0xb8;
	[tilespmem:$0x1DB00] =	vst v63  }
0x1ed: {  	_ =	swait.ge [sflag:s13], $0x2800  }
0x1ee: {  	[sflag:s13] =	ssyncset.done $0x0  }
0x1ef: {  	[sflag:s13] =	ssyncadd.s32 $0xFFFFD800  }
0x1f0: {  	[spmem:s3] =	stream.indirect.scatter.add.f32 [tilespmem:s21], [sflag:$0x4], $0x1, s8, s16, $0xb8;
	[tilespmem:$0x1DB00] =	vst v63  }
0x1f1: {  	s6 =	rddreg [dreg:$0x11]  }
0x1f2: {  	[tilespmem:s19], [sflag:$0x3] =	stream.indirect.gather [hbm4b:s5+s16], $0x80, s6, s16, $0xb8;
	[tilespmem:$0x1DB00] =	vst v63  }
0x1f3: {  	_ =	swait.ge [sflag:s20], $0x2800  }
0x1f4: {  	[sflag:s20] =	ssyncset.done $0x0  }
0x1f5: {  	s8 =	simm.s32 $0x1480;
	[sflag:s20] =	ssyncadd.s32 $0xFFFFD800  }
0x1f6: {  	[spmem:s2] =	stream.indirect.scatter.add.f32 [tilespmem:s17], [sflag:$0x5], $0x80, s8, s16, $0xb8;
	[tilespmem:$0x1DB00] =	vst v63  }
0x1f7: {  	_ =	swait.ge [sflag:s13], $0x2800  }
0x1f8: {  	[sflag:s13] =	ssyncset.done $0x0  }
0x1f9: {  	[sflag:s13] =	ssyncadd.s32 $0xFFFFD800  }
0x1fa: {  	[spmem:s3] =	stream.indirect.scatter.add.f32 [tilespmem:s21], [sflag:$0x4], $0x1, s8, s16, $0xb8;
	[tilespmem:$0x1DB00] =	vst v63  }
0x1fb: {  	s6 =	rddreg [dreg:$0x12]  }
0x1fc: {  	[tilespmem:s17], [sflag:$0x1] =	stream.indirect.gather [hbm4b:s5+s16], $0x80, s6, s16, $0xb8;
	[tilespmem:$0x1DB00] =	vst v63  }
0x1fd: {  	_ =	swait.ge [sflag:s22], $0x2800  }
0x1fe: {  	[sflag:s22] =	ssyncset.done $0x0  }
0x1ff: {  	s8 =	simm.s32 $0x1500;
	[sflag:s22] =	ssyncadd.s32 $0xFFFFD800  }
0x200: {  	[spmem:s2] =	stream.indirect.scatter.add.f32 [tilespmem:s18], [sflag:$0x5], $0x80, s8, s16, $0xb8;
	[tilespmem:$0x1DB00] =	vst v63  }
0x201: {  	_ =	swait.ge [sflag:s13], $0x2800  }
0x202: {  	[sflag:s13] =	ssyncset.done $0x0  }
0x203: {  	[sflag:s13] =	ssyncadd.s32 $0xFFFFD800  }
0x204: {  	[spmem:s3] =	stream.indirect.scatter.add.f32 [tilespmem:s21], [sflag:$0x4], $0x1, s8, s16, $0xb8;
	[tilespmem:$0x1DB00] =	vst v63  }
0x205: {  	s6 =	rddreg [dreg:$0x13]  }
0x206: {  	[tilespmem:s18], [sflag:$0x2] =	stream.indirect.gather [hbm4b:s5+s16], $0x80, s6, s16, $0xb8;
	[tilespmem:$0x1DB00] =	vst v63  }
0x207: {  	_ =	swait.ge [sflag:s24], $0x2800  }
0x208: {  	[sflag:s24] =	ssyncset.done $0x0  }
0x209: {  	s8 =	simm.s32 $0x1580;
	[sflag:s24] =	ssyncadd.s32 $0xFFFFD800  }
0x20a: {  	[spmem:s2] =	stream.indirect.scatter.add.f32 [tilespmem:s19], [sflag:$0x5], $0x80, s8, s16, $0xb8;
	[tilespmem:$0x1DB00] =	vst v63  }
0x20b: {  	_ =	swait.ge [sflag:s13], $0x2800  }
0x20c: {  	[sflag:s13] =	ssyncset.done $0x0  }
0x20d: {  	[sflag:s13] =	ssyncadd.s32 $0xFFFFD800  }
0x20e: {  	[spmem:s3] =	stream.indirect.scatter.add.f32 [tilespmem:s21], [sflag:$0x4], $0x1, s8, s16, $0xb8;
	[tilespmem:$0x1DB00] =	vst v63  }
0x20f: {  	s6 =	rddreg [dreg:$0x14]  }
0x210: {  	[tilespmem:s19], [sflag:$0x3] =	stream.indirect.gather [hbm4b:s5+s16], $0x80, s6, s16, $0xb8;
	[tilespmem:$0x1DB00] =	vst v63  }
0x211: {  	_ =	swait.ge [sflag:s20], $0x2800  }
0x212: {  	[sflag:s20] =	ssyncset.done $0x0  }
0x213: {  	[sflag:s20] =	ssyncadd.s32 $0xFFFFD800  }
0x214: {  	[spmem:s2] =	stream.indirect.scatter.add.f32 [tilespmem:s17], [sflag:$0x5], $0x80, s30, s16, $0xb8;
	[tilespmem:$0x1DB00] =	vst v63  }
0x215: {  	_ =	swait.ge [sflag:s13], $0x2800  }
0x216: {  	[sflag:s13] =	ssyncset.done $0x0  }
0x217: {  	[sflag:s13] =	ssyncadd.s32 $0xFFFFD800  }
0x218: {  	[spmem:s3] =	stream.indirect.scatter.add.f32 [tilespmem:s21], [sflag:$0x4], $0x1, s30, s16, $0xb8;
	[tilespmem:$0x1DB00] =	vst v63  }
0x219: {  	s8 =	rddreg [dreg:$0x15]  }
0x21a: {  	[tilespmem:s17], [sflag:$0x1] =	stream.indirect.gather [hbm4b:s5+s16], $0x80, s8, s16, $0xb8;
	[tilespmem:$0x1DB00] =	vst v63  }
0x21b: {  	_ =	swait.ge [sflag:s22], $0x2800  }
0x21c: {  	[sflag:s22] =	ssyncset.done $0x0  }
0x21d: {  	[sflag:s22] =	ssyncadd.s32 $0xFFFFD800  }
0x21e: {  	[spmem:s2] =	stream.indirect.scatter.add.f32 [tilespmem:s18], [sflag:$0x5], $0x80, s31, s16, $0xb8;
	[tilespmem:$0x1DB00] =	vst v63  }
0x21f: {  	_ =	swait.ge [sflag:s13], $0x2800  }
0x220: {  	[sflag:s13] =	ssyncset.done $0x0  }
0x221: {  	[sflag:s13] =	ssyncadd.s32 $0xFFFFD800  }
0x222: {  	[spmem:s3] =	stream.indirect.scatter.add.f32 [tilespmem:s21], [sflag:$0x4], $0x1, s31, s16, $0xb8;
	[tilespmem:$0x1DB00] =	vst v63  }
0x223: {  	s8 =	rddreg [dreg:$0x16]  }
0x224: {  	[tilespmem:s18], [sflag:$0x2] =	stream.indirect.gather [hbm4b:s5+s16], $0x80, s8, s16, $0xb8;
	[tilespmem:$0x1DB00] =	vst v63  }
0x225: {  	_ =	swait.ge [sflag:s24], $0x2800  }
0x226: {  	[sflag:s24] =	ssyncset.done $0x0  }
0x227: {  	[sflag:s24] =	ssyncadd.s32 $0xFFFFD800  }
0x228: {  	[spmem:s2] =	stream.indirect.scatter.add.f32 [tilespmem:s19], [sflag:$0x5], $0x80, s9, s16, $0xb8;
	[tilespmem:$0x1DB00] =	vst v63  }
0x229: {  	_ =	swait.ge [sflag:s13], $0x2800  }
0x22a: {  	[sflag:s13] =	ssyncset.done $0x0  }
0x22b: {  	[sflag:s13] =	ssyncadd.s32 $0xFFFFD800  }
0x22c: {  	[spmem:s3] =	stream.indirect.scatter.add.f32 [tilespmem:s21], [sflag:$0x4], $0x1, s9, s16, $0xb8;
	[tilespmem:$0x1DB00] =	vst v63  }
0x22d: {  	s8 =	rddreg [dreg:$0x17]  }
0x22e: {  	[tilespmem:s19], [sflag:$0x3] =	stream.indirect.gather [hbm4b:s5+s16], $0x80, s8, s16, $0xb8;
	[tilespmem:$0x1DB00] =	vst v63  }
0x22f: {  	_ =	swait.ge [sflag:s20], $0x2800  }
0x230: {  	[sflag:s20] =	ssyncset.done $0x0  }
0x231: {  	[sflag:s20] =	ssyncadd.s32 $0xFFFFD800  }
0x232: {  	[spmem:s2] =	stream.indirect.scatter.add.f32 [tilespmem:s17], [sflag:$0x5], $0x80, s10, s16, $0xb8;
	[tilespmem:$0x1DB00] =	vst v63  }
0x233: {  	_ =	swait.ge [sflag:s13], $0x2800  }
0x234: {  	[sflag:s13] =	ssyncset.done $0x0  }
0x235: {  	[sflag:s13] =	ssyncadd.s32 $0xFFFFD800  }
0x236: {  	[spmem:s3] =	stream.indirect.scatter.add.f32 [tilespmem:s21], [sflag:$0x4], $0x1, s10, s16, $0xb8;
	[tilespmem:$0x1DB00] =	vst v63  }
0x237: {  	s8 =	rddreg [dreg:$0x18]  }
0x238: {  	[tilespmem:s17], [sflag:$0x1] =	stream.indirect.gather [hbm4b:s5+s16], $0x80, s8, s16, $0xb8;
	[tilespmem:$0x1DB00] =	vst v63  }
0x239: {  	_ =	swait.ge [sflag:s22], $0x2800  }
0x23a: {  	[sflag:s22] =	ssyncset.done $0x0  }
0x23b: {  	[sflag:s22] =	ssyncadd.s32 $0xFFFFD800  }
0x23c: {  	[spmem:s2] =	stream.indirect.scatter.add.f32 [tilespmem:s18], [sflag:$0x5], $0x80, s11, s16, $0xb8;
	[tilespmem:$0x1DB00] =	vst v63  }
0x23d: {  	_ =	swait.ge [sflag:s13], $0x2800  }
0x23e: {  	[sflag:s13] =	ssyncset.done $0x0  }
0x23f: {  	[sflag:s13] =	ssyncadd.s32 $0xFFFFD800  }
0x240: {  	[spmem:s3] =	stream.indirect.scatter.add.f32 [tilespmem:s21], [sflag:$0x4], $0x1, s11, s16, $0xb8;
	[tilespmem:$0x1DB00] =	vst v63  }
0x241: {  	s8 =	rddreg [dreg:$0x19]  }
0x242: {  	[tilespmem:s18], [sflag:$0x2] =	stream.indirect.gather [hbm4b:s5+s16], $0x80, s8, s16, $0xb8;
	[tilespmem:$0x1DB00] =	vst v63  }
0x243: {  	_ =	swait.ge [sflag:s24], $0x2800  }
0x244: {  	[sflag:s24] =	ssyncset.done $0x0  }
0x245: {  	[sflag:s24] =	ssyncadd.s32 $0xFFFFD800  }
0x246: {  	[spmem:s2] =	stream.indirect.scatter.add.f32 [tilespmem:s19], [sflag:$0x5], $0x80, s12, s16, $0xb8;
	[tilespmem:$0x1DB00] =	vst v63  }
0x247: {  	_ =	swait.ge [sflag:s13], $0x2800  }
0x248: {  	[sflag:s13] =	ssyncset.done $0x0  }
0x249: {  	[sflag:s13] =	ssyncadd.s32 $0xFFFFD800  }
0x24a: {  	[spmem:s3] =	stream.indirect.scatter.add.f32 [tilespmem:s21], [sflag:$0x4], $0x1, s12, s16, $0xb8;
	[tilespmem:$0x1DB00] =	vst v63  }
0x24b: {  	s8 =	rddreg [dreg:$0x1a]  }
0x24c: {  	[tilespmem:s19], [sflag:$0x3] =	stream.indirect.gather [hbm4b:s5+s16], $0x80, s8, s16, $0xb8;
	[tilespmem:$0x1DB00] =	vst v63  }
0x24d: {  	_ =	swait.ge [sflag:s20], $0x2800  }
0x24e: {  	[sflag:s20] =	ssyncset.done $0x0  }
0x24f: {  	[sflag:s20] =	ssyncadd.s32 $0xFFFFD800  }
0x250: {  	[spmem:s2] =	stream.indirect.scatter.add.f32 [tilespmem:s17], [sflag:$0x5], $0x80, s14, s16, $0xb8;
	[tilespmem:$0x1DB00] =	vst v63  }
0x251: {  	_ =	swait.ge [sflag:s13], $0x2800  }
0x252: {  	[sflag:s13] =	ssyncset.done $0x0  }
0x253: {  	[sflag:s13] =	ssyncadd.s32 $0xFFFFD800  }
0x254: {  	[spmem:s3] =	stream.indirect.scatter.add.f32 [tilespmem:s21], [sflag:$0x4], $0x1, s14, s16, $0xb8;
	[tilespmem:$0x1DB00] =	vst v63  }
0x255: {  	s8 =	rddreg [dreg:$0x1b]  }
0x256: {  	[tilespmem:s17], [sflag:$0x1] =	stream.indirect.gather [hbm4b:s5+s16], $0x80, s8, s16, $0xb8;
	[tilespmem:$0x1DB00] =	vst v63  }
0x257: {  	_ =	swait.ge [sflag:s22], $0x2800  }
0x258: {  	[sflag:s22] =	ssyncset.done $0x0  }
0x259: {  	[sflag:s22] =	ssyncadd.s32 $0xFFFFD800  }
0x25a: {  	[spmem:s2] =	stream.indirect.scatter.add.f32 [tilespmem:s18], [sflag:$0x5], $0x80, s7, s16, $0xb8;
	[tilespmem:$0x1DB00] =	vst v63  }
0x25b: {  	_ =	swait.ge [sflag:s13], $0x2800  }
0x25c: {  	[sflag:s13] =	ssyncset.done $0x0  }
0x25d: {  	[sflag:s13] =	ssyncadd.s32 $0xFFFFD800  }
0x25e: {  	[spmem:s3] =	stream.indirect.scatter.add.f32 [tilespmem:s21], [sflag:$0x4], $0x1, s7, s16, $0xb8;
	[tilespmem:$0x1DB00] =	vst v63  }
0x25f: {  	s8 =	rddreg [dreg:$0x1c]  }
0x260: {  	[tilespmem:s18], [sflag:$0x2] =	stream.indirect.gather [hbm4b:s5+s16], $0x80, s8, s16, $0xb8;
	[tilespmem:$0x1DB00] =	vst v63  }
0x261: {  	_ =	swait.ge [sflag:s24], $0x2800  }
0x262: {  	[sflag:s24] =	ssyncset.done $0x0  }
0x263: {  	[sflag:s24] =	ssyncadd.s32 $0xFFFFD800  }
0x264: {  	[spmem:s2] =	stream.indirect.scatter.add.f32 [tilespmem:s19], [sflag:$0x5], $0x80, s23, s16, $0xb8;
	[tilespmem:$0x1DB00] =	vst v63  }
0x265: {  	_ =	swait.ge [sflag:s13], $0x2800  }
0x266: {  	[sflag:s13] =	ssyncset.done $0x0  }
0x267: {  	[sflag:s13] =	ssyncadd.s32 $0xFFFFD800  }
0x268: {  	[spmem:s3] =	stream.indirect.scatter.add.f32 [tilespmem:s21], [sflag:$0x4], $0x1, s23, s16, $0xb8;
	[tilespmem:$0x1DB00] =	vst v63  }
0x269: {  	s8 =	rddreg [dreg:$0x1d]  }
0x26a: {  	[tilespmem:s19], [sflag:$0x3] =	stream.indirect.gather [hbm4b:s5+s16], $0x80, s8, s16, $0xb8;
	[tilespmem:$0x1DB00] =	vst v63  }
0x26b: {  	_ =	swait.ge [sflag:s20], $0x2800  }
0x26c: {  	[sflag:s20] =	ssyncset.done $0x0  }
0x26d: {  	[sflag:s20] =	ssyncadd.s32 $0xFFFFD800  }
0x26e: {  	[spmem:s2] =	stream.indirect.scatter.add.f32 [tilespmem:s17], [sflag:$0x5], $0x80, s25, s16, $0xb8;
	[tilespmem:$0x1DB00] =	vst v63  }
0x26f: {  	_ =	swait.ge [sflag:s13], $0x2800  }
0x270: {  	[sflag:s13] =	ssyncset.done $0x0  }
0x271: {  	[sflag:s13] =	ssyncadd.s32 $0xFFFFD800  }
0x272: {  	[spmem:s3] =	stream.indirect.scatter.add.f32 [tilespmem:s21], [sflag:$0x4], $0x1, s25, s16, $0xb8;
	[tilespmem:$0x1DB00] =	vst v63  }
0x273: {  	s8 =	rddreg [dreg:$0x1e]  }
0x274: {  	[tilespmem:s17], [sflag:$0x1] =	stream.indirect.gather [hbm4b:s5+s16], $0x80, s8, s16, $0xb8;
	[tilespmem:$0x1DB00] =	vst v63  }
0x275: {  	_ =	swait.ge [sflag:s22], $0x2800  }
0x276: {  	[sflag:s22] =	ssyncset.done $0x0  }
0x277: {  	[sflag:s22] =	ssyncadd.s32 $0xFFFFD800  }
0x278: {  	[spmem:s2] =	stream.indirect.scatter.add.f32 [tilespmem:s18], [sflag:$0x5], $0x80, s26, s16, $0xb8;
	[tilespmem:$0x1DB00] =	vst v63  }
0x279: {  	_ =	swait.ge [sflag:s13], $0x2800  }
0x27a: {  	[sflag:s13] =	ssyncset.done $0x0  }
0x27b: {  	[sflag:s13] =	ssyncadd.s32 $0xFFFFD800  }
0x27c: {  	[spmem:s3] =	stream.indirect.scatter.add.f32 [tilespmem:s21], [sflag:$0x4], $0x1, s26, s16, $0xb8;
	[tilespmem:$0x1DB00] =	vst v63  }
0x27d: {  	_ =	swait.ge [sflag:s24], $0x2800  }
0x27e: {  	[sflag:s24] =	ssyncset.done $0x0  }
0x27f: {  	[sflag:s24] =	ssyncadd.s32 $0xFFFFD800  }
0x280: {  	[spmem:s2] =	stream.indirect.scatter.add.f32 [tilespmem:s19], [sflag:$0x5], $0x80, s28, s16, $0xb8;
	[tilespmem:$0x1DB00] =	vst v63  }
0x281: {  	_ =	swait.ge [sflag:s13], $0x2800  }
0x282: {  	[sflag:s13] =	ssyncset.done $0x0  }
0x283: {  	[sflag:s13] =	ssyncadd.s32 $0xFFFFD800  }
0x284: {  	[spmem:s3] =	stream.indirect.scatter.add.f32 [tilespmem:s21], [sflag:$0x4], $0x1, s28, s16, $0xb8;
	[tilespmem:$0x1DB00] =	vst v63  }
0x285: {  	_ =	swait.ge [sflag:s20], $0x2800  }
0x286: {  	[sflag:s20] =	ssyncset.done $0x0  }
0x287: {  	[sflag:s20] =	ssyncadd.s32 $0xFFFFD800  }
0x288: {  	[spmem:s2] =	stream.indirect.scatter.add.f32 [tilespmem:s17], [sflag:$0x5], $0x80, s29, s16, $0xb8;
	[tilespmem:$0x1DB00] =	vst v63  }
0x289: {  	_ =	swait.ge [sflag:s13], $0x2800  }
0x28a: {  	[sflag:s13] =	ssyncset.done $0x0  }
0x28b: {  	[sflag:s13] =	ssyncadd.s32 $0xFFFFD800  }
0x28c: {  	[spmem:s3] =	stream.indirect.scatter.add.f32 [tilespmem:s21], [sflag:$0x4], $0x1, s29, s16, $0xb8;
	[tilespmem:$0x1DB00] =	vst v63  }
0x28d: {  	_ =	swait.ge [sflag:s1], $0x50  }
0x28e: {  	[sflag:s1] =	ssyncset.done $0x0  }
0x28f: {  	[sflag:s1] =	ssyncadd.s32 $0xFFFFFFB0  }
0x290: {  	_ =	swait.ge [sflag:s1], $0x50  }
0x291: {  	[sflag:s1] =	ssyncset.done $0x0  }
0x292: {  	[sflag:s1] =	ssyncadd.s32 $0xFFFFFFB0  }
0x293: {  	_ =	swait.ge [sflag:s1], $0x50  }
0x294: {  	[sflag:s1] =	ssyncset.done $0x0  }
0x295: {  	[sflag:s1] =	ssyncadd.s32 $0xFFFFFFB0  }
0x296: {  	_ =	swait.ge [sflag:s1], $0x50  }
0x297: {  	[sflag:s1] =	ssyncset.done $0x0  }
0x298: {  	[sflag:s1] =	ssyncadd.s32 $0xFFFFFFB0  }
0x299: {  	_ =	swait.ge [sflag:s1], $0x50  }
0x29a: {  	[sflag:s1] =	ssyncset.done $0x0  }
0x29b: {  	[sflag:s1] =	ssyncadd.s32 $0xFFFFFFB0  }
0x29c: {  	_ =	swait.ge [sflag:s1], $0x50  }
0x29d: {  	[sflag:s1] =	ssyncset.done $0x0  }
0x29e: {  	[sflag:s1] =	ssyncadd.s32 $0xFFFFFFB0  }
0x29f: {  	_ =	swait.ge [sflag:s1], $0x50  }
0x2a0: {  	[sflag:s1] =	ssyncset.done $0x0  }
0x2a1: {  	[sflag:s1] =	ssyncadd.s32 $0xFFFFFFB0  }
0x2a2: {  	_ =	swait.ge [sflag:s1], $0x50  }
0x2a3: {  	[sflag:s1] =	ssyncset.done $0x0  }
0x2a4: {  	[sflag:s1] =	ssyncadd.s32 $0xFFFFFFB0  }
0x2a5: {  	_ =	swait.ge [sflag:s1], $0x50  }
0x2a6: {  	[sflag:s1] =	ssyncset.done $0x0  }
0x2a7: {  	[sflag:s1] =	ssyncadd.s32 $0xFFFFFFB0  }
0x2a8: {  	_ =	swait.ge [sflag:s1], $0x50  }
0x2a9: {  	[sflag:s1] =	ssyncset.done $0x0  }
0x2aa: {  	[sflag:s1] =	ssyncadd.s32 $0xFFFFFFB0  }
0x2ab: {  	_ =	swait.ge [sflag:s1], $0x50  }
0x2ac: {  	[sflag:s1] =	ssyncset.done $0x0  }
0x2ad: {  	[sflag:s1] =	ssyncadd.s32 $0xFFFFFFB0  }
0x2ae: {  	_ =	swait.ge [sflag:s1], $0x50  }
0x2af: {  	[sflag:s1] =	ssyncset.done $0x0  }
0x2b0: {  	[sflag:s1] =	ssyncadd.s32 $0xFFFFFFB0  }
0x2b1: {  	_ =	swait.ge [sflag:s1], $0x50  }
0x2b2: {  	[sflag:s1] =	ssyncset.done $0x0  }
0x2b3: {  	[sflag:s1] =	ssyncadd.s32 $0xFFFFFFB0  }
0x2b4: {  	_ =	swait.ge [sflag:s1], $0x50  }
0x2b5: {  	[sflag:s1] =	ssyncset.done $0x0  }
0x2b6: {  	[sflag:s1] =	ssyncadd.s32 $0xFFFFFFB0  }
0x2b7: {  	_ =	swait.ge [sflag:s1], $0x50  }
0x2b8: {  	[sflag:s1] =	ssyncset.done $0x0  }
0x2b9: {  	[sflag:s1] =	ssyncadd.s32 $0xFFFFFFB0  }
0x2ba: {  	_ =	swait.ge [sflag:s1], $0x50  }
0x2bb: {  	[sflag:s1] =	ssyncset.done $0x0  }
0x2bc: {  	[sflag:s1] =	ssyncadd.s32 $0xFFFFFFB0  }
0x2bd: {  	_ =	swait.ge [sflag:s1], $0x50  }
0x2be: {  	[sflag:s1] =	ssyncset.done $0x0  }
0x2bf: {  	[sflag:s1] =	ssyncadd.s32 $0xFFFFFFB0  }
0x2c0: {  	_ =	swait.ge [sflag:s1], $0x50  }
0x2c1: {  	[sflag:s1] =	ssyncset.done $0x0  }
0x2c2: {  	[sflag:s1] =	ssyncadd.s32 $0xFFFFFFB0  }
0x2c3: {  	_ =	swait.ge [sflag:s1], $0x50  }
0x2c4: {  	[sflag:s1] =	ssyncset.done $0x0  }
0x2c5: {  	[sflag:s1] =	ssyncadd.s32 $0xFFFFFFB0  }
0x2c6: {  	_ =	swait.ge [sflag:s1], $0x50  }
0x2c7: {  	[sflag:s1] =	ssyncset.done $0x0  }
0x2c8: {  	[sflag:s1] =	ssyncadd.s32 $0xFFFFFFB0  }
0x2c9: {  	_ =	swait.ge [sflag:s1], $0x50  }
0x2ca: {  	[sflag:s1] =	ssyncset.done $0x0  }
0x2cb: {  	[sflag:s1] =	ssyncadd.s32 $0xFFFFFFB0  }
0x2cc: {  	_ =	swait.ge [sflag:s1], $0x50  }
0x2cd: {  	[sflag:s1] =	ssyncset.done $0x0  }
0x2ce: {  	[sflag:s1] =	ssyncadd.s32 $0xFFFFFFB0  }
0x2cf: {  	_ =	swait.ge [sflag:s1], $0x50  }
0x2d0: {  	p0 =	sne.s32 s0, $0x800;
	[sflag:s1] =	ssyncset.done $0x0  }
.Ltmp0:
0x2d1: {  	[sflag:s1] =	ssyncadd.s32 $0xFFFFFFB0;
	(pc) =	sbr.rel @p0 .LBB2_2-.Ltmp0, $4  }
0x2d2: {  	_ =	swait.ge [sflag:s1], $0x50  }
0x2d3: {  	[sflag:s1] =	ssyncset.done $0x0  }
0x2d4: {  	[sflag:s1] =	ssyncadd.s32 $0xFFFFFFB0  }
0x2d5: {  	s0 =	sadd.s32 $0x200, s0;
	_ =	swait.ge [sflag:s1], $0x50  }
0x2d6: {  	[sflag:s1] =	ssyncset.done $0x0  }
0x2d7: {  	[sflag:s1] =	ssyncadd.s32 $0xFFFFFFB0  }
0x2d8: {  	[bflag:$0x0] =	sbarrier.arrive $0xFFFF  }
0x2d9: {  	s6 =	sld [smem:$0x7FB]  }
0x2da: {  	s0 =	sld [smem:$0x7F9]  }
0x2db: {  	s10 =	sld [smem:$0x7FC];
	_ =	sdelay $0x2  }
0x2dc: {  	[hbm:s0], [sflag:s6] =	dma.local [spmem:s10], $0x2800  }
0x2dd: {  	_ =	swait.ge [sflag:s13], $0x2800  }
0x2de: {  	s7 =	sld [smem:$0x7FA]  }
0x2df: {  	s8 =	sld [smem:$0x7FD]  }
0x2e0: {  	[sflag:s13] =	ssyncset.done $0x0  }
0x2e1: {  	[sflag:s13] =	ssyncadd.s32 $0xFFFFD800  }
0x2e2: {  	[hbm:s7], [sflag:s6] =	dma.local [spmem:s8], $0x50  }
0x2e3: {  	_ =	swait.ge [sflag:s13], $0x50  }
0x2e4: {  	s7 =	sld [smem:$0x7F6]  }
0x2e5: {  	s0 =	sld [smem:$0x7F8];
	_ =	sdelay $0x1  }
0x2e6: {  	s7 =	sadd.s32 $0x1, s7  }
0x2e7: {  	p0 =	sne.s32 s7, s0  }
.Ltmp1:
0x2e8: {  	_ = 	snop;
	(pc) =	sbr.rel @p0 .LBB2_1-.Ltmp1, $3  }
0x2e9: {  	_ =	sdelay $0x1  }
0x2ea: {  	[sflag:s13] =	ssyncset.done $0x0  }
0x2eb: {  	[sflag:s13] =	ssyncadd.s32 $0xFFFFFFB0  }
0x2ec: {  	_ =	sfence.sel $0x180000  }
0x2ed: {  	[bflag:$0x0] =	sbarrier.arrive $0xFFFF  }
0x2ee: {  	_ =	strace $0x9000004A  }
0x2ef: {  	s0 =	stileid.u32;
	[bflag:$0x2] =	sbarrier.arrive $0xFFFF  }
0x2f0: {  	p0 =	sne.s32 s0, $0x0;
	s0 =	rddreg [dreg:$0x4]  }
0x2f1: {  	s0 =	sadd.s32 @!p0 $0x100000, s0  }
0x2f2: {  	[sflag:s0] =	ssyncadd.tile.s32 @!p0 $0x1;
	_ =	shalt  }
.Lfunc_end2:
_tile_overlayer_lowered:
.L_overlay_start_2:
0x2f3: {  	(tag) =	ssettag $0x2  }
0x2f4: {  	s0 =	rddreg [dreg:$0x0];
	s2 =	stileid.u32  }
0x2f5: {  	s1 =	rddreg [dreg:$0x1];
	p0 =	sne.s32 s2, $0x0  }
0x2f6: {  	s3 =	rddreg [dreg:$0x2];
	[bflag:$0x3] =	sbarrier.arrive $0xFFFF;
	s2 =	simm.s32 @!p0 $0x1C05  }
0x2f7: {  	[timem:s3], [sflag:s2] =	dma.local @!p0 [hbm:s0], s1  }
0x2f8: {  	s0 =	simm.s32 @!p0 $0x5  }
0x2f9: {  	_ =	swait.ge @!p0 [sflag:s0], s1  }
0x2fa: {  	s1 =	ssub.s32 @!p0 $0x0, s1;
	[sflag:s0] =	ssyncset.done @!p0 $0x0  }
0x2fb: {  	[sflag:s0] =	ssyncadd.s32 @!p0 s1  }
0x2fc: {  	[bflag:$0x3] =	sbarrier.arrive $0xFFFF  }
0x2fd: {  	_ =	shalt  }

</sc_bundles>
